<compile_context>
chip_gen: v7x
topology: tpu7x:2x2x1
jax: 0.10.2.dev20260603
libtpu: 0.0.44.dev20260713+nightly
codegen_flags: <defaults>
</compile_context>

<pallas_src>
import functools

import jax
import jax.numpy as jnp
from jax import lax
from jax.experimental import pallas as pl
from jax.experimental.pallas import tpu as pltpu
from jax.experimental.pallas import tpu_sc as plsc

_N = 10000
_E = 320000
_D = 128
_NC = 2
_NS = 16
_NW = _NC * _NS
_CHUNK = 100
_NCHUNK = _E // _NW // _CHUNK
_NPAD = 10240
_RPT = _NPAD // _NS
_ROWBLK = 1000
_GRID = _N // _ROWBLK


def _sc_segsum(u, src3, dst3, zrows):
    mesh = plsc.VectorSubcoreMesh(core_axis_name="c", subcore_axis_name="s")

    @functools.partial(
        pl.kernel,
        mesh=mesh,
        out_type=jax.ShapeDtypeStruct((_NC, _NPAD, _D), jnp.float32),
        scratch_types=[
            pltpu.VMEM((_NCHUNK, _CHUNK), jnp.int32),
            pltpu.VMEM((_CHUNK,), jnp.int32),
            pltpu.VMEM((_CHUNK,), jnp.int32),
            pltpu.VMEM((_CHUNK, _D), jnp.float32),
            pltpu.VMEM((_CHUNK, _D), jnp.float32),
            pltpu.VMEM_SHARED((_NPAD, _D), jnp.float32),
            pltpu.SemaphoreType.DMA,
            pltpu.SemaphoreType.DMA,
            pltpu.SemaphoreType.DMA,
            pltpu.SemaphoreType.DMA,
        ],
    )
    def k(u_hbm, src_hbm, dst_hbm, z_hbm, out_hbm,
          idx_s, dst_a, dst_b, rows_a, rows_b, acc_sh,
          sem_a, sem_b, sem_da, sem_db):
        c = lax.axis_index("c")
        s = lax.axis_index("s")
        wid = s * _NC + c
        pltpu.sync_copy(z_hbm, acc_sh.at[pl.ds(s * _RPT, _RPT)])
        pltpu.sync_copy(src_hbm.at[wid], idx_s)
        plsc.subcore_barrier()

        pltpu.async_copy(dst_hbm.at[wid, 0], dst_a, sem_da)
        pltpu.async_copy(u_hbm.at[idx_s.at[0]], rows_a, sem_a)

        def body(i, carry):
            g = 2 * i
            pltpu.async_copy(dst_hbm.at[wid, g + 1], dst_b, sem_db)
            pltpu.async_copy(u_hbm.at[idx_s.at[g + 1]], rows_b, sem_b)
            pltpu.make_async_copy(u_hbm.at[idx_s.at[g]], rows_a, sem_a).wait()
            pltpu.make_async_copy(dst_hbm.at[wid, g], dst_a, sem_da).wait()
            pltpu.sync_copy(rows_a, acc_sh.at[dst_a], add=True)

            @pl.when(i + 1 < _NCHUNK // 2)
            def _():
                pltpu.async_copy(dst_hbm.at[wid, g + 2], dst_a, sem_da)
                pltpu.async_copy(u_hbm.at[idx_s.at[g + 2]], rows_a, sem_a)

            pltpu.make_async_copy(u_hbm.at[idx_s.at[g + 1]], rows_b, sem_b).wait()
            pltpu.make_async_copy(dst_hbm.at[wid, g + 1], dst_b, sem_db).wait()
            pltpu.sync_copy(rows_b, acc_sh.at[dst_b], add=True)
            return carry

        lax.fori_loop(0, _NCHUNK // 2, body, 0)
        plsc.subcore_barrier()
        pltpu.sync_copy(
            acc_sh.at[pl.ds(s * _RPT, _RPT)],
            out_hbm.at[c, pl.ds(s * _RPT, _RPT)],
        )

    return k(u, src3, dst3, zrows)


def _sc_deg(ones, dst3, zrows):
    mesh = plsc.VectorSubcoreMesh(core_axis_name="c", subcore_axis_name="s")

    @functools.partial(
        pl.kernel,
        mesh=mesh,
        out_type=jax.ShapeDtypeStruct((_NC, _NPAD, _D), jnp.float32),
        scratch_types=[
            pltpu.VMEM((_NCHUNK, _CHUNK), jnp.int32),
            pltpu.VMEM((_CHUNK, _D), jnp.float32),
            pltpu.VMEM_SHARED((_NPAD, _D), jnp.float32),
        ],
    )
    def k(u_hbm, dst_hbm, z_hbm, out_hbm, idx_d, rows_a, acc_sh):
        c = lax.axis_index("c")
        s = lax.axis_index("s")
        wid = s * _NC + c
        pltpu.sync_copy(z_hbm, acc_sh.at[pl.ds(s * _RPT, _RPT)])
        pltpu.sync_copy(dst_hbm.at[wid], idx_d)
        pltpu.sync_copy(u_hbm, rows_a)
        plsc.subcore_barrier()

        def body(j, carry):
            pltpu.sync_copy(rows_a, acc_sh.at[idx_d.at[j]], add=True)
            return carry

        lax.fori_loop(0, _NCHUNK, body, 0)
        plsc.subcore_barrier()
        pltpu.sync_copy(
            acc_sh.at[pl.ds(s * _RPT, _RPT)],
            out_hbm.at[c, pl.ds(s * _RPT, _RPT)],
        )

    return k(ones, dst3, zrows)


def _dot(a, b):
    return jnp.dot(a, b, preferred_element_type=jnp.float32,
                   precision=lax.Precision.HIGHEST)


def _tc_mm(x, w):
    def body(x_ref, w_ref, o_ref):
        o_ref[...] = _dot(x_ref[...], w_ref[...])

    return pl.pallas_call(
        body,
        grid=(_GRID,),
        in_specs=[
            pl.BlockSpec((_ROWBLK, _D), lambda i: (i, 0)),
            pl.BlockSpec((_D, 2 * _D), lambda i: (0, 0)),
        ],
        out_specs=pl.BlockSpec((_ROWBLK, 2 * _D), lambda i: (i, 0)),
        out_shape=jax.ShapeDtypeStruct((_N, 2 * _D), jnp.float32),
    )(x, w)


def _tc_recip(d0, d1):
    def body(d0_ref, d1_ref, o_ref):
        o_ref[...] = 1.0 / jnp.maximum(d0_ref[...] + d1_ref[...], 1.0)

    blk = lambda: pl.BlockSpec((_ROWBLK, _D), lambda i: (i, 0))
    return pl.pallas_call(
        body,
        grid=(_GRID,),
        in_specs=[blk(), blk()],
        out_specs=blk(),
        out_shape=jax.ShapeDtypeStruct((_N, _D), jnp.float32),
    )(d0, d1)


def _tc_fuse(a0, a1, r, v, b, w):

    def body(a0_ref, a1_ref, r_ref, v_ref, b_ref, w_ref, o_ref):
        h = jnp.maximum(
            (a0_ref[...] + a1_ref[...]) * r_ref[...] + b_ref[...] + v_ref[...],
            0.0,
        )
        o_ref[...] = _dot(h, w_ref[...])

    blk = lambda: pl.BlockSpec((_ROWBLK, _D), lambda i: (i, 0))
    return pl.pallas_call(
        body,
        grid=(_GRID,),
        in_specs=[
            blk(), blk(), blk(), blk(),
            pl.BlockSpec((1, _D), lambda i: (0, 0)),
            pl.BlockSpec((_D, 2 * _D), lambda i: (0, 0)),
        ],
        out_specs=pl.BlockSpec((_ROWBLK, 2 * _D), lambda i: (i, 0)),
        out_shape=jax.ShapeDtypeStruct((_N, 2 * _D), jnp.float32),
    )(a0, a1, r, v, b, w)


def _tc_final(a0, a1, r, v, b):
    def body(a0_ref, a1_ref, r_ref, v_ref, b_ref, o_ref):
        o_ref[...] = (
            (a0_ref[...] + a1_ref[...]) * r_ref[...] + b_ref[...] + v_ref[...]
        )

    blk = lambda: pl.BlockSpec((_ROWBLK, _D), lambda i: (i, 0))
    return pl.pallas_call(
        body,
        grid=(_GRID,),
        in_specs=[blk(), blk(), blk(), blk(),
                  pl.BlockSpec((1, _D), lambda i: (0, 0))],
        out_specs=blk(),
        out_shape=jax.ShapeDtypeStruct((_N, _D), jnp.float32),
    )(a0, a1, r, v, b)


def kernel(x, edge_index, Wl1, bl1, Wr1, Wl2, bl2, Wr2, Wl3, bl3, Wr3,
           Wl4, bl4, Wr4):
    src3 = edge_index[0].astype(jnp.int32).reshape(_NW, _NCHUNK, _CHUNK)
    dst3 = edge_index[1].astype(jnp.int32).reshape(_NW, _NCHUNK, _CHUNK)
    zrows = jnp.zeros((_RPT, _D), jnp.float32)
    ones = jnp.ones((_CHUNK, _D), jnp.float32)

    degp = _sc_deg(ones, dst3, zrows)
    r = _tc_recip(degp[0, :_N], degp[1, :_N])

    w1 = jnp.concatenate([Wl1.T, Wr1.T], axis=1)
    w2 = jnp.concatenate([Wl2.T, Wr2.T], axis=1)
    w3 = jnp.concatenate([Wl3.T, Wr3.T], axis=1)
    w4 = jnp.concatenate([Wl4.T, Wr4.T], axis=1)
    b1 = bl1.reshape(1, _D)
    b2 = bl2.reshape(1, _D)
    b3 = bl3.reshape(1, _D)
    b4 = bl4.reshape(1, _D)

    t = _tc_mm(x, w1)
    p = _sc_segsum(t[:, :_D], src3, dst3, zrows)
    t = _tc_fuse(p[0, :_N], p[1, :_N], r, t[:, _D:], b1, w2)
    p = _sc_segsum(t[:, :_D], src3, dst3, zrows)
    t = _tc_fuse(p[0, :_N], p[1, :_N], r, t[:, _D:], b2, w3)
    p = _sc_segsum(t[:, :_D], src3, dst3, zrows)
    t = _tc_fuse(p[0, :_N], p[1, :_N], r, t[:, _D:], b3, w4)
    p = _sc_segsum(t[:, :_D], src3, dst3, zrows)
    return _tc_final(p[0, :_N], p[1, :_N], r, t[:, _D:], b4)

# --- scband reference (transcript-rebuilt; emitter-appended) ---
"""Pipeline reference for scband-gnn-48266842472623 (READ-ONLY COPY).

The authoritative reference and input builder live on the scoring server;
editing this copy changes nothing except your own understanding.
"""

import jax, jax.numpy as jnp
import numpy as np

N = 10000
E = 320000
D = 128


def setup_inputs(seed: int = 0) -> dict:
    key = jax.random.key(seed)
    ks = jax.random.split(key, 16)
    inp = {}
    inp["x"] = jax.random.normal(ks[0], (N, D), dtype=jnp.float32)
    inp["edge_index"] = jax.random.randint(ks[1], (2, E), 0, N)
    scale = 1.0 / np.sqrt(D)
    for i in range(1, 5):
        inp[f"Wl{i}"] = jax.random.normal(ks[2 * i], (D, D), dtype=jnp.float32) * scale
        inp[f"bl{i}"] = jnp.zeros((D,), dtype=jnp.float32)
        inp[f"Wr{i}"] = jax.random.normal(ks[2 * i + 1], (D, D), dtype=jnp.float32) * scale
    return inp


def _sage(x, Wl, bl, Wr, src, dst):
    # PyG SAGEConv with mean aggregation:
    # out = lin_l(mean_{j in N(i)} x_j) + lin_r(x_i)
    msgs = x[src]
    agg = jax.ops.segment_sum(msgs, dst, num_segments=N)
    deg = jax.ops.segment_sum(jnp.ones((src.shape[0],), x.dtype), dst, num_segments=N)
    agg = agg / jnp.maximum(deg, 1.0)[:, None]
    return agg @ Wl.T + bl + x @ Wr.T


def reference(x, edge_index, Wl1, bl1, Wr1, Wl2, bl2, Wr2, Wl3, bl3, Wr3, Wl4, bl4, Wr4):
    src, dst = edge_index[0], edge_index[1]
    h = jax.nn.relu(_sage(x, Wl1, bl1, Wr1, src, dst))
    h = jax.nn.relu(_sage(h, Wl2, bl2, Wr2, src, dst))
    h = jax.nn.relu(_sage(h, Wl3, bl3, Wr3, src, dst))
    h = _sage(h, Wl4, bl4, Wr4, src, dst)
    return h

if __name__ == "__main__":
    import jax
    _d = setup_inputs()
    print(jax.jit(kernel)(*tuple(_d.values())))

</pallas_src>

<mosaic_0001>
#map = affine_map<(d0, d1) -> (0, 0)>
#map1 = affine_map<(d0, d1) -> (0, 0, 0)>
module attributes {stable_mosaic.version = 14 : i64} {
  func.func @k(%arg0: i32, %arg1: i32, %arg2: memref<10000x128xf32, #tpu.memory_space<hbm>>, %arg3: memref<32x100x100xi32, #tpu.memory_space<hbm>>, %arg4: memref<32x100x100xi32, #tpu.memory_space<hbm>>, %arg5: memref<640x128xf32, #tpu.memory_space<hbm>>, %arg6: memref<2x10240x128xf32, #tpu.memory_space<hbm>>, %arg7: memref<100x100xi32, #tpu.memory_space<vmem>>, %arg8: memref<100xi32, #tpu.memory_space<vmem>>, %arg9: memref<100xi32, #tpu.memory_space<vmem>>, %arg10: memref<100x128xf32, #tpu.memory_space<vmem>>, %arg11: memref<100x128xf32, #tpu.memory_space<vmem>>, %arg12: memref<10240x128xf32, #tpu.memory_space<vmem_shared>>, %arg13: memref<!tpu.dma_semaphore, #tpu.memory_space<semaphore_mem>>, %arg14: memref<!tpu.dma_semaphore, #tpu.memory_space<semaphore_mem>>, %arg15: memref<!tpu.dma_semaphore, #tpu.memory_space<semaphore_mem>>, %arg16: memref<!tpu.dma_semaphore, #tpu.memory_space<semaphore_mem>>) attributes {dimension_semantics = [#tpu.dimension_semantics<core_parallel>, #tpu.dimension_semantics<subcore_parallel>], iteration_bounds = array<i64: 2, 16>, scalar_prefetch = 0 : i64, scratch_operands = 10 : i64, tpu.core_type = #tpu.core_type<sc_vector_subcore>, window_params = [{transform_indices = #map}, {transform_indices = #map1}, {transform_indices = #map1}, {transform_indices = #map}, {transform_indices = #map1}]} {
    %mul3A = arith.constant 2 : i32
    %mul3A_0 = arith.muli %arg1, %mul3A : i32
    %add3A = arith.addi %mul3A_0, %arg0 : i32
    %mul3A_1 = arith.constant 640 : i32
    %mul3A_2 = arith.muli %arg1, %mul3A_1 : i32
    "tpu.region"() ({
      %run_scoped3A = tpu.sem_alloc : memref<!tpu.dma_semaphore, #tpu.memory_space<semaphore_mem>>
      %dma_start3A_26 = arith.constant 0 : i32
      %dma_start3A_27 = tpu.memref_slice %arg12[%mul3A_2, %dma_start3A_26] : memref<10240x128xf32, #tpu.memory_space<vmem_shared>> -> memref<640x128xf32, #tpu.memory_space<vmem_shared>>
      tpu.enqueue_dma source(%arg5 : memref<640x128xf32, #tpu.memory_space<hbm>>) target(%dma_start3A_27 : memref<640x128xf32, #tpu.memory_space<vmem_shared>>) target_semaphore(%run_scoped3A : memref<!tpu.dma_semaphore, #tpu.memory_space<semaphore_mem>>)
      %dma_wait3A = arith.constant 0 : i32
      %dma_wait3A_28 = tpu.memref_slice %arg12[%mul3A_2, %dma_wait3A] : memref<10240x128xf32, #tpu.memory_space<vmem_shared>> -> memref<640x128xf32, #tpu.memory_space<vmem_shared>>
      tpu.wait_dma2 semaphore(%run_scoped3A : memref<!tpu.dma_semaphore, #tpu.memory_space<semaphore_mem>>) src(%arg5 : memref<640x128xf32, #tpu.memory_space<hbm>>) dst(%dma_wait3A_28 : memref<640x128xf32, #tpu.memory_space<vmem_shared>>)
      tpu.yield
    }) : () -> ()
    "tpu.region"() ({
      %run_scoped3A = tpu.sem_alloc : memref<!tpu.dma_semaphore, #tpu.memory_space<semaphore_mem>>
      %dma_start3A_26 = arith.constant 0 : i32
      %dma_start3A_27 = arith.constant 0 : i32
      %dma_start3A_28 = tpu.memref_slice %arg3[%add3A, %dma_start3A_26, %dma_start3A_27] : memref<32x100x100xi32, #tpu.memory_space<hbm>> -> memref<1x100x100xi32, #tpu.memory_space<hbm>>
      %dma_start3A_29 = tpu.memref_squeeze %dma_start3A_28 : memref<1x100x100xi32, #tpu.memory_space<hbm>> -> memref<100x100xi32, #tpu.memory_space<hbm>>
      %dma_start3A_30 = arith.constant 0 : i32
      %dma_start3A_31 = arith.constant 0 : i32
      %dma_start3A_32 = tpu.memref_slice %arg3[%add3A, %dma_start3A_30, %dma_start3A_31] : memref<32x100x100xi32, #tpu.memory_space<hbm>> -> memref<1x100x100xi32, #tpu.memory_space<hbm>>
      %dma_start3A_33 = tpu.memref_squeeze %dma_start3A_32 : memref<1x100x100xi32, #tpu.memory_space<hbm>> -> memref<100x100xi32, #tpu.memory_space<hbm>>
      tpu.enqueue_dma source(%dma_start3A_33 : memref<100x100xi32, #tpu.memory_space<hbm>>) target(%arg7 : memref<100x100xi32, #tpu.memory_space<vmem>>) target_semaphore(%run_scoped3A : memref<!tpu.dma_semaphore, #tpu.memory_space<semaphore_mem>>)
      %dma_wait3A = arith.constant 0 : i32
      %dma_wait3A_34 = arith.constant 0 : i32
      %dma_wait3A_35 = tpu.memref_slice %arg3[%add3A, %dma_wait3A, %dma_wait3A_34] : memref<32x100x100xi32, #tpu.memory_space<hbm>> -> memref<1x100x100xi32, #tpu.memory_space<hbm>>
      %dma_wait3A_36 = tpu.memref_squeeze %dma_wait3A_35 : memref<1x100x100xi32, #tpu.memory_space<hbm>> -> memref<100x100xi32, #tpu.memory_space<hbm>>
      %dma_wait3A_37 = arith.constant 0 : i32
      %dma_wait3A_38 = arith.constant 0 : i32
      %dma_wait3A_39 = tpu.memref_slice %arg3[%add3A, %dma_wait3A_37, %dma_wait3A_38] : memref<32x100x100xi32, #tpu.memory_space<hbm>> -> memref<1x100x100xi32, #tpu.memory_space<hbm>>
      %dma_wait3A_40 = tpu.memref_squeeze %dma_wait3A_39 : memref<1x100x100xi32, #tpu.memory_space<hbm>> -> memref<100x100xi32, #tpu.memory_space<hbm>>
      tpu.wait_dma2 semaphore(%run_scoped3A : memref<!tpu.dma_semaphore, #tpu.memory_space<semaphore_mem>>) src(%dma_wait3A_40 : memref<100x100xi32, #tpu.memory_space<hbm>>) dst(%arg7 : memref<100x100xi32, #tpu.memory_space<vmem>>)
      tpu.yield
    }) : () -> ()
    %barrier3A = arith.constant 0 : index
    tpu.barrier barrier_id(%barrier3A)
    %dma_start3A = arith.constant 0 : i32
    %dma_start3A_3 = arith.constant 0 : i32
    %dma_start3A_4 = tpu.memref_slice %arg4[%add3A, %dma_start3A, %dma_start3A_3] : memref<32x100x100xi32, #tpu.memory_space<hbm>> -> memref<1x1x100xi32, #tpu.memory_space<hbm>>
    %dma_start3A_5 = tpu.memref_squeeze %dma_start3A_4 : memref<1x1x100xi32, #tpu.memory_space<hbm>> -> memref<100xi32, #tpu.memory_space<hbm>>
    %dma_start3A_6 = arith.constant 0 : i32
    %dma_start3A_7 = tpu.memref_slice %arg4[%add3A, %dma_start3A, %dma_start3A_6] : memref<32x100x100xi32, #tpu.memory_space<hbm>> -> memref<1x1x100xi32, #tpu.memory_space<hbm>>
    %dma_start3A_8 = tpu.memref_squeeze %dma_start3A_7 : memref<1x1x100xi32, #tpu.memory_space<hbm>> -> memref<100xi32, #tpu.memory_space<hbm>>
    tpu.enqueue_dma source(%dma_start3A_8 : memref<100xi32, #tpu.memory_space<hbm>>) target(%arg8 : memref<100xi32, #tpu.memory_space<vmem>>) target_semaphore(%arg15 : memref<!tpu.dma_semaphore, #tpu.memory_space<semaphore_mem>>)
    %dma_start3A_9 = arith.constant 0 : i32
    %dma_start3A_10 = arith.constant 0 : i32
    %dma_start3A_11 = tpu.memref_slice %arg7[%dma_start3A_9, %dma_start3A_10] : memref<100x100xi32, #tpu.memory_space<vmem>> -> memref<1x100xi32, #tpu.memory_space<vmem>>
    %dma_start3A_12 = tpu.memref_squeeze %dma_start3A_11 : memref<1x100xi32, #tpu.memory_space<vmem>> -> memref<100xi32, #tpu.memory_space<vmem>>
    %dma_start3A_13 = arith.constant 0 : i32
    %dma_start3A_14 = arith.constant 0 : i32
    %dma_start3A_15 = tpu.memref_slice %arg2[%dma_start3A_13, %dma_start3A_14] : memref<10000x128xf32, #tpu.memory_space<hbm>> -> memref<10000x128xf32, #tpu.memory_space<hbm>>
    tpu.enqueue_indirect_dma source(%dma_start3A_15 : memref<10000x128xf32, #tpu.memory_space<hbm>>) target(%arg10 : memref<100x128xf32, #tpu.memory_space<vmem>>) offsets(%dma_start3A_12 : memref<100xi32, #tpu.memory_space<vmem>>) semaphore(%arg13 : memref<!tpu.dma_semaphore, #tpu.memory_space<semaphore_mem>>)
    %scan3A = arith.constant 0 : i32
    %scan3A_16 = arith.constant 0 : i32
    %scan3A_17 = arith.constant 50 : i32
    %scan3A_18 = arith.addi %scan3A_16, %scan3A_17 : i32
    %scan3A_19 = arith.constant 1 : i32
    scf.for %scan3A_26 = %scan3A_16 to %scan3A_18 step %scan3A_19  : i32 {
      %mul3A_27 = arith.constant 2 : i32
      %mul3A_28 = arith.muli %mul3A_27, %scan3A_26 : i32
      %add3A_29 = arith.constant 1 : i32
      %add3A_30 = arith.addi %mul3A_28, %add3A_29 : i32
      %dma_start3A_31 = arith.constant 0 : i32
      %dma_start3A_32 = tpu.memref_slice %arg4[%add3A, %add3A_30, %dma_start3A_31] : memref<32x100x100xi32, #tpu.memory_space<hbm>> -> memref<1x1x100xi32, #tpu.memory_space<hbm>>
      %dma_start3A_33 = tpu.memref_squeeze %dma_start3A_32 : memref<1x1x100xi32, #tpu.memory_space<hbm>> -> memref<100xi32, #tpu.memory_space<hbm>>
      %dma_start3A_34 = arith.constant 0 : i32
      %dma_start3A_35 = tpu.memref_slice %arg4[%add3A, %add3A_30, %dma_start3A_34] : memref<32x100x100xi32, #tpu.memory_space<hbm>> -> memref<1x1x100xi32, #tpu.memory_space<hbm>>
      %dma_start3A_36 = tpu.memref_squeeze %dma_start3A_35 : memref<1x1x100xi32, #tpu.memory_space<hbm>> -> memref<100xi32, #tpu.memory_space<hbm>>
      tpu.enqueue_dma source(%dma_start3A_36 : memref<100xi32, #tpu.memory_space<hbm>>) target(%arg9 : memref<100xi32, #tpu.memory_space<vmem>>) target_semaphore(%arg16 : memref<!tpu.dma_semaphore, #tpu.memory_space<semaphore_mem>>)
      %add3A_37 = arith.constant 1 : i32
      %add3A_38 = arith.addi %mul3A_28, %add3A_37 : i32
      %dma_start3A_39 = arith.constant 0 : i32
      %dma_start3A_40 = tpu.memref_slice %arg7[%add3A_38, %dma_start3A_39] : memref<100x100xi32, #tpu.memory_space<vmem>> -> memref<1x100xi32, #tpu.memory_space<vmem>>
      %dma_start3A_41 = tpu.memref_squeeze %dma_start3A_40 : memref<1x100xi32, #tpu.memory_space<vmem>> -> memref<100xi32, #tpu.memory_space<vmem>>
      %dma_start3A_42 = arith.constant 0 : i32
      %dma_start3A_43 = arith.constant 0 : i32
      %dma_start3A_44 = tpu.memref_slice %arg2[%dma_start3A_42, %dma_start3A_43] : memref<10000x128xf32, #tpu.memory_space<hbm>> -> memref<10000x128xf32, #tpu.memory_space<hbm>>
      tpu.enqueue_indirect_dma source(%dma_start3A_44 : memref<10000x128xf32, #tpu.memory_space<hbm>>) target(%arg11 : memref<100x128xf32, #tpu.memory_space<vmem>>) offsets(%dma_start3A_41 : memref<100xi32, #tpu.memory_space<vmem>>) semaphore(%arg14 : memref<!tpu.dma_semaphore, #tpu.memory_space<semaphore_mem>>)
      %dma_wait3A = arith.constant 0 : i32
      %dma_wait3A_45 = tpu.memref_slice %arg7[%mul3A_28, %dma_wait3A] : memref<100x100xi32, #tpu.memory_space<vmem>> -> memref<1x100xi32, #tpu.memory_space<vmem>>
      %dma_wait3A_46 = tpu.memref_squeeze %dma_wait3A_45 : memref<1x100xi32, #tpu.memory_space<vmem>> -> memref<100xi32, #tpu.memory_space<vmem>>
      %dma_wait3A_47 = arith.constant 0 : i32
      %dma_wait3A_48 = arith.constant 0 : i32
      %dma_wait3A_49 = tpu.memref_slice %arg2[%dma_wait3A_47, %dma_wait3A_48] : memref<10000x128xf32, #tpu.memory_space<hbm>> -> memref<10000x128xf32, #tpu.memory_space<hbm>>
      tpu.wait_indirect_dma semaphore(%arg13 : memref<!tpu.dma_semaphore, #tpu.memory_space<semaphore_mem>>) src(%dma_wait3A_49 : memref<10000x128xf32, #tpu.memory_space<hbm>>) dst(%arg10 : memref<100x128xf32, #tpu.memory_space<vmem>>)
      %dma_wait3A_50 = arith.constant 0 : i32
      %dma_wait3A_51 = tpu.memref_slice %arg4[%add3A, %mul3A_28, %dma_wait3A_50] : memref<32x100x100xi32, #tpu.memory_space<hbm>> -> memref<1x1x100xi32, #tpu.memory_space<hbm>>
      %dma_wait3A_52 = tpu.memref_squeeze %dma_wait3A_51 : memref<1x1x100xi32, #tpu.memory_space<hbm>> -> memref<100xi32, #tpu.memory_space<hbm>>
      %dma_wait3A_53 = arith.constant 0 : i32
      %dma_wait3A_54 = tpu.memref_slice %arg4[%add3A, %mul3A_28, %dma_wait3A_53] : memref<32x100x100xi32, #tpu.memory_space<hbm>> -> memref<1x1x100xi32, #tpu.memory_space<hbm>>
      %dma_wait3A_55 = tpu.memref_squeeze %dma_wait3A_54 : memref<1x1x100xi32, #tpu.memory_space<hbm>> -> memref<100xi32, #tpu.memory_space<hbm>>
      tpu.wait_dma2 semaphore(%arg15 : memref<!tpu.dma_semaphore, #tpu.memory_space<semaphore_mem>>) src(%dma_wait3A_55 : memref<100xi32, #tpu.memory_space<hbm>>) dst(%arg8 : memref<100xi32, #tpu.memory_space<vmem>>)
      "tpu.region"() ({
        %run_scoped3A = tpu.sem_alloc : memref<!tpu.dma_semaphore, #tpu.memory_space<semaphore_mem>>
        %dma_start3A_76 = arith.constant 0 : i32
        %dma_start3A_77 = arith.constant 0 : i32
        %dma_start3A_78 = tpu.memref_slice %arg12[%dma_start3A_76, %dma_start3A_77] : memref<10240x128xf32, #tpu.memory_space<vmem_shared>> -> memref<10240x128xf32, #tpu.memory_space<vmem_shared>>
        tpu.enqueue_indirect_dma source(%arg10 : memref<100x128xf32, #tpu.memory_space<vmem>>) target(%dma_start3A_78 : memref<10240x128xf32, #tpu.memory_space<vmem_shared>>) offsets(%arg8 : memref<100xi32, #tpu.memory_space<vmem>>) semaphore(%run_scoped3A : memref<!tpu.dma_semaphore, #tpu.memory_space<semaphore_mem>>) {add = true}
        %dma_wait3A_79 = arith.constant 0 : i32
        %dma_wait3A_80 = arith.constant 0 : i32
        %dma_wait3A_81 = tpu.memref_slice %arg12[%dma_wait3A_79, %dma_wait3A_80] : memref<10240x128xf32, #tpu.memory_space<vmem_shared>> -> memref<10240x128xf32, #tpu.memory_space<vmem_shared>>
        tpu.wait_indirect_dma semaphore(%run_scoped3A : memref<!tpu.dma_semaphore, #tpu.memory_space<semaphore_mem>>) src(%arg10 : memref<100x128xf32, #tpu.memory_space<vmem>>) dst(%dma_wait3A_81 : memref<10240x128xf32, #tpu.memory_space<vmem_shared>>)
        tpu.yield
      }) : () -> ()
      %add3A_56 = arith.constant 1 : i32
      %add3A_57 = arith.addi %scan3A_26, %add3A_56 : i32
      %lt3A = arith.constant 50 : i32
      %lt3A_58 = arith.cmpi slt, %add3A_57, %lt3A : i32
      %convert_element_type3A = arith.extui %lt3A_58 : i1 to i32
      %cond3A = arith.constant 0 : i32
      %cond3A_59 = arith.cmpi ne, %convert_element_type3A, %cond3A : i32
      scf.if %cond3A_59 {
        %add3A_76 = arith.constant 2 : i32
        %add3A_77 = arith.addi %mul3A_28, %add3A_76 : i32
        %dma_start3A_78 = arith.constant 0 : i32
        %dma_start3A_79 = tpu.memref_slice %arg4[%add3A, %add3A_77, %dma_start3A_78] : memref<32x100x100xi32, #tpu.memory_space<hbm>> -> memref<1x1x100xi32, #tpu.memory_space<hbm>>
        %dma_start3A_80 = tpu.memref_squeeze %dma_start3A_79 : memref<1x1x100xi32, #tpu.memory_space<hbm>> -> memref<100xi32, #tpu.memory_space<hbm>>
        %dma_start3A_81 = arith.constant 0 : i32
        %dma_start3A_82 = tpu.memref_slice %arg4[%add3A, %add3A_77, %dma_start3A_81] : memref<32x100x100xi32, #tpu.memory_space<hbm>> -> memref<1x1x100xi32, #tpu.memory_space<hbm>>
        %dma_start3A_83 = tpu.memref_squeeze %dma_start3A_82 : memref<1x1x100xi32, #tpu.memory_space<hbm>> -> memref<100xi32, #tpu.memory_space<hbm>>
        tpu.enqueue_dma source(%dma_start3A_83 : memref<100xi32, #tpu.memory_space<hbm>>) target(%arg8 : memref<100xi32, #tpu.memory_space<vmem>>) target_semaphore(%arg15 : memref<!tpu.dma_semaphore, #tpu.memory_space<semaphore_mem>>)
        %add3A_84 = arith.constant 2 : i32
        %add3A_85 = arith.addi %mul3A_28, %add3A_84 : i32
        %dma_start3A_86 = arith.constant 0 : i32
        %dma_start3A_87 = tpu.memref_slice %arg7[%add3A_85, %dma_start3A_86] : memref<100x100xi32, #tpu.memory_space<vmem>> -> memref<1x100xi32, #tpu.memory_space<vmem>>
        %dma_start3A_88 = tpu.memref_squeeze %dma_start3A_87 : memref<1x100xi32, #tpu.memory_space<vmem>> -> memref<100xi32, #tpu.memory_space<vmem>>
        %dma_start3A_89 = arith.constant 0 : i32
        %dma_start3A_90 = arith.constant 0 : i32
        %dma_start3A_91 = tpu.memref_slice %arg2[%dma_start3A_89, %dma_start3A_90] : memref<10000x128xf32, #tpu.memory_space<hbm>> -> memref<10000x128xf32, #tpu.memory_space<hbm>>
        tpu.enqueue_indirect_dma source(%dma_start3A_91 : memref<10000x128xf32, #tpu.memory_space<hbm>>) target(%arg10 : memref<100x128xf32, #tpu.memory_space<vmem>>) offsets(%dma_start3A_88 : memref<100xi32, #tpu.memory_space<vmem>>) semaphore(%arg13 : memref<!tpu.dma_semaphore, #tpu.memory_space<semaphore_mem>>)
      } else {
      }
      %add3A_60 = arith.constant 1 : i32
      %add3A_61 = arith.addi %mul3A_28, %add3A_60 : i32
      %dma_wait3A_62 = arith.constant 0 : i32
      %dma_wait3A_63 = tpu.memref_slice %arg7[%add3A_61, %dma_wait3A_62] : memref<100x100xi32, #tpu.memory_space<vmem>> -> memref<1x100xi32, #tpu.memory_space<vmem>>
      %dma_wait3A_64 = tpu.memref_squeeze %dma_wait3A_63 : memref<1x100xi32, #tpu.memory_space<vmem>> -> memref<100xi32, #tpu.memory_space<vmem>>
      %dma_wait3A_65 = arith.constant 0 : i32
      %dma_wait3A_66 = arith.constant 0 : i32
      %dma_wait3A_67 = tpu.memref_slice %arg2[%dma_wait3A_65, %dma_wait3A_66] : memref<10000x128xf32, #tpu.memory_space<hbm>> -> memref<10000x128xf32, #tpu.memory_space<hbm>>
      tpu.wait_indirect_dma semaphore(%arg14 : memref<!tpu.dma_semaphore, #tpu.memory_space<semaphore_mem>>) src(%dma_wait3A_67 : memref<10000x128xf32, #tpu.memory_space<hbm>>) dst(%arg11 : memref<100x128xf32, #tpu.memory_space<vmem>>)
      %add3A_68 = arith.constant 1 : i32
      %add3A_69 = arith.addi %mul3A_28, %add3A_68 : i32
      %dma_wait3A_70 = arith.constant 0 : i32
      %dma_wait3A_71 = tpu.memref_slice %arg4[%add3A, %add3A_69, %dma_wait3A_70] : memref<32x100x100xi32, #tpu.memory_space<hbm>> -> memref<1x1x100xi32, #tpu.memory_space<hbm>>
      %dma_wait3A_72 = tpu.memref_squeeze %dma_wait3A_71 : memref<1x1x100xi32, #tpu.memory_space<hbm>> -> memref<100xi32, #tpu.memory_space<hbm>>
      %dma_wait3A_73 = arith.constant 0 : i32
      %dma_wait3A_74 = tpu.memref_slice %arg4[%add3A, %add3A_69, %dma_wait3A_73] : memref<32x100x100xi32, #tpu.memory_space<hbm>> -> memref<1x1x100xi32, #tpu.memory_space<hbm>>
      %dma_wait3A_75 = tpu.memref_squeeze %dma_wait3A_74 : memref<1x1x100xi32, #tpu.memory_space<hbm>> -> memref<100xi32, #tpu.memory_space<hbm>>
      tpu.wait_dma2 semaphore(%arg16 : memref<!tpu.dma_semaphore, #tpu.memory_space<semaphore_mem>>) src(%dma_wait3A_75 : memref<100xi32, #tpu.memory_space<hbm>>) dst(%arg9 : memref<100xi32, #tpu.memory_space<vmem>>)
      "tpu.region"() ({
        %run_scoped3A = tpu.sem_alloc : memref<!tpu.dma_semaphore, #tpu.memory_space<semaphore_mem>>
        %dma_start3A_76 = arith.constant 0 : i32
        %dma_start3A_77 = arith.constant 0 : i32
        %dma_start3A_78 = tpu.memref_slice %arg12[%dma_start3A_76, %dma_start3A_77] : memref<10240x128xf32, #tpu.memory_space<vmem_shared>> -> memref<10240x128xf32, #tpu.memory_space<vmem_shared>>
        tpu.enqueue_indirect_dma source(%arg11 : memref<100x128xf32, #tpu.memory_space<vmem>>) target(%dma_start3A_78 : memref<10240x128xf32, #tpu.memory_space<vmem_shared>>) offsets(%arg9 : memref<100xi32, #tpu.memory_space<vmem>>) semaphore(%run_scoped3A : memref<!tpu.dma_semaphore, #tpu.memory_space<semaphore_mem>>) {add = true}
        %dma_wait3A_79 = arith.constant 0 : i32
        %dma_wait3A_80 = arith.constant 0 : i32
        %dma_wait3A_81 = tpu.memref_slice %arg12[%dma_wait3A_79, %dma_wait3A_80] : memref<10240x128xf32, #tpu.memory_space<vmem_shared>> -> memref<10240x128xf32, #tpu.memory_space<vmem_shared>>
        tpu.wait_indirect_dma semaphore(%run_scoped3A : memref<!tpu.dma_semaphore, #tpu.memory_space<semaphore_mem>>) src(%arg11 : memref<100x128xf32, #tpu.memory_space<vmem>>) dst(%dma_wait3A_81 : memref<10240x128xf32, #tpu.memory_space<vmem_shared>>)
        tpu.yield
      }) : () -> ()
    }
    %scan3A_20 = arith.constant 50 : i32
    %barrier3A_21 = arith.constant 0 : index
    tpu.barrier barrier_id(%barrier3A_21)
    %mul3A_22 = arith.constant 640 : i32
    %mul3A_23 = arith.muli %arg1, %mul3A_22 : i32
    %mul3A_24 = arith.constant 640 : i32
    %mul3A_25 = arith.muli %arg1, %mul3A_24 : i32
    "tpu.region"() ({
      %run_scoped3A = tpu.sem_alloc : memref<!tpu.dma_semaphore, #tpu.memory_space<semaphore_mem>>
      %dma_start3A_26 = arith.constant 0 : i32
      %dma_start3A_27 = tpu.memref_slice %arg6[%arg0, %mul3A_25, %dma_start3A_26] : memref<2x10240x128xf32, #tpu.memory_space<hbm>> -> memref<1x640x128xf32, #tpu.memory_space<hbm>>
      %dma_start3A_28 = tpu.memref_squeeze %dma_start3A_27 : memref<1x640x128xf32, #tpu.memory_space<hbm>> -> memref<640x128xf32, #tpu.memory_space<hbm>>
      %dma_start3A_29 = arith.constant 0 : i32
      %dma_start3A_30 = tpu.memref_slice %arg12[%mul3A_23, %dma_start3A_29] : memref<10240x128xf32, #tpu.memory_space<vmem_shared>> -> memref<640x128xf32, #tpu.memory_space<vmem_shared>>
      tpu.enqueue_dma source(%dma_start3A_30 : memref<640x128xf32, #tpu.memory_space<vmem_shared>>) target(%dma_start3A_28 : memref<640x128xf32, #tpu.memory_space<hbm>>) target_semaphore(%run_scoped3A : memref<!tpu.dma_semaphore, #tpu.memory_space<semaphore_mem>>)
      %dma_wait3A = arith.constant 0 : i32
      %dma_wait3A_31 = tpu.memref_slice %arg6[%arg0, %mul3A_25, %dma_wait3A] : memref<2x10240x128xf32, #tpu.memory_space<hbm>> -> memref<1x640x128xf32, #tpu.memory_space<hbm>>
      %dma_wait3A_32 = tpu.memref_squeeze %dma_wait3A_31 : memref<1x640x128xf32, #tpu.memory_space<hbm>> -> memref<640x128xf32, #tpu.memory_space<hbm>>
      %dma_wait3A_33 = arith.constant 0 : i32
      %dma_wait3A_34 = tpu.memref_slice %arg12[%mul3A_23, %dma_wait3A_33] : memref<10240x128xf32, #tpu.memory_space<vmem_shared>> -> memref<640x128xf32, #tpu.memory_space<vmem_shared>>
      tpu.wait_dma2 semaphore(%run_scoped3A : memref<!tpu.dma_semaphore, #tpu.memory_space<semaphore_mem>>) src(%dma_wait3A_34 : memref<640x128xf32, #tpu.memory_space<vmem_shared>>) dst(%dma_wait3A_32 : memref<640x128xf32, #tpu.memory_space<hbm>>)
      tpu.yield
    }) : () -> ()
    return
  }
}

#map = affine_map<(d0, d1) -> (0, 0)>
#map1 = affine_map<(d0, d1) -> (0, 0, 0)>
module attributes {stable_mosaic.version = 14 : i64} {
  func.func @k(%arg0: i32, %arg1: i32, %arg2: memref<100x128xf32, #tpu.memory_space<hbm>>, %arg3: memref<32x100x100xi32, #tpu.memory_space<hbm>>, %arg4: memref<640x128xf32, #tpu.memory_space<hbm>>, %arg5: memref<2x10240x128xf32, #tpu.memory_space<hbm>>, %arg6: memref<100x100xi32, #tpu.memory_space<vmem>>, %arg7: memref<100x128xf32, #tpu.memory_space<vmem>>, %arg8: memref<10240x128xf32, #tpu.memory_space<vmem_shared>>) attributes {dimension_semantics = [#tpu.dimension_semantics<core_parallel>, #tpu.dimension_semantics<subcore_parallel>], iteration_bounds = array<i64: 2, 16>, scalar_prefetch = 0 : i64, scratch_operands = 3 : i64, tpu.core_type = #tpu.core_type<sc_vector_subcore>, window_params = [{transform_indices = #map}, {transform_indices = #map1}, {transform_indices = #map}, {transform_indices = #map1}]} {
    %mul3A = arith.constant 2 : i32
    %mul3A_0 = arith.muli %arg1, %mul3A : i32
    %add3A = arith.addi %mul3A_0, %arg0 : i32
    %mul3A_1 = arith.constant 640 : i32
    %mul3A_2 = arith.muli %arg1, %mul3A_1 : i32
    "tpu.region"() ({
      %run_scoped3A = tpu.sem_alloc : memref<!tpu.dma_semaphore, #tpu.memory_space<semaphore_mem>>
      %dma_start3A = arith.constant 0 : i32
      %dma_start3A_13 = tpu.memref_slice %arg8[%mul3A_2, %dma_start3A] : memref<10240x128xf32, #tpu.memory_space<vmem_shared>> -> memref<640x128xf32, #tpu.memory_space<vmem_shared>>
      tpu.enqueue_dma source(%arg4 : memref<640x128xf32, #tpu.memory_space<hbm>>) target(%dma_start3A_13 : memref<640x128xf32, #tpu.memory_space<vmem_shared>>) target_semaphore(%run_scoped3A : memref<!tpu.dma_semaphore, #tpu.memory_space<semaphore_mem>>)
      %dma_wait3A = arith.constant 0 : i32
      %dma_wait3A_14 = tpu.memref_slice %arg8[%mul3A_2, %dma_wait3A] : memref<10240x128xf32, #tpu.memory_space<vmem_shared>> -> memref<640x128xf32, #tpu.memory_space<vmem_shared>>
      tpu.wait_dma2 semaphore(%run_scoped3A : memref<!tpu.dma_semaphore, #tpu.memory_space<semaphore_mem>>) src(%arg4 : memref<640x128xf32, #tpu.memory_space<hbm>>) dst(%dma_wait3A_14 : memref<640x128xf32, #tpu.memory_space<vmem_shared>>)
      tpu.yield
    }) : () -> ()
    "tpu.region"() ({
      %run_scoped3A = tpu.sem_alloc : memref<!tpu.dma_semaphore, #tpu.memory_space<semaphore_mem>>
      %dma_start3A = arith.constant 0 : i32
      %dma_start3A_13 = arith.constant 0 : i32
      %dma_start3A_14 = tpu.memref_slice %arg3[%add3A, %dma_start3A, %dma_start3A_13] : memref<32x100x100xi32, #tpu.memory_space<hbm>> -> memref<1x100x100xi32, #tpu.memory_space<hbm>>
      %dma_start3A_15 = tpu.memref_squeeze %dma_start3A_14 : memref<1x100x100xi32, #tpu.memory_space<hbm>> -> memref<100x100xi32, #tpu.memory_space<hbm>>
      %dma_start3A_16 = arith.constant 0 : i32
      %dma_start3A_17 = arith.constant 0 : i32
      %dma_start3A_18 = tpu.memref_slice %arg3[%add3A, %dma_start3A_16, %dma_start3A_17] : memref<32x100x100xi32, #tpu.memory_space<hbm>> -> memref<1x100x100xi32, #tpu.memory_space<hbm>>
      %dma_start3A_19 = tpu.memref_squeeze %dma_start3A_18 : memref<1x100x100xi32, #tpu.memory_space<hbm>> -> memref<100x100xi32, #tpu.memory_space<hbm>>
      tpu.enqueue_dma source(%dma_start3A_19 : memref<100x100xi32, #tpu.memory_space<hbm>>) target(%arg6 : memref<100x100xi32, #tpu.memory_space<vmem>>) target_semaphore(%run_scoped3A : memref<!tpu.dma_semaphore, #tpu.memory_space<semaphore_mem>>)
      %dma_wait3A = arith.constant 0 : i32
      %dma_wait3A_20 = arith.constant 0 : i32
      %dma_wait3A_21 = tpu.memref_slice %arg3[%add3A, %dma_wait3A, %dma_wait3A_20] : memref<32x100x100xi32, #tpu.memory_space<hbm>> -> memref<1x100x100xi32, #tpu.memory_space<hbm>>
      %dma_wait3A_22 = tpu.memref_squeeze %dma_wait3A_21 : memref<1x100x100xi32, #tpu.memory_space<hbm>> -> memref<100x100xi32, #tpu.memory_space<hbm>>
      %dma_wait3A_23 = arith.constant 0 : i32
      %dma_wait3A_24 = arith.constant 0 : i32
      %dma_wait3A_25 = tpu.memref_slice %arg3[%add3A, %dma_wait3A_23, %dma_wait3A_24] : memref<32x100x100xi32, #tpu.memory_space<hbm>> -> memref<1x100x100xi32, #tpu.memory_space<hbm>>
      %dma_wait3A_26 = tpu.memref_squeeze %dma_wait3A_25 : memref<1x100x100xi32, #tpu.memory_space<hbm>> -> memref<100x100xi32, #tpu.memory_space<hbm>>
      tpu.wait_dma2 semaphore(%run_scoped3A : memref<!tpu.dma_semaphore, #tpu.memory_space<semaphore_mem>>) src(%dma_wait3A_26 : memref<100x100xi32, #tpu.memory_space<hbm>>) dst(%arg6 : memref<100x100xi32, #tpu.memory_space<vmem>>)
      tpu.yield
    }) : () -> ()
    "tpu.region"() ({
      %run_scoped3A = tpu.sem_alloc : memref<!tpu.dma_semaphore, #tpu.memory_space<semaphore_mem>>
      tpu.enqueue_dma source(%arg2 : memref<100x128xf32, #tpu.memory_space<hbm>>) target(%arg7 : memref<100x128xf32, #tpu.memory_space<vmem>>) target_semaphore(%run_scoped3A : memref<!tpu.dma_semaphore, #tpu.memory_space<semaphore_mem>>)
      tpu.wait_dma2 semaphore(%run_scoped3A : memref<!tpu.dma_semaphore, #tpu.memory_space<semaphore_mem>>) src(%arg2 : memref<100x128xf32, #tpu.memory_space<hbm>>) dst(%arg7 : memref<100x128xf32, #tpu.memory_space<vmem>>)
      tpu.yield
    }) : () -> ()
    %barrier3A = arith.constant 0 : index
    tpu.barrier barrier_id(%barrier3A)
    %scan3A = arith.constant 0 : i32
    %scan3A_3 = arith.constant 0 : i32
    %scan3A_4 = arith.constant 100 : i32
    %scan3A_5 = arith.addi %scan3A_3, %scan3A_4 : i32
    %scan3A_6 = arith.constant 1 : i32
    scf.for %scan3A_13 = %scan3A_3 to %scan3A_5 step %scan3A_6  : i32 {
      "tpu.region"() ({
        %run_scoped3A = tpu.sem_alloc : memref<!tpu.dma_semaphore, #tpu.memory_space<semaphore_mem>>
        %dma_start3A = arith.constant 0 : i32
        %dma_start3A_14 = tpu.memref_slice %arg6[%scan3A_13, %dma_start3A] : memref<100x100xi32, #tpu.memory_space<vmem>> -> memref<1x100xi32, #tpu.memory_space<vmem>>
        %dma_start3A_15 = tpu.memref_squeeze %dma_start3A_14 : memref<1x100xi32, #tpu.memory_space<vmem>> -> memref<100xi32, #tpu.memory_space<vmem>>
        %dma_start3A_16 = arith.constant 0 : i32
        %dma_start3A_17 = arith.constant 0 : i32
        %dma_start3A_18 = tpu.memref_slice %arg8[%dma_start3A_16, %dma_start3A_17] : memref<10240x128xf32, #tpu.memory_space<vmem_shared>> -> memref<10240x128xf32, #tpu.memory_space<vmem_shared>>
        tpu.enqueue_indirect_dma source(%arg7 : memref<100x128xf32, #tpu.memory_space<vmem>>) target(%dma_start3A_18 : memref<10240x128xf32, #tpu.memory_space<vmem_shared>>) offsets(%dma_start3A_15 : memref<100xi32, #tpu.memory_space<vmem>>) semaphore(%run_scoped3A : memref<!tpu.dma_semaphore, #tpu.memory_space<semaphore_mem>>) {add = true}
        %dma_wait3A = arith.constant 0 : i32
        %dma_wait3A_19 = tpu.memref_slice %arg6[%scan3A_13, %dma_wait3A] : memref<100x100xi32, #tpu.memory_space<vmem>> -> memref<1x100xi32, #tpu.memory_space<vmem>>
        %dma_wait3A_20 = tpu.memref_squeeze %dma_wait3A_19 : memref<1x100xi32, #tpu.memory_space<vmem>> -> memref<100xi32, #tpu.memory_space<vmem>>
        %dma_wait3A_21 = arith.constant 0 : i32
        %dma_wait3A_22 = arith.constant 0 : i32
        %dma_wait3A_23 = tpu.memref_slice %arg8[%dma_wait3A_21, %dma_wait3A_22] : memref<10240x128xf32, #tpu.memory_space<vmem_shared>> -> memref<10240x128xf32, #tpu.memory_space<vmem_shared>>
        tpu.wait_indirect_dma semaphore(%run_scoped3A : memref<!tpu.dma_semaphore, #tpu.memory_space<semaphore_mem>>) src(%arg7 : memref<100x128xf32, #tpu.memory_space<vmem>>) dst(%dma_wait3A_23 : memref<10240x128xf32, #tpu.memory_space<vmem_shared>>)
        tpu.yield
      }) : () -> ()
    }
    %scan3A_7 = arith.constant 100 : i32
    %barrier3A_8 = arith.constant 0 : index
    tpu.barrier barrier_id(%barrier3A_8)
    %mul3A_9 = arith.constant 640 : i32
    %mul3A_10 = arith.muli %arg1, %mul3A_9 : i32
    %mul3A_11 = arith.constant 640 : i32
    %mul3A_12 = arith.muli %arg1, %mul3A_11 : i32
    "tpu.region"() ({
      %run_scoped3A = tpu.sem_alloc : memref<!tpu.dma_semaphore, #tpu.memory_space<semaphore_mem>>
      %dma_start3A = arith.constant 0 : i32
      %dma_start3A_13 = tpu.memref_slice %arg5[%arg0, %mul3A_12, %dma_start3A] : memref<2x10240x128xf32, #tpu.memory_space<hbm>> -> memref<1x640x128xf32, #tpu.memory_space<hbm>>
      %dma_start3A_14 = tpu.memref_squeeze %dma_start3A_13 : memref<1x640x128xf32, #tpu.memory_space<hbm>> -> memref<640x128xf32, #tpu.memory_space<hbm>>
      %dma_start3A_15 = arith.constant 0 : i32
      %dma_start3A_16 = tpu.memref_slice %arg8[%mul3A_10, %dma_start3A_15] : memref<10240x128xf32, #tpu.memory_space<vmem_shared>> -> memref<640x128xf32, #tpu.memory_space<vmem_shared>>
      tpu.enqueue_dma source(%dma_start3A_16 : memref<640x128xf32, #tpu.memory_space<vmem_shared>>) target(%dma_start3A_14 : memref<640x128xf32, #tpu.memory_space<hbm>>) target_semaphore(%run_scoped3A : memref<!tpu.dma_semaphore, #tpu.memory_space<semaphore_mem>>)
      %dma_wait3A = arith.constant 0 : i32
      %dma_wait3A_17 = tpu.memref_slice %arg5[%arg0, %mul3A_12, %dma_wait3A] : memref<2x10240x128xf32, #tpu.memory_space<hbm>> -> memref<1x640x128xf32, #tpu.memory_space<hbm>>
      %dma_wait3A_18 = tpu.memref_squeeze %dma_wait3A_17 : memref<1x640x128xf32, #tpu.memory_space<hbm>> -> memref<640x128xf32, #tpu.memory_space<hbm>>
      %dma_wait3A_19 = arith.constant 0 : i32
      %dma_wait3A_20 = tpu.memref_slice %arg8[%mul3A_10, %dma_wait3A_19] : memref<10240x128xf32, #tpu.memory_space<vmem_shared>> -> memref<640x128xf32, #tpu.memory_space<vmem_shared>>
      tpu.wait_dma2 semaphore(%run_scoped3A : memref<!tpu.dma_semaphore, #tpu.memory_space<semaphore_mem>>) src(%dma_wait3A_20 : memref<640x128xf32, #tpu.memory_space<vmem_shared>>) dst(%dma_wait3A_18 : memref<640x128xf32, #tpu.memory_space<hbm>>)
      tpu.yield
    }) : () -> ()
    return
  }
}

#map = affine_map<(d0, d1) -> (0, 0)>
#map1 = affine_map<(d0, d1) -> (0, 0, 0)>
module attributes {stable_mosaic.version = 14 : i64} {
  func.func @k(%arg0: i32, %arg1: i32, %arg2: memref<10000x128xf32, #tpu.memory_space<hbm>>, %arg3: memref<32x100x100xi32, #tpu.memory_space<hbm>>, %arg4: memref<32x100x100xi32, #tpu.memory_space<hbm>>, %arg5: memref<640x128xf32, #tpu.memory_space<hbm>>, %arg6: memref<2x10240x128xf32, #tpu.memory_space<hbm>>, %arg7: memref<100x100xi32, #tpu.memory_space<vmem>>, %arg8: memref<100xi32, #tpu.memory_space<vmem>>, %arg9: memref<100xi32, #tpu.memory_space<vmem>>, %arg10: memref<100x128xf32, #tpu.memory_space<vmem>>, %arg11: memref<100x128xf32, #tpu.memory_space<vmem>>, %arg12: memref<10240x128xf32, #tpu.memory_space<vmem_shared>>, %arg13: memref<!tpu.dma_semaphore, #tpu.memory_space<semaphore_mem>>, %arg14: memref<!tpu.dma_semaphore, #tpu.memory_space<semaphore_mem>>, %arg15: memref<!tpu.dma_semaphore, #tpu.memory_space<semaphore_mem>>, %arg16: memref<!tpu.dma_semaphore, #tpu.memory_space<semaphore_mem>>) attributes {dimension_semantics = [#tpu.dimension_semantics<core_parallel>, #tpu.dimension_semantics<subcore_parallel>], iteration_bounds = array<i64: 2, 16>, scalar_prefetch = 0 : i64, scratch_operands = 10 : i64, tpu.core_type = #tpu.core_type<sc_vector_subcore>, window_params = [{transform_indices = #map}, {transform_indices = #map1}, {transform_indices = #map1}, {transform_indices = #map}, {transform_indices = #map1}]} {
    %mul3A = arith.constant 2 : i32
    %mul3A_0 = arith.muli %arg1, %mul3A : i32
    %add3A = arith.addi %mul3A_0, %arg0 : i32
    %mul3A_1 = arith.constant 640 : i32
    %mul3A_2 = arith.muli %arg1, %mul3A_1 : i32
    "tpu.region"() ({
      %run_scoped3A = tpu.sem_alloc : memref<!tpu.dma_semaphore, #tpu.memory_space<semaphore_mem>>
      %dma_start3A_26 = arith.constant 0 : i32
      %dma_start3A_27 = tpu.memref_slice %arg12[%mul3A_2, %dma_start3A_26] : memref<10240x128xf32, #tpu.memory_space<vmem_shared>> -> memref<640x128xf32, #tpu.memory_space<vmem_shared>>
      tpu.enqueue_dma source(%arg5 : memref<640x128xf32, #tpu.memory_space<hbm>>) target(%dma_start3A_27 : memref<640x128xf32, #tpu.memory_space<vmem_shared>>) target_semaphore(%run_scoped3A : memref<!tpu.dma_semaphore, #tpu.memory_space<semaphore_mem>>)
      %dma_wait3A = arith.constant 0 : i32
      %dma_wait3A_28 = tpu.memref_slice %arg12[%mul3A_2, %dma_wait3A] : memref<10240x128xf32, #tpu.memory_space<vmem_shared>> -> memref<640x128xf32, #tpu.memory_space<vmem_shared>>
      tpu.wait_dma2 semaphore(%run_scoped3A : memref<!tpu.dma_semaphore, #tpu.memory_space<semaphore_mem>>) src(%arg5 : memref<640x128xf32, #tpu.memory_space<hbm>>) dst(%dma_wait3A_28 : memref<640x128xf32, #tpu.memory_space<vmem_shared>>)
      tpu.yield
    }) : () -> ()
    "tpu.region"() ({
      %run_scoped3A = tpu.sem_alloc : memref<!tpu.dma_semaphore, #tpu.memory_space<semaphore_mem>>
      %dma_start3A_26 = arith.constant 0 : i32
      %dma_start3A_27 = arith.constant 0 : i32
      %dma_start3A_28 = tpu.memref_slice %arg3[%add3A, %dma_start3A_26, %dma_start3A_27] : memref<32x100x100xi32, #tpu.memory_space<hbm>> -> memref<1x100x100xi32, #tpu.memory_space<hbm>>
      %dma_start3A_29 = tpu.memref_squeeze %dma_start3A_28 : memref<1x100x100xi32, #tpu.memory_space<hbm>> -> memref<100x100xi32, #tpu.memory_space<hbm>>
      %dma_start3A_30 = arith.constant 0 : i32
      %dma_start3A_31 = arith.constant 0 : i32
      %dma_start3A_32 = tpu.memref_slice %arg3[%add3A, %dma_start3A_30, %dma_start3A_31] : memref<32x100x100xi32, #tpu.memory_space<hbm>> -> memref<1x100x100xi32, #tpu.memory_space<hbm>>
      %dma_start3A_33 = tpu.memref_squeeze %dma_start3A_32 : memref<1x100x100xi32, #tpu.memory_space<hbm>> -> memref<100x100xi32, #tpu.memory_space<hbm>>
      tpu.enqueue_dma source(%dma_start3A_33 : memref<100x100xi32, #tpu.memory_space<hbm>>) target(%arg7 : memref<100x100xi32, #tpu.memory_space<vmem>>) target_semaphore(%run_scoped3A : memref<!tpu.dma_semaphore, #tpu.memory_space<semaphore_mem>>)
      %dma_wait3A = arith.constant 0 : i32
      %dma_wait3A_34 = arith.constant 0 : i32
      %dma_wait3A_35 = tpu.memref_slice %arg3[%add3A, %dma_wait3A, %dma_wait3A_34] : memref<32x100x100xi32, #tpu.memory_space<hbm>> -> memref<1x100x100xi32, #tpu.memory_space<hbm>>
      %dma_wait3A_36 = tpu.memref_squeeze %dma_wait3A_35 : memref<1x100x100xi32, #tpu.memory_space<hbm>> -> memref<100x100xi32, #tpu.memory_space<hbm>>
      %dma_wait3A_37 = arith.constant 0 : i32
      %dma_wait3A_38 = arith.constant 0 : i32
      %dma_wait3A_39 = tpu.memref_slice %arg3[%add3A, %dma_wait3A_37, %dma_wait3A_38] : memref<32x100x100xi32, #tpu.memory_space<hbm>> -> memref<1x100x100xi32, #tpu.memory_space<hbm>>
      %dma_wait3A_40 = tpu.memref_squeeze %dma_wait3A_39 : memref<1x100x100xi32, #tpu.memory_space<hbm>> -> memref<100x100xi32, #tpu.memory_space<hbm>>
      tpu.wait_dma2 semaphore(%run_scoped3A : memref<!tpu.dma_semaphore, #tpu.memory_space<semaphore_mem>>) src(%dma_wait3A_40 : memref<100x100xi32, #tpu.memory_space<hbm>>) dst(%arg7 : memref<100x100xi32, #tpu.memory_space<vmem>>)
      tpu.yield
    }) : () -> ()
    %barrier3A = arith.constant 0 : index
    tpu.barrier barrier_id(%barrier3A)
    %dma_start3A = arith.constant 0 : i32
    %dma_start3A_3 = arith.constant 0 : i32
    %dma_start3A_4 = tpu.memref_slice %arg4[%add3A, %dma_start3A, %dma_start3A_3] : memref<32x100x100xi32, #tpu.memory_space<hbm>> -> memref<1x1x100xi32, #tpu.memory_space<hbm>>
    %dma_start3A_5 = tpu.memref_squeeze %dma_start3A_4 : memref<1x1x100xi32, #tpu.memory_space<hbm>> -> memref<100xi32, #tpu.memory_space<hbm>>
    %dma_start3A_6 = arith.constant 0 : i32
    %dma_start3A_7 = tpu.memref_slice %arg4[%add3A, %dma_start3A, %dma_start3A_6] : memref<32x100x100xi32, #tpu.memory_space<hbm>> -> memref<1x1x100xi32, #tpu.memory_space<hbm>>
    %dma_start3A_8 = tpu.memref_squeeze %dma_start3A_7 : memref<1x1x100xi32, #tpu.memory_space<hbm>> -> memref<100xi32, #tpu.memory_space<hbm>>
    tpu.enqueue_dma source(%dma_start3A_8 : memref<100xi32, #tpu.memory_space<hbm>>) target(%arg8 : memref<100xi32, #tpu.memory_space<vmem>>) target_semaphore(%arg15 : memref<!tpu.dma_semaphore, #tpu.memory_space<semaphore_mem>>)
    %dma_start3A_9 = arith.constant 0 : i32
    %dma_start3A_10 = arith.constant 0 : i32
    %dma_start3A_11 = tpu.memref_slice %arg7[%dma_start3A_9, %dma_start3A_10] : memref<100x100xi32, #tpu.memory_space<vmem>> -> memref<1x100xi32, #tpu.memory_space<vmem>>
    %dma_start3A_12 = tpu.memref_squeeze %dma_start3A_11 : memref<1x100xi32, #tpu.memory_space<vmem>> -> memref<100xi32, #tpu.memory_space<vmem>>
    %dma_start3A_13 = arith.constant 0 : i32
    %dma_start3A_14 = arith.constant 0 : i32
    %dma_start3A_15 = tpu.memref_slice %arg2[%dma_start3A_13, %dma_start3A_14] : memref<10000x128xf32, #tpu.memory_space<hbm>> -> memref<10000x128xf32, #tpu.memory_space<hbm>>
    tpu.enqueue_indirect_dma source(%dma_start3A_15 : memref<10000x128xf32, #tpu.memory_space<hbm>>) target(%arg10 : memref<100x128xf32, #tpu.memory_space<vmem>>) offsets(%dma_start3A_12 : memref<100xi32, #tpu.memory_space<vmem>>) semaphore(%arg13 : memref<!tpu.dma_semaphore, #tpu.memory_space<semaphore_mem>>)
    %scan3A = arith.constant 0 : i32
    %scan3A_16 = arith.constant 0 : i32
    %scan3A_17 = arith.constant 50 : i32
    %scan3A_18 = arith.addi %scan3A_16, %scan3A_17 : i32
    %scan3A_19 = arith.constant 1 : i32
    scf.for %scan3A_26 = %scan3A_16 to %scan3A_18 step %scan3A_19  : i32 {
      %mul3A_27 = arith.constant 2 : i32
      %mul3A_28 = arith.muli %mul3A_27, %scan3A_26 : i32
      %add3A_29 = arith.constant 1 : i32
      %add3A_30 = arith.addi %mul3A_28, %add3A_29 : i32
      %dma_start3A_31 = arith.constant 0 : i32
      %dma_start3A_32 = tpu.memref_slice %arg4[%add3A, %add3A_30, %dma_start3A_31] : memref<32x100x100xi32, #tpu.memory_space<hbm>> -> memref<1x1x100xi32, #tpu.memory_space<hbm>>
      %dma_start3A_33 = tpu.memref_squeeze %dma_start3A_32 : memref<1x1x100xi32, #tpu.memory_space<hbm>> -> memref<100xi32, #tpu.memory_space<hbm>>
      %dma_start3A_34 = arith.constant 0 : i32
      %dma_start3A_35 = tpu.memref_slice %arg4[%add3A, %add3A_30, %dma_start3A_34] : memref<32x100x100xi32, #tpu.memory_space<hbm>> -> memref<1x1x100xi32, #tpu.memory_space<hbm>>
      %dma_start3A_36 = tpu.memref_squeeze %dma_start3A_35 : memref<1x1x100xi32, #tpu.memory_space<hbm>> -> memref<100xi32, #tpu.memory_space<hbm>>
      tpu.enqueue_dma source(%dma_start3A_36 : memref<100xi32, #tpu.memory_space<hbm>>) target(%arg9 : memref<100xi32, #tpu.memory_space<vmem>>) target_semaphore(%arg16 : memref<!tpu.dma_semaphore, #tpu.memory_space<semaphore_mem>>)
      %add3A_37 = arith.constant 1 : i32
      %add3A_38 = arith.addi %mul3A_28, %add3A_37 : i32
      %dma_start3A_39 = arith.constant 0 : i32
      %dma_start3A_40 = tpu.memref_slice %arg7[%add3A_38, %dma_start3A_39] : memref<100x100xi32, #tpu.memory_space<vmem>> -> memref<1x100xi32, #tpu.memory_space<vmem>>
      %dma_start3A_41 = tpu.memref_squeeze %dma_start3A_40 : memref<1x100xi32, #tpu.memory_space<vmem>> -> memref<100xi32, #tpu.memory_space<vmem>>
      %dma_start3A_42 = arith.constant 0 : i32
      %dma_start3A_43 = arith.constant 0 : i32
      %dma_start3A_44 = tpu.memref_slice %arg2[%dma_start3A_42, %dma_start3A_43] : memref<10000x128xf32, #tpu.memory_space<hbm>> -> memref<10000x128xf32, #tpu.memory_space<hbm>>
      tpu.enqueue_indirect_dma source(%dma_start3A_44 : memref<10000x128xf32, #tpu.memory_space<hbm>>) target(%arg11 : memref<100x128xf32, #tpu.memory_space<vmem>>) offsets(%dma_start3A_41 : memref<100xi32, #tpu.memory_space<vmem>>) semaphore(%arg14 : memref<!tpu.dma_semaphore, #tpu.memory_space<semaphore_mem>>)
      %dma_wait3A = arith.constant 0 : i32
      %dma_wait3A_45 = tpu.memref_slice %arg7[%mul3A_28, %dma_wait3A] : memref<100x100xi32, #tpu.memory_space<vmem>> -> memref<1x100xi32, #tpu.memory_space<vmem>>
      %dma_wait3A_46 = tpu.memref_squeeze %dma_wait3A_45 : memref<1x100xi32, #tpu.memory_space<vmem>> -> memref<100xi32, #tpu.memory_space<vmem>>
      %dma_wait3A_47 = arith.constant 0 : i32
      %dma_wait3A_48 = arith.constant 0 : i32
      %dma_wait3A_49 = tpu.memref_slice %arg2[%dma_wait3A_47, %dma_wait3A_48] : memref<10000x128xf32, #tpu.memory_space<hbm>> -> memref<10000x128xf32, #tpu.memory_space<hbm>>
      tpu.wait_indirect_dma semaphore(%arg13 : memref<!tpu.dma_semaphore, #tpu.memory_space<semaphore_mem>>) src(%dma_wait3A_49 : memref<10000x128xf32, #tpu.memory_space<hbm>>) dst(%arg10 : memref<100x128xf32, #tpu.memory_space<vmem>>)
      %dma_wait3A_50 = arith.constant 0 : i32
      %dma_wait3A_51 = tpu.memref_slice %arg4[%add3A, %mul3A_28, %dma_wait3A_50] : memref<32x100x100xi32, #tpu.memory_space<hbm>> -> memref<1x1x100xi32, #tpu.memory_space<hbm>>
      %dma_wait3A_52 = tpu.memref_squeeze %dma_wait3A_51 : memref<1x1x100xi32, #tpu.memory_space<hbm>> -> memref<100xi32, #tpu.memory_space<hbm>>
      %dma_wait3A_53 = arith.constant 0 : i32
      %dma_wait3A_54 = tpu.memref_slice %arg4[%add3A, %mul3A_28, %dma_wait3A_53] : memref<32x100x100xi32, #tpu.memory_space<hbm>> -> memref<1x1x100xi32, #tpu.memory_space<hbm>>
      %dma_wait3A_55 = tpu.memref_squeeze %dma_wait3A_54 : memref<1x1x100xi32, #tpu.memory_space<hbm>> -> memref<100xi32, #tpu.memory_space<hbm>>
      tpu.wait_dma2 semaphore(%arg15 : memref<!tpu.dma_semaphore, #tpu.memory_space<semaphore_mem>>) src(%dma_wait3A_55 : memref<100xi32, #tpu.memory_space<hbm>>) dst(%arg8 : memref<100xi32, #tpu.memory_space<vmem>>)
      "tpu.region"() ({
        %run_scoped3A = tpu.sem_alloc : memref<!tpu.dma_semaphore, #tpu.memory_space<semaphore_mem>>
        %dma_start3A_76 = arith.constant 0 : i32
        %dma_start3A_77 = arith.constant 0 : i32
        %dma_start3A_78 = tpu.memref_slice %arg12[%dma_start3A_76, %dma_start3A_77] : memref<10240x128xf32, #tpu.memory_space<vmem_shared>> -> memref<10240x128xf32, #tpu.memory_space<vmem_shared>>
        tpu.enqueue_indirect_dma source(%arg10 : memref<100x128xf32, #tpu.memory_space<vmem>>) target(%dma_start3A_78 : memref<10240x128xf32, #tpu.memory_space<vmem_shared>>) offsets(%arg8 : memref<100xi32, #tpu.memory_space<vmem>>) semaphore(%run_scoped3A : memref<!tpu.dma_semaphore, #tpu.memory_space<semaphore_mem>>) {add = true}
        %dma_wait3A_79 = arith.constant 0 : i32
        %dma_wait3A_80 = arith.constant 0 : i32
        %dma_wait3A_81 = tpu.memref_slice %arg12[%dma_wait3A_79, %dma_wait3A_80] : memref<10240x128xf32, #tpu.memory_space<vmem_shared>> -> memref<10240x128xf32, #tpu.memory_space<vmem_shared>>
        tpu.wait_indirect_dma semaphore(%run_scoped3A : memref<!tpu.dma_semaphore, #tpu.memory_space<semaphore_mem>>) src(%arg10 : memref<100x128xf32, #tpu.memory_space<vmem>>) dst(%dma_wait3A_81 : memref<10240x128xf32, #tpu.memory_space<vmem_shared>>)
        tpu.yield
      }) : () -> ()
      %add3A_56 = arith.constant 1 : i32
      %add3A_57 = arith.addi %scan3A_26, %add3A_56 : i32
      %lt3A = arith.constant 50 : i32
      %lt3A_58 = arith.cmpi slt, %add3A_57, %lt3A : i32
      %convert_element_type3A = arith.extui %lt3A_58 : i1 to i32
      %cond3A = arith.constant 0 : i32
      %cond3A_59 = arith.cmpi ne, %convert_element_type3A, %cond3A : i32
      scf.if %cond3A_59 {
        %add3A_76 = arith.constant 2 : i32
        %add3A_77 = arith.addi %mul3A_28, %add3A_76 : i32
        %dma_start3A_78 = arith.constant 0 : i32
        %dma_start3A_79 = tpu.memref_slice %arg4[%add3A, %add3A_77, %dma_start3A_78] : memref<32x100x100xi32, #tpu.memory_space<hbm>> -> memref<1x1x100xi32, #tpu.memory_space<hbm>>
        %dma_start3A_80 = tpu.memref_squeeze %dma_start3A_79 : memref<1x1x100xi32, #tpu.memory_space<hbm>> -> memref<100xi32, #tpu.memory_space<hbm>>
        %dma_start3A_81 = arith.constant 0 : i32
        %dma_start3A_82 = tpu.memref_slice %arg4[%add3A, %add3A_77, %dma_start3A_81] : memref<32x100x100xi32, #tpu.memory_space<hbm>> -> memref<1x1x100xi32, #tpu.memory_space<hbm>>
        %dma_start3A_83 = tpu.memref_squeeze %dma_start3A_82 : memref<1x1x100xi32, #tpu.memory_space<hbm>> -> memref<100xi32, #tpu.memory_space<hbm>>
        tpu.enqueue_dma source(%dma_start3A_83 : memref<100xi32, #tpu.memory_space<hbm>>) target(%arg8 : memref<100xi32, #tpu.memory_space<vmem>>) target_semaphore(%arg15 : memref<!tpu.dma_semaphore, #tpu.memory_space<semaphore_mem>>)
        %add3A_84 = arith.constant 2 : i32
        %add3A_85 = arith.addi %mul3A_28, %add3A_84 : i32
        %dma_start3A_86 = arith.constant 0 : i32
        %dma_start3A_87 = tpu.memref_slice %arg7[%add3A_85, %dma_start3A_86] : memref<100x100xi32, #tpu.memory_space<vmem>> -> memref<1x100xi32, #tpu.memory_space<vmem>>
        %dma_start3A_88 = tpu.memref_squeeze %dma_start3A_87 : memref<1x100xi32, #tpu.memory_space<vmem>> -> memref<100xi32, #tpu.memory_space<vmem>>
        %dma_start3A_89 = arith.constant 0 : i32
        %dma_start3A_90 = arith.constant 0 : i32
        %dma_start3A_91 = tpu.memref_slice %arg2[%dma_start3A_89, %dma_start3A_90] : memref<10000x128xf32, #tpu.memory_space<hbm>> -> memref<10000x128xf32, #tpu.memory_space<hbm>>
        tpu.enqueue_indirect_dma source(%dma_start3A_91 : memref<10000x128xf32, #tpu.memory_space<hbm>>) target(%arg10 : memref<100x128xf32, #tpu.memory_space<vmem>>) offsets(%dma_start3A_88 : memref<100xi32, #tpu.memory_space<vmem>>) semaphore(%arg13 : memref<!tpu.dma_semaphore, #tpu.memory_space<semaphore_mem>>)
      } else {
      }
      %add3A_60 = arith.constant 1 : i32
      %add3A_61 = arith.addi %mul3A_28, %add3A_60 : i32
      %dma_wait3A_62 = arith.constant 0 : i32
      %dma_wait3A_63 = tpu.memref_slice %arg7[%add3A_61, %dma_wait3A_62] : memref<100x100xi32, #tpu.memory_space<vmem>> -> memref<1x100xi32, #tpu.memory_space<vmem>>
      %dma_wait3A_64 = tpu.memref_squeeze %dma_wait3A_63 : memref<1x100xi32, #tpu.memory_space<vmem>> -> memref<100xi32, #tpu.memory_space<vmem>>
      %dma_wait3A_65 = arith.constant 0 : i32
      %dma_wait3A_66 = arith.constant 0 : i32
      %dma_wait3A_67 = tpu.memref_slice %arg2[%dma_wait3A_65, %dma_wait3A_66] : memref<10000x128xf32, #tpu.memory_space<hbm>> -> memref<10000x128xf32, #tpu.memory_space<hbm>>
      tpu.wait_indirect_dma semaphore(%arg14 : memref<!tpu.dma_semaphore, #tpu.memory_space<semaphore_mem>>) src(%dma_wait3A_67 : memref<10000x128xf32, #tpu.memory_space<hbm>>) dst(%arg11 : memref<100x128xf32, #tpu.memory_space<vmem>>)
      %add3A_68 = arith.constant 1 : i32
      %add3A_69 = arith.addi %mul3A_28, %add3A_68 : i32
      %dma_wait3A_70 = arith.constant 0 : i32
      %dma_wait3A_71 = tpu.memref_slice %arg4[%add3A, %add3A_69, %dma_wait3A_70] : memref<32x100x100xi32, #tpu.memory_space<hbm>> -> memref<1x1x100xi32, #tpu.memory_space<hbm>>
      %dma_wait3A_72 = tpu.memref_squeeze %dma_wait3A_71 : memref<1x1x100xi32, #tpu.memory_space<hbm>> -> memref<100xi32, #tpu.memory_space<hbm>>
      %dma_wait3A_73 = arith.constant 0 : i32
      %dma_wait3A_74 = tpu.memref_slice %arg4[%add3A, %add3A_69, %dma_wait3A_73] : memref<32x100x100xi32, #tpu.memory_space<hbm>> -> memref<1x1x100xi32, #tpu.memory_space<hbm>>
      %dma_wait3A_75 = tpu.memref_squeeze %dma_wait3A_74 : memref<1x1x100xi32, #tpu.memory_space<hbm>> -> memref<100xi32, #tpu.memory_space<hbm>>
      tpu.wait_dma2 semaphore(%arg16 : memref<!tpu.dma_semaphore, #tpu.memory_space<semaphore_mem>>) src(%dma_wait3A_75 : memref<100xi32, #tpu.memory_space<hbm>>) dst(%arg9 : memref<100xi32, #tpu.memory_space<vmem>>)
      "tpu.region"() ({
        %run_scoped3A = tpu.sem_alloc : memref<!tpu.dma_semaphore, #tpu.memory_space<semaphore_mem>>
        %dma_start3A_76 = arith.constant 0 : i32
        %dma_start3A_77 = arith.constant 0 : i32
        %dma_start3A_78 = tpu.memref_slice %arg12[%dma_start3A_76, %dma_start3A_77] : memref<10240x128xf32, #tpu.memory_space<vmem_shared>> -> memref<10240x128xf32, #tpu.memory_space<vmem_shared>>
        tpu.enqueue_indirect_dma source(%arg11 : memref<100x128xf32, #tpu.memory_space<vmem>>) target(%dma_start3A_78 : memref<10240x128xf32, #tpu.memory_space<vmem_shared>>) offsets(%arg9 : memref<100xi32, #tpu.memory_space<vmem>>) semaphore(%run_scoped3A : memref<!tpu.dma_semaphore, #tpu.memory_space<semaphore_mem>>) {add = true}
        %dma_wait3A_79 = arith.constant 0 : i32
        %dma_wait3A_80 = arith.constant 0 : i32
        %dma_wait3A_81 = tpu.memref_slice %arg12[%dma_wait3A_79, %dma_wait3A_80] : memref<10240x128xf32, #tpu.memory_space<vmem_shared>> -> memref<10240x128xf32, #tpu.memory_space<vmem_shared>>
        tpu.wait_indirect_dma semaphore(%run_scoped3A : memref<!tpu.dma_semaphore, #tpu.memory_space<semaphore_mem>>) src(%arg11 : memref<100x128xf32, #tpu.memory_space<vmem>>) dst(%dma_wait3A_81 : memref<10240x128xf32, #tpu.memory_space<vmem_shared>>)
        tpu.yield
      }) : () -> ()
    }
    %scan3A_20 = arith.constant 50 : i32
    %barrier3A_21 = arith.constant 0 : index
    tpu.barrier barrier_id(%barrier3A_21)
    %mul3A_22 = arith.constant 640 : i32
    %mul3A_23 = arith.muli %arg1, %mul3A_22 : i32
    %mul3A_24 = arith.constant 640 : i32
    %mul3A_25 = arith.muli %arg1, %mul3A_24 : i32
    "tpu.region"() ({
      %run_scoped3A = tpu.sem_alloc : memref<!tpu.dma_semaphore, #tpu.memory_space<semaphore_mem>>
      %dma_start3A_26 = arith.constant 0 : i32
      %dma_start3A_27 = tpu.memref_slice %arg6[%arg0, %mul3A_25, %dma_start3A_26] : memref<2x10240x128xf32, #tpu.memory_space<hbm>> -> memref<1x640x128xf32, #tpu.memory_space<hbm>>
      %dma_start3A_28 = tpu.memref_squeeze %dma_start3A_27 : memref<1x640x128xf32, #tpu.memory_space<hbm>> -> memref<640x128xf32, #tpu.memory_space<hbm>>
      %dma_start3A_29 = arith.constant 0 : i32
      %dma_start3A_30 = tpu.memref_slice %arg12[%mul3A_23, %dma_start3A_29] : memref<10240x128xf32, #tpu.memory_space<vmem_shared>> -> memref<640x128xf32, #tpu.memory_space<vmem_shared>>
      tpu.enqueue_dma source(%dma_start3A_30 : memref<640x128xf32, #tpu.memory_space<vmem_shared>>) target(%dma_start3A_28 : memref<640x128xf32, #tpu.memory_space<hbm>>) target_semaphore(%run_scoped3A : memref<!tpu.dma_semaphore, #tpu.memory_space<semaphore_mem>>)
      %dma_wait3A = arith.constant 0 : i32
      %dma_wait3A_31 = tpu.memref_slice %arg6[%arg0, %mul3A_25, %dma_wait3A] : memref<2x10240x128xf32, #tpu.memory_space<hbm>> -> memref<1x640x128xf32, #tpu.memory_space<hbm>>
      %dma_wait3A_32 = tpu.memref_squeeze %dma_wait3A_31 : memref<1x640x128xf32, #tpu.memory_space<hbm>> -> memref<640x128xf32, #tpu.memory_space<hbm>>
      %dma_wait3A_33 = arith.constant 0 : i32
      %dma_wait3A_34 = tpu.memref_slice %arg12[%mul3A_23, %dma_wait3A_33] : memref<10240x128xf32, #tpu.memory_space<vmem_shared>> -> memref<640x128xf32, #tpu.memory_space<vmem_shared>>
      tpu.wait_dma2 semaphore(%run_scoped3A : memref<!tpu.dma_semaphore, #tpu.memory_space<semaphore_mem>>) src(%dma_wait3A_34 : memref<640x128xf32, #tpu.memory_space<vmem_shared>>) dst(%dma_wait3A_32 : memref<640x128xf32, #tpu.memory_space<hbm>>)
      tpu.yield
    }) : () -> ()
    return
  }
}

#map = affine_map<(d0, d1) -> (0, 0)>
#map1 = affine_map<(d0, d1) -> (0, 0, 0)>
module attributes {stable_mosaic.version = 14 : i64} {
  func.func @k(%arg0: i32, %arg1: i32, %arg2: memref<10000x128xf32, #tpu.memory_space<hbm>>, %arg3: memref<32x100x100xi32, #tpu.memory_space<hbm>>, %arg4: memref<32x100x100xi32, #tpu.memory_space<hbm>>, %arg5: memref<640x128xf32, #tpu.memory_space<hbm>>, %arg6: memref<2x10240x128xf32, #tpu.memory_space<hbm>>, %arg7: memref<100x100xi32, #tpu.memory_space<vmem>>, %arg8: memref<100xi32, #tpu.memory_space<vmem>>, %arg9: memref<100xi32, #tpu.memory_space<vmem>>, %arg10: memref<100x128xf32, #tpu.memory_space<vmem>>, %arg11: memref<100x128xf32, #tpu.memory_space<vmem>>, %arg12: memref<10240x128xf32, #tpu.memory_space<vmem_shared>>, %arg13: memref<!tpu.dma_semaphore, #tpu.memory_space<semaphore_mem>>, %arg14: memref<!tpu.dma_semaphore, #tpu.memory_space<semaphore_mem>>, %arg15: memref<!tpu.dma_semaphore, #tpu.memory_space<semaphore_mem>>, %arg16: memref<!tpu.dma_semaphore, #tpu.memory_space<semaphore_mem>>) attributes {dimension_semantics = [#tpu.dimension_semantics<core_parallel>, #tpu.dimension_semantics<subcore_parallel>], iteration_bounds = array<i64: 2, 16>, scalar_prefetch = 0 : i64, scratch_operands = 10 : i64, tpu.core_type = #tpu.core_type<sc_vector_subcore>, window_params = [{transform_indices = #map}, {transform_indices = #map1}, {transform_indices = #map1}, {transform_indices = #map}, {transform_indices = #map1}]} {
    %mul3A = arith.constant 2 : i32
    %mul3A_0 = arith.muli %arg1, %mul3A : i32
    %add3A = arith.addi %mul3A_0, %arg0 : i32
    %mul3A_1 = arith.constant 640 : i32
    %mul3A_2 = arith.muli %arg1, %mul3A_1 : i32
    "tpu.region"() ({
      %run_scoped3A = tpu.sem_alloc : memref<!tpu.dma_semaphore, #tpu.memory_space<semaphore_mem>>
      %dma_start3A_26 = arith.constant 0 : i32
      %dma_start3A_27 = tpu.memref_slice %arg12[%mul3A_2, %dma_start3A_26] : memref<10240x128xf32, #tpu.memory_space<vmem_shared>> -> memref<640x128xf32, #tpu.memory_space<vmem_shared>>
      tpu.enqueue_dma source(%arg5 : memref<640x128xf32, #tpu.memory_space<hbm>>) target(%dma_start3A_27 : memref<640x128xf32, #tpu.memory_space<vmem_shared>>) target_semaphore(%run_scoped3A : memref<!tpu.dma_semaphore, #tpu.memory_space<semaphore_mem>>)
      %dma_wait3A = arith.constant 0 : i32
      %dma_wait3A_28 = tpu.memref_slice %arg12[%mul3A_2, %dma_wait3A] : memref<10240x128xf32, #tpu.memory_space<vmem_shared>> -> memref<640x128xf32, #tpu.memory_space<vmem_shared>>
      tpu.wait_dma2 semaphore(%run_scoped3A : memref<!tpu.dma_semaphore, #tpu.memory_space<semaphore_mem>>) src(%arg5 : memref<640x128xf32, #tpu.memory_space<hbm>>) dst(%dma_wait3A_28 : memref<640x128xf32, #tpu.memory_space<vmem_shared>>)
      tpu.yield
    }) : () -> ()
    "tpu.region"() ({
      %run_scoped3A = tpu.sem_alloc : memref<!tpu.dma_semaphore, #tpu.memory_space<semaphore_mem>>
      %dma_start3A_26 = arith.constant 0 : i32
      %dma_start3A_27 = arith.constant 0 : i32
      %dma_start3A_28 = tpu.memref_slice %arg3[%add3A, %dma_start3A_26, %dma_start3A_27] : memref<32x100x100xi32, #tpu.memory_space<hbm>> -> memref<1x100x100xi32, #tpu.memory_space<hbm>>
      %dma_start3A_29 = tpu.memref_squeeze %dma_start3A_28 : memref<1x100x100xi32, #tpu.memory_space<hbm>> -> memref<100x100xi32, #tpu.memory_space<hbm>>
      %dma_start3A_30 = arith.constant 0 : i32
      %dma_start3A_31 = arith.constant 0 : i32
      %dma_start3A_32 = tpu.memref_slice %arg3[%add3A, %dma_start3A_30, %dma_start3A_31] : memref<32x100x100xi32, #tpu.memory_space<hbm>> -> memref<1x100x100xi32, #tpu.memory_space<hbm>>
      %dma_start3A_33 = tpu.memref_squeeze %dma_start3A_32 : memref<1x100x100xi32, #tpu.memory_space<hbm>> -> memref<100x100xi32, #tpu.memory_space<hbm>>
      tpu.enqueue_dma source(%dma_start3A_33 : memref<100x100xi32, #tpu.memory_space<hbm>>) target(%arg7 : memref<100x100xi32, #tpu.memory_space<vmem>>) target_semaphore(%run_scoped3A : memref<!tpu.dma_semaphore, #tpu.memory_space<semaphore_mem>>)
      %dma_wait3A = arith.constant 0 : i32
      %dma_wait3A_34 = arith.constant 0 : i32
      %dma_wait3A_35 = tpu.memref_slice %arg3[%add3A, %dma_wait3A, %dma_wait3A_34] : memref<32x100x100xi32, #tpu.memory_space<hbm>> -> memref<1x100x100xi32, #tpu.memory_space<hbm>>
      %dma_wait3A_36 = tpu.memref_squeeze %dma_wait3A_35 : memref<1x100x100xi32, #tpu.memory_space<hbm>> -> memref<100x100xi32, #tpu.memory_space<hbm>>
      %dma_wait3A_37 = arith.constant 0 : i32
      %dma_wait3A_38 = arith.constant 0 : i32
      %dma_wait3A_39 = tpu.memref_slice %arg3[%add3A, %dma_wait3A_37, %dma_wait3A_38] : memref<32x100x100xi32, #tpu.memory_space<hbm>> -> memref<1x100x100xi32, #tpu.memory_space<hbm>>
      %dma_wait3A_40 = tpu.memref_squeeze %dma_wait3A_39 : memref<1x100x100xi32, #tpu.memory_space<hbm>> -> memref<100x100xi32, #tpu.memory_space<hbm>>
      tpu.wait_dma2 semaphore(%run_scoped3A : memref<!tpu.dma_semaphore, #tpu.memory_space<semaphore_mem>>) src(%dma_wait3A_40 : memref<100x100xi32, #tpu.memory_space<hbm>>) dst(%arg7 : memref<100x100xi32, #tpu.memory_space<vmem>>)
      tpu.yield
    }) : () -> ()
    %barrier3A = arith.constant 0 : index
    tpu.barrier barrier_id(%barrier3A)
    %dma_start3A = arith.constant 0 : i32
    %dma_start3A_3 = arith.constant 0 : i32
    %dma_start3A_4 = tpu.memref_slice %arg4[%add3A, %dma_start3A, %dma_start3A_3] : memref<32x100x100xi32, #tpu.memory_space<hbm>> -> memref<1x1x100xi32, #tpu.memory_space<hbm>>
    %dma_start3A_5 = tpu.memref_squeeze %dma_start3A_4 : memref<1x1x100xi32, #tpu.memory_space<hbm>> -> memref<100xi32, #tpu.memory_space<hbm>>
    %dma_start3A_6 = arith.constant 0 : i32
    %dma_start3A_7 = tpu.memref_slice %arg4[%add3A, %dma_start3A, %dma_start3A_6] : memref<32x100x100xi32, #tpu.memory_space<hbm>> -> memref<1x1x100xi32, #tpu.memory_space<hbm>>
    %dma_start3A_8 = tpu.memref_squeeze %dma_start3A_7 : memref<1x1x100xi32, #tpu.memory_space<hbm>> -> memref<100xi32, #tpu.memory_space<hbm>>
    tpu.enqueue_dma source(%dma_start3A_8 : memref<100xi32, #tpu.memory_space<hbm>>) target(%arg8 : memref<100xi32, #tpu.memory_space<vmem>>) target_semaphore(%arg15 : memref<!tpu.dma_semaphore, #tpu.memory_space<semaphore_mem>>)
    %dma_start3A_9 = arith.constant 0 : i32
    %dma_start3A_10 = arith.constant 0 : i32
    %dma_start3A_11 = tpu.memref_slice %arg7[%dma_start3A_9, %dma_start3A_10] : memref<100x100xi32, #tpu.memory_space<vmem>> -> memref<1x100xi32, #tpu.memory_space<vmem>>
    %dma_start3A_12 = tpu.memref_squeeze %dma_start3A_11 : memref<1x100xi32, #tpu.memory_space<vmem>> -> memref<100xi32, #tpu.memory_space<vmem>>
    %dma_start3A_13 = arith.constant 0 : i32
    %dma_start3A_14 = arith.constant 0 : i32
    %dma_start3A_15 = tpu.memref_slice %arg2[%dma_start3A_13, %dma_start3A_14] : memref<10000x128xf32, #tpu.memory_space<hbm>> -> memref<10000x128xf32, #tpu.memory_space<hbm>>
    tpu.enqueue_indirect_dma source(%dma_start3A_15 : memref<10000x128xf32, #tpu.memory_space<hbm>>) target(%arg10 : memref<100x128xf32, #tpu.memory_space<vmem>>) offsets(%dma_start3A_12 : memref<100xi32, #tpu.memory_space<vmem>>) semaphore(%arg13 : memref<!tpu.dma_semaphore, #tpu.memory_space<semaphore_mem>>)
    %scan3A = arith.constant 0 : i32
    %scan3A_16 = arith.constant 0 : i32
    %scan3A_17 = arith.constant 50 : i32
    %scan3A_18 = arith.addi %scan3A_16, %scan3A_17 : i32
    %scan3A_19 = arith.constant 1 : i32
    scf.for %scan3A_26 = %scan3A_16 to %scan3A_18 step %scan3A_19  : i32 {
      %mul3A_27 = arith.constant 2 : i32
      %mul3A_28 = arith.muli %mul3A_27, %scan3A_26 : i32
      %add3A_29 = arith.constant 1 : i32
      %add3A_30 = arith.addi %mul3A_28, %add3A_29 : i32
      %dma_start3A_31 = arith.constant 0 : i32
      %dma_start3A_32 = tpu.memref_slice %arg4[%add3A, %add3A_30, %dma_start3A_31] : memref<32x100x100xi32, #tpu.memory_space<hbm>> -> memref<1x1x100xi32, #tpu.memory_space<hbm>>
      %dma_start3A_33 = tpu.memref_squeeze %dma_start3A_32 : memref<1x1x100xi32, #tpu.memory_space<hbm>> -> memref<100xi32, #tpu.memory_space<hbm>>
      %dma_start3A_34 = arith.constant 0 : i32
      %dma_start3A_35 = tpu.memref_slice %arg4[%add3A, %add3A_30, %dma_start3A_34] : memref<32x100x100xi32, #tpu.memory_space<hbm>> -> memref<1x1x100xi32, #tpu.memory_space<hbm>>
      %dma_start3A_36 = tpu.memref_squeeze %dma_start3A_35 : memref<1x1x100xi32, #tpu.memory_space<hbm>> -> memref<100xi32, #tpu.memory_space<hbm>>
      tpu.enqueue_dma source(%dma_start3A_36 : memref<100xi32, #tpu.memory_space<hbm>>) target(%arg9 : memref<100xi32, #tpu.memory_space<vmem>>) target_semaphore(%arg16 : memref<!tpu.dma_semaphore, #tpu.memory_space<semaphore_mem>>)
      %add3A_37 = arith.constant 1 : i32
      %add3A_38 = arith.addi %mul3A_28, %add3A_37 : i32
      %dma_start3A_39 = arith.constant 0 : i32
      %dma_start3A_40 = tpu.memref_slice %arg7[%add3A_38, %dma_start3A_39] : memref<100x100xi32, #tpu.memory_space<vmem>> -> memref<1x100xi32, #tpu.memory_space<vmem>>
      %dma_start3A_41 = tpu.memref_squeeze %dma_start3A_40 : memref<1x100xi32, #tpu.memory_space<vmem>> -> memref<100xi32, #tpu.memory_space<vmem>>
      %dma_start3A_42 = arith.constant 0 : i32
      %dma_start3A_43 = arith.constant 0 : i32
      %dma_start3A_44 = tpu.memref_slice %arg2[%dma_start3A_42, %dma_start3A_43] : memref<10000x128xf32, #tpu.memory_space<hbm>> -> memref<10000x128xf32, #tpu.memory_space<hbm>>
      tpu.enqueue_indirect_dma source(%dma_start3A_44 : memref<10000x128xf32, #tpu.memory_space<hbm>>) target(%arg11 : memref<100x128xf32, #tpu.memory_space<vmem>>) offsets(%dma_start3A_41 : memref<100xi32, #tpu.memory_space<vmem>>) semaphore(%arg14 : memref<!tpu.dma_semaphore, #tpu.memory_space<semaphore_mem>>)
      %dma_wait3A = arith.constant 0 : i32
      %dma_wait3A_45 = tpu.memref_slice %arg7[%mul3A_28, %dma_wait3A] : memref<100x100xi32, #tpu.memory_space<vmem>> -> memref<1x100xi32, #tpu.memory_space<vmem>>
      %dma_wait3A_46 = tpu.memref_squeeze %dma_wait3A_45 : memref<1x100xi32, #tpu.memory_space<vmem>> -> memref<100xi32, #tpu.memory_space<vmem>>
      %dma_wait3A_47 = arith.constant 0 : i32
      %dma_wait3A_48 = arith.constant 0 : i32
      %dma_wait3A_49 = tpu.memref_slice %arg2[%dma_wait3A_47, %dma_wait3A_48] : memref<10000x128xf32, #tpu.memory_space<hbm>> -> memref<10000x128xf32, #tpu.memory_space<hbm>>
      tpu.wait_indirect_dma semaphore(%arg13 : memref<!tpu.dma_semaphore, #tpu.memory_space<semaphore_mem>>) src(%dma_wait3A_49 : memref<10000x128xf32, #tpu.memory_space<hbm>>) dst(%arg10 : memref<100x128xf32, #tpu.memory_space<vmem>>)
      %dma_wait3A_50 = arith.constant 0 : i32
      %dma_wait3A_51 = tpu.memref_slice %arg4[%add3A, %mul3A_28, %dma_wait3A_50] : memref<32x100x100xi32, #tpu.memory_space<hbm>> -> memref<1x1x100xi32, #tpu.memory_space<hbm>>
      %dma_wait3A_52 = tpu.memref_squeeze %dma_wait3A_51 : memref<1x1x100xi32, #tpu.memory_space<hbm>> -> memref<100xi32, #tpu.memory_space<hbm>>
      %dma_wait3A_53 = arith.constant 0 : i32
      %dma_wait3A_54 = tpu.memref_slice %arg4[%add3A, %mul3A_28, %dma_wait3A_53] : memref<32x100x100xi32, #tpu.memory_space<hbm>> -> memref<1x1x100xi32, #tpu.memory_space<hbm>>
      %dma_wait3A_55 = tpu.memref_squeeze %dma_wait3A_54 : memref<1x1x100xi32, #tpu.memory_space<hbm>> -> memref<100xi32, #tpu.memory_space<hbm>>
      tpu.wait_dma2 semaphore(%arg15 : memref<!tpu.dma_semaphore, #tpu.memory_space<semaphore_mem>>) src(%dma_wait3A_55 : memref<100xi32, #tpu.memory_space<hbm>>) dst(%arg8 : memref<100xi32, #tpu.memory_space<vmem>>)
      "tpu.region"() ({
        %run_scoped3A = tpu.sem_alloc : memref<!tpu.dma_semaphore, #tpu.memory_space<semaphore_mem>>
        %dma_start3A_76 = arith.constant 0 : i32
        %dma_start3A_77 = arith.constant 0 : i32
        %dma_start3A_78 = tpu.memref_slice %arg12[%dma_start3A_76, %dma_start3A_77] : memref<10240x128xf32, #tpu.memory_space<vmem_shared>> -> memref<10240x128xf32, #tpu.memory_space<vmem_shared>>
        tpu.enqueue_indirect_dma source(%arg10 : memref<100x128xf32, #tpu.memory_space<vmem>>) target(%dma_start3A_78 : memref<10240x128xf32, #tpu.memory_space<vmem_shared>>) offsets(%arg8 : memref<100xi32, #tpu.memory_space<vmem>>) semaphore(%run_scoped3A : memref<!tpu.dma_semaphore, #tpu.memory_space<semaphore_mem>>) {add = true}
        %dma_wait3A_79 = arith.constant 0 : i32
        %dma_wait3A_80 = arith.constant 0 : i32
        %dma_wait3A_81 = tpu.memref_slice %arg12[%dma_wait3A_79, %dma_wait3A_80] : memref<10240x128xf32, #tpu.memory_space<vmem_shared>> -> memref<10240x128xf32, #tpu.memory_space<vmem_shared>>
        tpu.wait_indirect_dma semaphore(%run_scoped3A : memref<!tpu.dma_semaphore, #tpu.memory_space<semaphore_mem>>) src(%arg10 : memref<100x128xf32, #tpu.memory_space<vmem>>) dst(%dma_wait3A_81 : memref<10240x128xf32, #tpu.memory_space<vmem_shared>>)
        tpu.yield
      }) : () -> ()
      %add3A_56 = arith.constant 1 : i32
      %add3A_57 = arith.addi %scan3A_26, %add3A_56 : i32
      %lt3A = arith.constant 50 : i32
      %lt3A_58 = arith.cmpi slt, %add3A_57, %lt3A : i32
      %convert_element_type3A = arith.extui %lt3A_58 : i1 to i32
      %cond3A = arith.constant 0 : i32
      %cond3A_59 = arith.cmpi ne, %convert_element_type3A, %cond3A : i32
      scf.if %cond3A_59 {
        %add3A_76 = arith.constant 2 : i32
        %add3A_77 = arith.addi %mul3A_28, %add3A_76 : i32
        %dma_start3A_78 = arith.constant 0 : i32
        %dma_start3A_79 = tpu.memref_slice %arg4[%add3A, %add3A_77, %dma_start3A_78] : memref<32x100x100xi32, #tpu.memory_space<hbm>> -> memref<1x1x100xi32, #tpu.memory_space<hbm>>
        %dma_start3A_80 = tpu.memref_squeeze %dma_start3A_79 : memref<1x1x100xi32, #tpu.memory_space<hbm>> -> memref<100xi32, #tpu.memory_space<hbm>>
        %dma_start3A_81 = arith.constant 0 : i32
        %dma_start3A_82 = tpu.memref_slice %arg4[%add3A, %add3A_77, %dma_start3A_81] : memref<32x100x100xi32, #tpu.memory_space<hbm>> -> memref<1x1x100xi32, #tpu.memory_space<hbm>>
        %dma_start3A_83 = tpu.memref_squeeze %dma_start3A_82 : memref<1x1x100xi32, #tpu.memory_space<hbm>> -> memref<100xi32, #tpu.memory_space<hbm>>
        tpu.enqueue_dma source(%dma_start3A_83 : memref<100xi32, #tpu.memory_space<hbm>>) target(%arg8 : memref<100xi32, #tpu.memory_space<vmem>>) target_semaphore(%arg15 : memref<!tpu.dma_semaphore, #tpu.memory_space<semaphore_mem>>)
        %add3A_84 = arith.constant 2 : i32
        %add3A_85 = arith.addi %mul3A_28, %add3A_84 : i32
        %dma_start3A_86 = arith.constant 0 : i32
        %dma_start3A_87 = tpu.memref_slice %arg7[%add3A_85, %dma_start3A_86] : memref<100x100xi32, #tpu.memory_space<vmem>> -> memref<1x100xi32, #tpu.memory_space<vmem>>
        %dma_start3A_88 = tpu.memref_squeeze %dma_start3A_87 : memref<1x100xi32, #tpu.memory_space<vmem>> -> memref<100xi32, #tpu.memory_space<vmem>>
        %dma_start3A_89 = arith.constant 0 : i32
        %dma_start3A_90 = arith.constant 0 : i32
        %dma_start3A_91 = tpu.memref_slice %arg2[%dma_start3A_89, %dma_start3A_90] : memref<10000x128xf32, #tpu.memory_space<hbm>> -> memref<10000x128xf32, #tpu.memory_space<hbm>>
        tpu.enqueue_indirect_dma source(%dma_start3A_91 : memref<10000x128xf32, #tpu.memory_space<hbm>>) target(%arg10 : memref<100x128xf32, #tpu.memory_space<vmem>>) offsets(%dma_start3A_88 : memref<100xi32, #tpu.memory_space<vmem>>) semaphore(%arg13 : memref<!tpu.dma_semaphore, #tpu.memory_space<semaphore_mem>>)
      } else {
      }
      %add3A_60 = arith.constant 1 : i32
      %add3A_61 = arith.addi %mul3A_28, %add3A_60 : i32
      %dma_wait3A_62 = arith.constant 0 : i32
      %dma_wait3A_63 = tpu.memref_slice %arg7[%add3A_61, %dma_wait3A_62] : memref<100x100xi32, #tpu.memory_space<vmem>> -> memref<1x100xi32, #tpu.memory_space<vmem>>
      %dma_wait3A_64 = tpu.memref_squeeze %dma_wait3A_63 : memref<1x100xi32, #tpu.memory_space<vmem>> -> memref<100xi32, #tpu.memory_space<vmem>>
      %dma_wait3A_65 = arith.constant 0 : i32
      %dma_wait3A_66 = arith.constant 0 : i32
      %dma_wait3A_67 = tpu.memref_slice %arg2[%dma_wait3A_65, %dma_wait3A_66] : memref<10000x128xf32, #tpu.memory_space<hbm>> -> memref<10000x128xf32, #tpu.memory_space<hbm>>
      tpu.wait_indirect_dma semaphore(%arg14 : memref<!tpu.dma_semaphore, #tpu.memory_space<semaphore_mem>>) src(%dma_wait3A_67 : memref<10000x128xf32, #tpu.memory_space<hbm>>) dst(%arg11 : memref<100x128xf32, #tpu.memory_space<vmem>>)
      %add3A_68 = arith.constant 1 : i32
      %add3A_69 = arith.addi %mul3A_28, %add3A_68 : i32
      %dma_wait3A_70 = arith.constant 0 : i32
      %dma_wait3A_71 = tpu.memref_slice %arg4[%add3A, %add3A_69, %dma_wait3A_70] : memref<32x100x100xi32, #tpu.memory_space<hbm>> -> memref<1x1x100xi32, #tpu.memory_space<hbm>>
      %dma_wait3A_72 = tpu.memref_squeeze %dma_wait3A_71 : memref<1x1x100xi32, #tpu.memory_space<hbm>> -> memref<100xi32, #tpu.memory_space<hbm>>
      %dma_wait3A_73 = arith.constant 0 : i32
      %dma_wait3A_74 = tpu.memref_slice %arg4[%add3A, %add3A_69, %dma_wait3A_73] : memref<32x100x100xi32, #tpu.memory_space<hbm>> -> memref<1x1x100xi32, #tpu.memory_space<hbm>>
      %dma_wait3A_75 = tpu.memref_squeeze %dma_wait3A_74 : memref<1x1x100xi32, #tpu.memory_space<hbm>> -> memref<100xi32, #tpu.memory_space<hbm>>
      tpu.wait_dma2 semaphore(%arg16 : memref<!tpu.dma_semaphore, #tpu.memory_space<semaphore_mem>>) src(%dma_wait3A_75 : memref<100xi32, #tpu.memory_space<hbm>>) dst(%arg9 : memref<100xi32, #tpu.memory_space<vmem>>)
      "tpu.region"() ({
        %run_scoped3A = tpu.sem_alloc : memref<!tpu.dma_semaphore, #tpu.memory_space<semaphore_mem>>
        %dma_start3A_76 = arith.constant 0 : i32
        %dma_start3A_77 = arith.constant 0 : i32
        %dma_start3A_78 = tpu.memref_slice %arg12[%dma_start3A_76, %dma_start3A_77] : memref<10240x128xf32, #tpu.memory_space<vmem_shared>> -> memref<10240x128xf32, #tpu.memory_space<vmem_shared>>
        tpu.enqueue_indirect_dma source(%arg11 : memref<100x128xf32, #tpu.memory_space<vmem>>) target(%dma_start3A_78 : memref<10240x128xf32, #tpu.memory_space<vmem_shared>>) offsets(%arg9 : memref<100xi32, #tpu.memory_space<vmem>>) semaphore(%run_scoped3A : memref<!tpu.dma_semaphore, #tpu.memory_space<semaphore_mem>>) {add = true}
        %dma_wait3A_79 = arith.constant 0 : i32
        %dma_wait3A_80 = arith.constant 0 : i32
        %dma_wait3A_81 = tpu.memref_slice %arg12[%dma_wait3A_79, %dma_wait3A_80] : memref<10240x128xf32, #tpu.memory_space<vmem_shared>> -> memref<10240x128xf32, #tpu.memory_space<vmem_shared>>
        tpu.wait_indirect_dma semaphore(%run_scoped3A : memref<!tpu.dma_semaphore, #tpu.memory_space<semaphore_mem>>) src(%arg11 : memref<100x128xf32, #tpu.memory_space<vmem>>) dst(%dma_wait3A_81 : memref<10240x128xf32, #tpu.memory_space<vmem_shared>>)
        tpu.yield
      }) : () -> ()
    }
    %scan3A_20 = arith.constant 50 : i32
    %barrier3A_21 = arith.constant 0 : index
    tpu.barrier barrier_id(%barrier3A_21)
    %mul3A_22 = arith.constant 640 : i32
    %mul3A_23 = arith.muli %arg1, %mul3A_22 : i32
    %mul3A_24 = arith.constant 640 : i32
    %mul3A_25 = arith.muli %arg1, %mul3A_24 : i32
    "tpu.region"() ({
      %run_scoped3A = tpu.sem_alloc : memref<!tpu.dma_semaphore, #tpu.memory_space<semaphore_mem>>
      %dma_start3A_26 = arith.constant 0 : i32
      %dma_start3A_27 = tpu.memref_slice %arg6[%arg0, %mul3A_25, %dma_start3A_26] : memref<2x10240x128xf32, #tpu.memory_space<hbm>> -> memref<1x640x128xf32, #tpu.memory_space<hbm>>
      %dma_start3A_28 = tpu.memref_squeeze %dma_start3A_27 : memref<1x640x128xf32, #tpu.memory_space<hbm>> -> memref<640x128xf32, #tpu.memory_space<hbm>>
      %dma_start3A_29 = arith.constant 0 : i32
      %dma_start3A_30 = tpu.memref_slice %arg12[%mul3A_23, %dma_start3A_29] : memref<10240x128xf32, #tpu.memory_space<vmem_shared>> -> memref<640x128xf32, #tpu.memory_space<vmem_shared>>
      tpu.enqueue_dma source(%dma_start3A_30 : memref<640x128xf32, #tpu.memory_space<vmem_shared>>) target(%dma_start3A_28 : memref<640x128xf32, #tpu.memory_space<hbm>>) target_semaphore(%run_scoped3A : memref<!tpu.dma_semaphore, #tpu.memory_space<semaphore_mem>>)
      %dma_wait3A = arith.constant 0 : i32
      %dma_wait3A_31 = tpu.memref_slice %arg6[%arg0, %mul3A_25, %dma_wait3A] : memref<2x10240x128xf32, #tpu.memory_space<hbm>> -> memref<1x640x128xf32, #tpu.memory_space<hbm>>
      %dma_wait3A_32 = tpu.memref_squeeze %dma_wait3A_31 : memref<1x640x128xf32, #tpu.memory_space<hbm>> -> memref<640x128xf32, #tpu.memory_space<hbm>>
      %dma_wait3A_33 = arith.constant 0 : i32
      %dma_wait3A_34 = tpu.memref_slice %arg12[%mul3A_23, %dma_wait3A_33] : memref<10240x128xf32, #tpu.memory_space<vmem_shared>> -> memref<640x128xf32, #tpu.memory_space<vmem_shared>>
      tpu.wait_dma2 semaphore(%run_scoped3A : memref<!tpu.dma_semaphore, #tpu.memory_space<semaphore_mem>>) src(%dma_wait3A_34 : memref<640x128xf32, #tpu.memory_space<vmem_shared>>) dst(%dma_wait3A_32 : memref<640x128xf32, #tpu.memory_space<hbm>>)
      tpu.yield
    }) : () -> ()
    return
  }
}

#map = affine_map<(d0, d1) -> (0, 0)>
#map1 = affine_map<(d0, d1) -> (0, 0, 0)>
module attributes {stable_mosaic.version = 14 : i64} {
  func.func @k(%arg0: i32, %arg1: i32, %arg2: memref<10000x128xf32, #tpu.memory_space<hbm>>, %arg3: memref<32x100x100xi32, #tpu.memory_space<hbm>>, %arg4: memref<32x100x100xi32, #tpu.memory_space<hbm>>, %arg5: memref<640x128xf32, #tpu.memory_space<hbm>>, %arg6: memref<2x10240x128xf32, #tpu.memory_space<hbm>>, %arg7: memref<100x100xi32, #tpu.memory_space<vmem>>, %arg8: memref<100xi32, #tpu.memory_space<vmem>>, %arg9: memref<100xi32, #tpu.memory_space<vmem>>, %arg10: memref<100x128xf32, #tpu.memory_space<vmem>>, %arg11: memref<100x128xf32, #tpu.memory_space<vmem>>, %arg12: memref<10240x128xf32, #tpu.memory_space<vmem_shared>>, %arg13: memref<!tpu.dma_semaphore, #tpu.memory_space<semaphore_mem>>, %arg14: memref<!tpu.dma_semaphore, #tpu.memory_space<semaphore_mem>>, %arg15: memref<!tpu.dma_semaphore, #tpu.memory_space<semaphore_mem>>, %arg16: memref<!tpu.dma_semaphore, #tpu.memory_space<semaphore_mem>>) attributes {dimension_semantics = [#tpu.dimension_semantics<core_parallel>, #tpu.dimension_semantics<subcore_parallel>], iteration_bounds = array<i64: 2, 16>, scalar_prefetch = 0 : i64, scratch_operands = 10 : i64, tpu.core_type = #tpu.core_type<sc_vector_subcore>, window_params = [{transform_indices = #map}, {transform_indices = #map1}, {transform_indices = #map1}, {transform_indices = #map}, {transform_indices = #map1}]} {
    %mul3A = arith.constant 2 : i32
    %mul3A_0 = arith.muli %arg1, %mul3A : i32
    %add3A = arith.addi %mul3A_0, %arg0 : i32
    %mul3A_1 = arith.constant 640 : i32
    %mul3A_2 = arith.muli %arg1, %mul3A_1 : i32
    "tpu.region"() ({
      %run_scoped3A = tpu.sem_alloc : memref<!tpu.dma_semaphore, #tpu.memory_space<semaphore_mem>>
      %dma_start3A_26 = arith.constant 0 : i32
      %dma_start3A_27 = tpu.memref_slice %arg12[%mul3A_2, %dma_start3A_26] : memref<10240x128xf32, #tpu.memory_space<vmem_shared>> -> memref<640x128xf32, #tpu.memory_space<vmem_shared>>
      tpu.enqueue_dma source(%arg5 : memref<640x128xf32, #tpu.memory_space<hbm>>) target(%dma_start3A_27 : memref<640x128xf32, #tpu.memory_space<vmem_shared>>) target_semaphore(%run_scoped3A : memref<!tpu.dma_semaphore, #tpu.memory_space<semaphore_mem>>)
      %dma_wait3A = arith.constant 0 : i32
      %dma_wait3A_28 = tpu.memref_slice %arg12[%mul3A_2, %dma_wait3A] : memref<10240x128xf32, #tpu.memory_space<vmem_shared>> -> memref<640x128xf32, #tpu.memory_space<vmem_shared>>
      tpu.wait_dma2 semaphore(%run_scoped3A : memref<!tpu.dma_semaphore, #tpu.memory_space<semaphore_mem>>) src(%arg5 : memref<640x128xf32, #tpu.memory_space<hbm>>) dst(%dma_wait3A_28 : memref<640x128xf32, #tpu.memory_space<vmem_shared>>)
      tpu.yield
    }) : () -> ()
    "tpu.region"() ({
      %run_scoped3A = tpu.sem_alloc : memref<!tpu.dma_semaphore, #tpu.memory_space<semaphore_mem>>
      %dma_start3A_26 = arith.constant 0 : i32
      %dma_start3A_27 = arith.constant 0 : i32
      %dma_start3A_28 = tpu.memref_slice %arg3[%add3A, %dma_start3A_26, %dma_start3A_27] : memref<32x100x100xi32, #tpu.memory_space<hbm>> -> memref<1x100x100xi32, #tpu.memory_space<hbm>>
      %dma_start3A_29 = tpu.memref_squeeze %dma_start3A_28 : memref<1x100x100xi32, #tpu.memory_space<hbm>> -> memref<100x100xi32, #tpu.memory_space<hbm>>
      %dma_start3A_30 = arith.constant 0 : i32
      %dma_start3A_31 = arith.constant 0 : i32
      %dma_start3A_32 = tpu.memref_slice %arg3[%add3A, %dma_start3A_30, %dma_start3A_31] : memref<32x100x100xi32, #tpu.memory_space<hbm>> -> memref<1x100x100xi32, #tpu.memory_space<hbm>>
      %dma_start3A_33 = tpu.memref_squeeze %dma_start3A_32 : memref<1x100x100xi32, #tpu.memory_space<hbm>> -> memref<100x100xi32, #tpu.memory_space<hbm>>
      tpu.enqueue_dma source(%dma_start3A_33 : memref<100x100xi32, #tpu.memory_space<hbm>>) target(%arg7 : memref<100x100xi32, #tpu.memory_space<vmem>>) target_semaphore(%run_scoped3A : memref<!tpu.dma_semaphore, #tpu.memory_space<semaphore_mem>>)
      %dma_wait3A = arith.constant 0 : i32
      %dma_wait3A_34 = arith.constant 0 : i32
      %dma_wait3A_35 = tpu.memref_slice %arg3[%add3A, %dma_wait3A, %dma_wait3A_34] : memref<32x100x100xi32, #tpu.memory_space<hbm>> -> memref<1x100x100xi32, #tpu.memory_space<hbm>>
      %dma_wait3A_36 = tpu.memref_squeeze %dma_wait3A_35 : memref<1x100x100xi32, #tpu.memory_space<hbm>> -> memref<100x100xi32, #tpu.memory_space<hbm>>
      %dma_wait3A_37 = arith.constant 0 : i32
      %dma_wait3A_38 = arith.constant 0 : i32
      %dma_wait3A_39 = tpu.memref_slice %arg3[%add3A, %dma_wait3A_37, %dma_wait3A_38] : memref<32x100x100xi32, #tpu.memory_space<hbm>> -> memref<1x100x100xi32, #tpu.memory_space<hbm>>
      %dma_wait3A_40 = tpu.memref_squeeze %dma_wait3A_39 : memref<1x100x100xi32, #tpu.memory_space<hbm>> -> memref<100x100xi32, #tpu.memory_space<hbm>>
      tpu.wait_dma2 semaphore(%run_scoped3A : memref<!tpu.dma_semaphore, #tpu.memory_space<semaphore_mem>>) src(%dma_wait3A_40 : memref<100x100xi32, #tpu.memory_space<hbm>>) dst(%arg7 : memref<100x100xi32, #tpu.memory_space<vmem>>)
      tpu.yield
    }) : () -> ()
    %barrier3A = arith.constant 0 : index
    tpu.barrier barrier_id(%barrier3A)
    %dma_start3A = arith.constant 0 : i32
    %dma_start3A_3 = arith.constant 0 : i32
    %dma_start3A_4 = tpu.memref_slice %arg4[%add3A, %dma_start3A, %dma_start3A_3] : memref<32x100x100xi32, #tpu.memory_space<hbm>> -> memref<1x1x100xi32, #tpu.memory_space<hbm>>
    %dma_start3A_5 = tpu.memref_squeeze %dma_start3A_4 : memref<1x1x100xi32, #tpu.memory_space<hbm>> -> memref<100xi32, #tpu.memory_space<hbm>>
    %dma_start3A_6 = arith.constant 0 : i32
    %dma_start3A_7 = tpu.memref_slice %arg4[%add3A, %dma_start3A, %dma_start3A_6] : memref<32x100x100xi32, #tpu.memory_space<hbm>> -> memref<1x1x100xi32, #tpu.memory_space<hbm>>
    %dma_start3A_8 = tpu.memref_squeeze %dma_start3A_7 : memref<1x1x100xi32, #tpu.memory_space<hbm>> -> memref<100xi32, #tpu.memory_space<hbm>>
    tpu.enqueue_dma source(%dma_start3A_8 : memref<100xi32, #tpu.memory_space<hbm>>) target(%arg8 : memref<100xi32, #tpu.memory_space<vmem>>) target_semaphore(%arg15 : memref<!tpu.dma_semaphore, #tpu.memory_space<semaphore_mem>>)
    %dma_start3A_9 = arith.constant 0 : i32
    %dma_start3A_10 = arith.constant 0 : i32
    %dma_start3A_11 = tpu.memref_slice %arg7[%dma_start3A_9, %dma_start3A_10] : memref<100x100xi32, #tpu.memory_space<vmem>> -> memref<1x100xi32, #tpu.memory_space<vmem>>
    %dma_start3A_12 = tpu.memref_squeeze %dma_start3A_11 : memref<1x100xi32, #tpu.memory_space<vmem>> -> memref<100xi32, #tpu.memory_space<vmem>>
    %dma_start3A_13 = arith.constant 0 : i32
    %dma_start3A_14 = arith.constant 0 : i32
    %dma_start3A_15 = tpu.memref_slice %arg2[%dma_start3A_13, %dma_start3A_14] : memref<10000x128xf32, #tpu.memory_space<hbm>> -> memref<10000x128xf32, #tpu.memory_space<hbm>>
    tpu.enqueue_indirect_dma source(%dma_start3A_15 : memref<10000x128xf32, #tpu.memory_space<hbm>>) target(%arg10 : memref<100x128xf32, #tpu.memory_space<vmem>>) offsets(%dma_start3A_12 : memref<100xi32, #tpu.memory_space<vmem>>) semaphore(%arg13 : memref<!tpu.dma_semaphore, #tpu.memory_space<semaphore_mem>>)
    %scan3A = arith.constant 0 : i32
    %scan3A_16 = arith.constant 0 : i32
    %scan3A_17 = arith.constant 50 : i32
    %scan3A_18 = arith.addi %scan3A_16, %scan3A_17 : i32
    %scan3A_19 = arith.constant 1 : i32
    scf.for %scan3A_26 = %scan3A_16 to %scan3A_18 step %scan3A_19  : i32 {
      %mul3A_27 = arith.constant 2 : i32
      %mul3A_28 = arith.muli %mul3A_27, %scan3A_26 : i32
      %add3A_29 = arith.constant 1 : i32
      %add3A_30 = arith.addi %mul3A_28, %add3A_29 : i32
      %dma_start3A_31 = arith.constant 0 : i32
      %dma_start3A_32 = tpu.memref_slice %arg4[%add3A, %add3A_30, %dma_start3A_31] : memref<32x100x100xi32, #tpu.memory_space<hbm>> -> memref<1x1x100xi32, #tpu.memory_space<hbm>>
      %dma_start3A_33 = tpu.memref_squeeze %dma_start3A_32 : memref<1x1x100xi32, #tpu.memory_space<hbm>> -> memref<100xi32, #tpu.memory_space<hbm>>
      %dma_start3A_34 = arith.constant 0 : i32
      %dma_start3A_35 = tpu.memref_slice %arg4[%add3A, %add3A_30, %dma_start3A_34] : memref<32x100x100xi32, #tpu.memory_space<hbm>> -> memref<1x1x100xi32, #tpu.memory_space<hbm>>
      %dma_start3A_36 = tpu.memref_squeeze %dma_start3A_35 : memref<1x1x100xi32, #tpu.memory_space<hbm>> -> memref<100xi32, #tpu.memory_space<hbm>>
      tpu.enqueue_dma source(%dma_start3A_36 : memref<100xi32, #tpu.memory_space<hbm>>) target(%arg9 : memref<100xi32, #tpu.memory_space<vmem>>) target_semaphore(%arg16 : memref<!tpu.dma_semaphore, #tpu.memory_space<semaphore_mem>>)
      %add3A_37 = arith.constant 1 : i32
      %add3A_38 = arith.addi %mul3A_28, %add3A_37 : i32
      %dma_start3A_39 = arith.constant 0 : i32
      %dma_start3A_40 = tpu.memref_slice %arg7[%add3A_38, %dma_start3A_39] : memref<100x100xi32, #tpu.memory_space<vmem>> -> memref<1x100xi32, #tpu.memory_space<vmem>>
      %dma_start3A_41 = tpu.memref_squeeze %dma_start3A_40 : memref<1x100xi32, #tpu.memory_space<vmem>> -> memref<100xi32, #tpu.memory_space<vmem>>
      %dma_start3A_42 = arith.constant 0 : i32
      %dma_start3A_43 = arith.constant 0 : i32
      %dma_start3A_44 = tpu.memref_slice %arg2[%dma_start3A_42, %dma_start3A_43] : memref<10000x128xf32, #tpu.memory_space<hbm>> -> memref<10000x128xf32, #tpu.memory_space<hbm>>
      tpu.enqueue_indirect_dma source(%dma_start3A_44 : memref<10000x128xf32, #tpu.memory_space<hbm>>) target(%arg11 : memref<100x128xf32, #tpu.memory_space<vmem>>) offsets(%dma_start3A_41 : memref<100xi32, #tpu.memory_space<vmem>>) semaphore(%arg14 : memref<!tpu.dma_semaphore, #tpu.memory_space<semaphore_mem>>)
      %dma_wait3A = arith.constant 0 : i32
      %dma_wait3A_45 = tpu.memref_slice %arg7[%mul3A_28, %dma_wait3A] : memref<100x100xi32, #tpu.memory_space<vmem>> -> memref<1x100xi32, #tpu.memory_space<vmem>>
      %dma_wait3A_46 = tpu.memref_squeeze %dma_wait3A_45 : memref<1x100xi32, #tpu.memory_space<vmem>> -> memref<100xi32, #tpu.memory_space<vmem>>
      %dma_wait3A_47 = arith.constant 0 : i32
      %dma_wait3A_48 = arith.constant 0 : i32
      %dma_wait3A_49 = tpu.memref_slice %arg2[%dma_wait3A_47, %dma_wait3A_48] : memref<10000x128xf32, #tpu.memory_space<hbm>> -> memref<10000x128xf32, #tpu.memory_space<hbm>>
      tpu.wait_indirect_dma semaphore(%arg13 : memref<!tpu.dma_semaphore, #tpu.memory_space<semaphore_mem>>) src(%dma_wait3A_49 : memref<10000x128xf32, #tpu.memory_space<hbm>>) dst(%arg10 : memref<100x128xf32, #tpu.memory_space<vmem>>)
      %dma_wait3A_50 = arith.constant 0 : i32
      %dma_wait3A_51 = tpu.memref_slice %arg4[%add3A, %mul3A_28, %dma_wait3A_50] : memref<32x100x100xi32, #tpu.memory_space<hbm>> -> memref<1x1x100xi32, #tpu.memory_space<hbm>>
      %dma_wait3A_52 = tpu.memref_squeeze %dma_wait3A_51 : memref<1x1x100xi32, #tpu.memory_space<hbm>> -> memref<100xi32, #tpu.memory_space<hbm>>
      %dma_wait3A_53 = arith.constant 0 : i32
      %dma_wait3A_54 = tpu.memref_slice %arg4[%add3A, %mul3A_28, %dma_wait3A_53] : memref<32x100x100xi32, #tpu.memory_space<hbm>> -> memref<1x1x100xi32, #tpu.memory_space<hbm>>
      %dma_wait3A_55 = tpu.memref_squeeze %dma_wait3A_54 : memref<1x1x100xi32, #tpu.memory_space<hbm>> -> memref<100xi32, #tpu.memory_space<hbm>>
      tpu.wait_dma2 semaphore(%arg15 : memref<!tpu.dma_semaphore, #tpu.memory_space<semaphore_mem>>) src(%dma_wait3A_55 : memref<100xi32, #tpu.memory_space<hbm>>) dst(%arg8 : memref<100xi32, #tpu.memory_space<vmem>>)
      "tpu.region"() ({
        %run_scoped3A = tpu.sem_alloc : memref<!tpu.dma_semaphore, #tpu.memory_space<semaphore_mem>>
        %dma_start3A_76 = arith.constant 0 : i32
        %dma_start3A_77 = arith.constant 0 : i32
        %dma_start3A_78 = tpu.memref_slice %arg12[%dma_start3A_76, %dma_start3A_77] : memref<10240x128xf32, #tpu.memory_space<vmem_shared>> -> memref<10240x128xf32, #tpu.memory_space<vmem_shared>>
        tpu.enqueue_indirect_dma source(%arg10 : memref<100x128xf32, #tpu.memory_space<vmem>>) target(%dma_start3A_78 : memref<10240x128xf32, #tpu.memory_space<vmem_shared>>) offsets(%arg8 : memref<100xi32, #tpu.memory_space<vmem>>) semaphore(%run_scoped3A : memref<!tpu.dma_semaphore, #tpu.memory_space<semaphore_mem>>) {add = true}
        %dma_wait3A_79 = arith.constant 0 : i32
        %dma_wait3A_80 = arith.constant 0 : i32
        %dma_wait3A_81 = tpu.memref_slice %arg12[%dma_wait3A_79, %dma_wait3A_80] : memref<10240x128xf32, #tpu.memory_space<vmem_shared>> -> memref<10240x128xf32, #tpu.memory_space<vmem_shared>>
        tpu.wait_indirect_dma semaphore(%run_scoped3A : memref<!tpu.dma_semaphore, #tpu.memory_space<semaphore_mem>>) src(%arg10 : memref<100x128xf32, #tpu.memory_space<vmem>>) dst(%dma_wait3A_81 : memref<10240x128xf32, #tpu.memory_space<vmem_shared>>)
        tpu.yield
      }) : () -> ()
      %add3A_56 = arith.constant 1 : i32
      %add3A_57 = arith.addi %scan3A_26, %add3A_56 : i32
      %lt3A = arith.constant 50 : i32
      %lt3A_58 = arith.cmpi slt, %add3A_57, %lt3A : i32
      %convert_element_type3A = arith.extui %lt3A_58 : i1 to i32
      %cond3A = arith.constant 0 : i32
      %cond3A_59 = arith.cmpi ne, %convert_element_type3A, %cond3A : i32
      scf.if %cond3A_59 {
        %add3A_76 = arith.constant 2 : i32
        %add3A_77 = arith.addi %mul3A_28, %add3A_76 : i32
        %dma_start3A_78 = arith.constant 0 : i32
        %dma_start3A_79 = tpu.memref_slice %arg4[%add3A, %add3A_77, %dma_start3A_78] : memref<32x100x100xi32, #tpu.memory_space<hbm>> -> memref<1x1x100xi32, #tpu.memory_space<hbm>>
        %dma_start3A_80 = tpu.memref_squeeze %dma_start3A_79 : memref<1x1x100xi32, #tpu.memory_space<hbm>> -> memref<100xi32, #tpu.memory_space<hbm>>
        %dma_start3A_81 = arith.constant 0 : i32
        %dma_start3A_82 = tpu.memref_slice %arg4[%add3A, %add3A_77, %dma_start3A_81] : memref<32x100x100xi32, #tpu.memory_space<hbm>> -> memref<1x1x100xi32, #tpu.memory_space<hbm>>
        %dma_start3A_83 = tpu.memref_squeeze %dma_start3A_82 : memref<1x1x100xi32, #tpu.memory_space<hbm>> -> memref<100xi32, #tpu.memory_space<hbm>>
        tpu.enqueue_dma source(%dma_start3A_83 : memref<100xi32, #tpu.memory_space<hbm>>) target(%arg8 : memref<100xi32, #tpu.memory_space<vmem>>) target_semaphore(%arg15 : memref<!tpu.dma_semaphore, #tpu.memory_space<semaphore_mem>>)
        %add3A_84 = arith.constant 2 : i32
        %add3A_85 = arith.addi %mul3A_28, %add3A_84 : i32
        %dma_start3A_86 = arith.constant 0 : i32
        %dma_start3A_87 = tpu.memref_slice %arg7[%add3A_85, %dma_start3A_86] : memref<100x100xi32, #tpu.memory_space<vmem>> -> memref<1x100xi32, #tpu.memory_space<vmem>>
        %dma_start3A_88 = tpu.memref_squeeze %dma_start3A_87 : memref<1x100xi32, #tpu.memory_space<vmem>> -> memref<100xi32, #tpu.memory_space<vmem>>
        %dma_start3A_89 = arith.constant 0 : i32
        %dma_start3A_90 = arith.constant 0 : i32
        %dma_start3A_91 = tpu.memref_slice %arg2[%dma_start3A_89, %dma_start3A_90] : memref<10000x128xf32, #tpu.memory_space<hbm>> -> memref<10000x128xf32, #tpu.memory_space<hbm>>
        tpu.enqueue_indirect_dma source(%dma_start3A_91 : memref<10000x128xf32, #tpu.memory_space<hbm>>) target(%arg10 : memref<100x128xf32, #tpu.memory_space<vmem>>) offsets(%dma_start3A_88 : memref<100xi32, #tpu.memory_space<vmem>>) semaphore(%arg13 : memref<!tpu.dma_semaphore, #tpu.memory_space<semaphore_mem>>)
      } else {
      }
      %add3A_60 = arith.constant 1 : i32
      %add3A_61 = arith.addi %mul3A_28, %add3A_60 : i32
      %dma_wait3A_62 = arith.constant 0 : i32
      %dma_wait3A_63 = tpu.memref_slice %arg7[%add3A_61, %dma_wait3A_62] : memref<100x100xi32, #tpu.memory_space<vmem>> -> memref<1x100xi32, #tpu.memory_space<vmem>>
      %dma_wait3A_64 = tpu.memref_squeeze %dma_wait3A_63 : memref<1x100xi32, #tpu.memory_space<vmem>> -> memref<100xi32, #tpu.memory_space<vmem>>
      %dma_wait3A_65 = arith.constant 0 : i32
      %dma_wait3A_66 = arith.constant 0 : i32
      %dma_wait3A_67 = tpu.memref_slice %arg2[%dma_wait3A_65, %dma_wait3A_66] : memref<10000x128xf32, #tpu.memory_space<hbm>> -> memref<10000x128xf32, #tpu.memory_space<hbm>>
      tpu.wait_indirect_dma semaphore(%arg14 : memref<!tpu.dma_semaphore, #tpu.memory_space<semaphore_mem>>) src(%dma_wait3A_67 : memref<10000x128xf32, #tpu.memory_space<hbm>>) dst(%arg11 : memref<100x128xf32, #tpu.memory_space<vmem>>)
      %add3A_68 = arith.constant 1 : i32
      %add3A_69 = arith.addi %mul3A_28, %add3A_68 : i32
      %dma_wait3A_70 = arith.constant 0 : i32
      %dma_wait3A_71 = tpu.memref_slice %arg4[%add3A, %add3A_69, %dma_wait3A_70] : memref<32x100x100xi32, #tpu.memory_space<hbm>> -> memref<1x1x100xi32, #tpu.memory_space<hbm>>
      %dma_wait3A_72 = tpu.memref_squeeze %dma_wait3A_71 : memref<1x1x100xi32, #tpu.memory_space<hbm>> -> memref<100xi32, #tpu.memory_space<hbm>>
      %dma_wait3A_73 = arith.constant 0 : i32
      %dma_wait3A_74 = tpu.memref_slice %arg4[%add3A, %add3A_69, %dma_wait3A_73] : memref<32x100x100xi32, #tpu.memory_space<hbm>> -> memref<1x1x100xi32, #tpu.memory_space<hbm>>
      %dma_wait3A_75 = tpu.memref_squeeze %dma_wait3A_74 : memref<1x1x100xi32, #tpu.memory_space<hbm>> -> memref<100xi32, #tpu.memory_space<hbm>>
      tpu.wait_dma2 semaphore(%arg16 : memref<!tpu.dma_semaphore, #tpu.memory_space<semaphore_mem>>) src(%dma_wait3A_75 : memref<100xi32, #tpu.memory_space<hbm>>) dst(%arg9 : memref<100xi32, #tpu.memory_space<vmem>>)
      "tpu.region"() ({
        %run_scoped3A = tpu.sem_alloc : memref<!tpu.dma_semaphore, #tpu.memory_space<semaphore_mem>>
        %dma_start3A_76 = arith.constant 0 : i32
        %dma_start3A_77 = arith.constant 0 : i32
        %dma_start3A_78 = tpu.memref_slice %arg12[%dma_start3A_76, %dma_start3A_77] : memref<10240x128xf32, #tpu.memory_space<vmem_shared>> -> memref<10240x128xf32, #tpu.memory_space<vmem_shared>>
        tpu.enqueue_indirect_dma source(%arg11 : memref<100x128xf32, #tpu.memory_space<vmem>>) target(%dma_start3A_78 : memref<10240x128xf32, #tpu.memory_space<vmem_shared>>) offsets(%arg9 : memref<100xi32, #tpu.memory_space<vmem>>) semaphore(%run_scoped3A : memref<!tpu.dma_semaphore, #tpu.memory_space<semaphore_mem>>) {add = true}
        %dma_wait3A_79 = arith.constant 0 : i32
        %dma_wait3A_80 = arith.constant 0 : i32
        %dma_wait3A_81 = tpu.memref_slice %arg12[%dma_wait3A_79, %dma_wait3A_80] : memref<10240x128xf32, #tpu.memory_space<vmem_shared>> -> memref<10240x128xf32, #tpu.memory_space<vmem_shared>>
        tpu.wait_indirect_dma semaphore(%run_scoped3A : memref<!tpu.dma_semaphore, #tpu.memory_space<semaphore_mem>>) src(%arg11 : memref<100x128xf32, #tpu.memory_space<vmem>>) dst(%dma_wait3A_81 : memref<10240x128xf32, #tpu.memory_space<vmem_shared>>)
        tpu.yield
      }) : () -> ()
    }
    %scan3A_20 = arith.constant 50 : i32
    %barrier3A_21 = arith.constant 0 : index
    tpu.barrier barrier_id(%barrier3A_21)
    %mul3A_22 = arith.constant 640 : i32
    %mul3A_23 = arith.muli %arg1, %mul3A_22 : i32
    %mul3A_24 = arith.constant 640 : i32
    %mul3A_25 = arith.muli %arg1, %mul3A_24 : i32
    "tpu.region"() ({
      %run_scoped3A = tpu.sem_alloc : memref<!tpu.dma_semaphore, #tpu.memory_space<semaphore_mem>>
      %dma_start3A_26 = arith.constant 0 : i32
      %dma_start3A_27 = tpu.memref_slice %arg6[%arg0, %mul3A_25, %dma_start3A_26] : memref<2x10240x128xf32, #tpu.memory_space<hbm>> -> memref<1x640x128xf32, #tpu.memory_space<hbm>>
      %dma_start3A_28 = tpu.memref_squeeze %dma_start3A_27 : memref<1x640x128xf32, #tpu.memory_space<hbm>> -> memref<640x128xf32, #tpu.memory_space<hbm>>
      %dma_start3A_29 = arith.constant 0 : i32
      %dma_start3A_30 = tpu.memref_slice %arg12[%mul3A_23, %dma_start3A_29] : memref<10240x128xf32, #tpu.memory_space<vmem_shared>> -> memref<640x128xf32, #tpu.memory_space<vmem_shared>>
      tpu.enqueue_dma source(%dma_start3A_30 : memref<640x128xf32, #tpu.memory_space<vmem_shared>>) target(%dma_start3A_28 : memref<640x128xf32, #tpu.memory_space<hbm>>) target_semaphore(%run_scoped3A : memref<!tpu.dma_semaphore, #tpu.memory_space<semaphore_mem>>)
      %dma_wait3A = arith.constant 0 : i32
      %dma_wait3A_31 = tpu.memref_slice %arg6[%arg0, %mul3A_25, %dma_wait3A] : memref<2x10240x128xf32, #tpu.memory_space<hbm>> -> memref<1x640x128xf32, #tpu.memory_space<hbm>>
      %dma_wait3A_32 = tpu.memref_squeeze %dma_wait3A_31 : memref<1x640x128xf32, #tpu.memory_space<hbm>> -> memref<640x128xf32, #tpu.memory_space<hbm>>
      %dma_wait3A_33 = arith.constant 0 : i32
      %dma_wait3A_34 = tpu.memref_slice %arg12[%mul3A_23, %dma_wait3A_33] : memref<10240x128xf32, #tpu.memory_space<vmem_shared>> -> memref<640x128xf32, #tpu.memory_space<vmem_shared>>
      tpu.wait_dma2 semaphore(%run_scoped3A : memref<!tpu.dma_semaphore, #tpu.memory_space<semaphore_mem>>) src(%dma_wait3A_34 : memref<640x128xf32, #tpu.memory_space<vmem_shared>>) dst(%dma_wait3A_32 : memref<640x128xf32, #tpu.memory_space<hbm>>)
      tpu.yield
    }) : () -> ()
    return
  }
}

module attributes {stable_mosaic.version = 14 : i64} {
  func.func @body(%arg0: i32, %arg1: memref<1000x128xf32, #tpu.memory_space<vmem>>, %arg2: memref<128x256xf32, #tpu.memory_space<vmem>>, %arg3: memref<1000x256xf32, #tpu.memory_space<vmem>>) attributes {dimension_semantics = [#tpu.dimension_semantics<arbitrary>], iteration_bounds = array<i64: 10>, scalar_prefetch = 0 : i64, scratch_operands = 0 : i64, tpu.core_type = #tpu.core_type<tc>, window_params = [{transform_indices = @transform_0, window_bounds = array<i64: 1000, 128>}, {pipeline_mode = #tpu.pipeline_mode<synchronous>, transform_indices = @transform_1, window_bounds = array<i64: 128, 256>}, {transform_indices = @transform_2, window_bounds = array<i64: 1000, 256>}]} {
    %get3A = arith.constant 0 : index
    %get3A_0 = arith.constant 0 : index
    %get3A_1 = vector.load %arg1[%get3A, %get3A_0] : memref<1000x128xf32, #tpu.memory_space<vmem>>, vector<1000x128xf32>
    %get3A_2 = arith.constant 0 : index
    %get3A_3 = arith.constant 0 : index
    %get3A_4 = vector.load %arg2[%get3A_2, %get3A_3] : memref<128x256xf32, #tpu.memory_space<vmem>>, vector<128x256xf32>
    %dot_general3A = arith.constant dense<0.000000e+00> : vector<1000x256xf32>
    %dot_general3A_5 = tpu.matmul %get3A_1, %get3A_4, %dot_general3A {dimension_numbers = #tpu.dot_dimension_numbers<[1], [0], [0], [1], [0, 0, 1, 1], [], []>, precision = #tpu.contract_precision<fp32>, transpose_lhs_hint = false} : vector<1000x128xf32>, vector<128x256xf32>, vector<1000x256xf32> -> vector<1000x256xf32>
    %swap3A = arith.constant 0 : index
    %swap3A_6 = arith.constant 0 : index
    %swap3A_7 = vector.load %arg3[%swap3A, %swap3A_6] : memref<1000x256xf32, #tpu.memory_space<vmem>>, vector<1000x256xf32>
    tpu.vector_store %arg3[%swap3A, %swap3A_6], %dot_general3A_5 {strides = array<i32>} : memref<1000x256xf32, #tpu.memory_space<vmem>>, vector<1000x256xf32>,
    return
  }
  func.func @transform_0(%arg0: i32) -> (i32, i32) {
    %c0_i32 = arith.constant 0 : i32
    %c0_i32_0 = arith.constant 0 : i32
    return %arg0, %c0_i32 : i32, i32
  }
  func.func @transform_1(%arg0: i32) -> (i32, i32) {
    %c0_i32 = arith.constant 0 : i32
    %c0_i32_0 = arith.constant 0 : i32
    %c0_i32_1 = arith.constant 0 : i32
    return %c0_i32, %c0_i32_0 : i32, i32
  }
  func.func @transform_2(%arg0: i32) -> (i32, i32) {
    %c0_i32 = arith.constant 0 : i32
    %c0_i32_0 = arith.constant 0 : i32
    return %arg0, %c0_i32 : i32, i32
  }
}

module attributes {stable_mosaic.version = 14 : i64} {
  func.func @body(%arg0: i32, %arg1: memref<1000x128xf32, #tpu.memory_space<vmem>>, %arg2: memref<1000x128xf32, #tpu.memory_space<vmem>>, %arg3: memref<1000x128xf32, #tpu.memory_space<vmem>>) attributes {dimension_semantics = [#tpu.dimension_semantics<arbitrary>], iteration_bounds = array<i64: 10>, scalar_prefetch = 0 : i64, scratch_operands = 0 : i64, tpu.core_type = #tpu.core_type<tc>, window_params = [{transform_indices = @transform_0, window_bounds = array<i64: 1000, 128>}, {transform_indices = @transform_1, window_bounds = array<i64: 1000, 128>}, {transform_indices = @transform_2, window_bounds = array<i64: 1000, 128>}]} {
    %get3A = arith.constant 0 : index
    %get3A_0 = arith.constant 0 : index
    %get3A_1 = vector.load %arg1[%get3A, %get3A_0] : memref<1000x128xf32, #tpu.memory_space<vmem>>, vector<1000x128xf32>
    %get3A_2 = arith.constant 0 : index
    %get3A_3 = arith.constant 0 : index
    %get3A_4 = vector.load %arg2[%get3A_2, %get3A_3] : memref<1000x128xf32, #tpu.memory_space<vmem>>, vector<1000x128xf32>
    %add3A = arith.addf %get3A_1, %get3A_4 : vector<1000x128xf32>
    %max3A = arith.constant 1.000000e+00 : f32
    %max3A_5 = vector.broadcast %max3A : f32 to vector<1000x128xf32>
    %max3A_6 = arith.maximumf %add3A, %max3A_5 : vector<1000x128xf32>
    %div3A = arith.constant 1.000000e+00 : f32
    %div3A_7 = vector.broadcast %div3A : f32 to vector<1000x128xf32>
    %div3A_8 = arith.divf %div3A_7, %max3A_6 : vector<1000x128xf32>
    %swap3A = arith.constant 0 : index
    %swap3A_9 = arith.constant 0 : index
    %swap3A_10 = vector.load %arg3[%swap3A, %swap3A_9] : memref<1000x128xf32, #tpu.memory_space<vmem>>, vector<1000x128xf32>
    tpu.vector_store %arg3[%swap3A, %swap3A_9], %div3A_8 {strides = array<i32>} : memref<1000x128xf32, #tpu.memory_space<vmem>>, vector<1000x128xf32>,
    return
  }
  func.func @transform_0(%arg0: i32) -> (i32, i32) {
    %c0_i32 = arith.constant 0 : i32
    %c0_i32_0 = arith.constant 0 : i32
    return %arg0, %c0_i32 : i32, i32
  }
  func.func @transform_1(%arg0: i32) -> (i32, i32) {
    %c0_i32 = arith.constant 0 : i32
    %c0_i32_0 = arith.constant 0 : i32
    return %arg0, %c0_i32 : i32, i32
  }
  func.func @transform_2(%arg0: i32) -> (i32, i32) {
    %c0_i32 = arith.constant 0 : i32
    %c0_i32_0 = arith.constant 0 : i32
    return %arg0, %c0_i32 : i32, i32
  }
}

module attributes {stable_mosaic.version = 14 : i64} {
  func.func @body(%arg0: i32, %arg1: memref<1000x128xf32, #tpu.memory_space<vmem>>, %arg2: memref<1000x128xf32, #tpu.memory_space<vmem>>, %arg3: memref<1000x128xf32, #tpu.memory_space<vmem>>, %arg4: memref<1000x128xf32, #tpu.memory_space<vmem>>, %arg5: memref<1x128xf32, #tpu.memory_space<vmem>>, %arg6: memref<128x256xf32, #tpu.memory_space<vmem>>, %arg7: memref<1000x256xf32, #tpu.memory_space<vmem>>) attributes {dimension_semantics = [#tpu.dimension_semantics<arbitrary>], iteration_bounds = array<i64: 10>, scalar_prefetch = 0 : i64, scratch_operands = 0 : i64, tpu.core_type = #tpu.core_type<tc>, window_params = [{transform_indices = @transform_0, window_bounds = array<i64: 1000, 128>}, {transform_indices = @transform_1, window_bounds = array<i64: 1000, 128>}, {transform_indices = @transform_2, window_bounds = array<i64: 1000, 128>}, {transform_indices = @transform_3, window_bounds = array<i64: 1000, 128>}, {pipeline_mode = #tpu.pipeline_mode<synchronous>, transform_indices = @transform_4, window_bounds = array<i64: 1, 128>}, {pipeline_mode = #tpu.pipeline_mode<synchronous>, transform_indices = @transform_5, window_bounds = array<i64: 128, 256>}, {transform_indices = @transform_6, window_bounds = array<i64: 1000, 256>}]} {
    %get3A = arith.constant 0 : index
    %get3A_0 = arith.constant 0 : index
    %get3A_1 = vector.load %arg1[%get3A, %get3A_0] : memref<1000x128xf32, #tpu.memory_space<vmem>>, vector<1000x128xf32>
    %get3A_2 = arith.constant 0 : index
    %get3A_3 = arith.constant 0 : index
    %get3A_4 = vector.load %arg2[%get3A_2, %get3A_3] : memref<1000x128xf32, #tpu.memory_space<vmem>>, vector<1000x128xf32>
    %add3A = arith.addf %get3A_1, %get3A_4 : vector<1000x128xf32>
    %get3A_5 = arith.constant 0 : index
    %get3A_6 = arith.constant 0 : index
    %get3A_7 = vector.load %arg3[%get3A_5, %get3A_6] : memref<1000x128xf32, #tpu.memory_space<vmem>>, vector<1000x128xf32>
    %mul3A = arith.mulf %add3A, %get3A_7 : vector<1000x128xf32>
    %get3A_8 = arith.constant 0 : index
    %get3A_9 = arith.constant 0 : index
    %get3A_10 = vector.load %arg5[%get3A_8, %get3A_9] : memref<1x128xf32, #tpu.memory_space<vmem>>, vector<1x128xf32>
    %add3A_11 = vector.broadcast %get3A_10 : vector<1x128xf32> to vector<1000x128xf32>
    %add3A_12 = arith.addf %mul3A, %add3A_11 : vector<1000x128xf32>
    %get3A_13 = arith.constant 0 : index
    %get3A_14 = arith.constant 0 : index
    %get3A_15 = vector.load %arg4[%get3A_13, %get3A_14] : memref<1000x128xf32, #tpu.memory_space<vmem>>, vector<1000x128xf32>
    %add3A_16 = arith.addf %add3A_12, %get3A_15 : vector<1000x128xf32>
    %max3A = arith.constant 0.000000e+00 : f32
    %max3A_17 = vector.broadcast %max3A : f32 to vector<1000x128xf32>
    %max3A_18 = arith.maximumf %add3A_16, %max3A_17 : vector<1000x128xf32>
    %get3A_19 = arith.constant 0 : index
    %get3A_20 = arith.constant 0 : index
    %get3A_21 = vector.load %arg6[%get3A_19, %get3A_20] : memref<128x256xf32, #tpu.memory_space<vmem>>, vector<128x256xf32>
    %dot_general3A = arith.constant dense<0.000000e+00> : vector<1000x256xf32>
    %dot_general3A_22 = tpu.matmul %max3A_18, %get3A_21, %dot_general3A {dimension_numbers = #tpu.dot_dimension_numbers<[1], [0], [0], [1], [0, 0, 1, 1], [], []>, precision = #tpu.contract_precision<fp32>, transpose_lhs_hint = false} : vector<1000x128xf32>, vector<128x256xf32>, vector<1000x256xf32> -> vector<1000x256xf32>
    %swap3A = arith.constant 0 : index
    %swap3A_23 = arith.constant 0 : index
    %swap3A_24 = vector.load %arg7[%swap3A, %swap3A_23] : memref<1000x256xf32, #tpu.memory_space<vmem>>, vector<1000x256xf32>
    tpu.vector_store %arg7[%swap3A, %swap3A_23], %dot_general3A_22 {strides = array<i32>} : memref<1000x256xf32, #tpu.memory_space<vmem>>, vector<1000x256xf32>,
    return
  }
  func.func @transform_0(%arg0: i32) -> (i32, i32) {
    %c0_i32 = arith.constant 0 : i32
    %c0_i32_0 = arith.constant 0 : i32
    return %arg0, %c0_i32 : i32, i32
  }
  func.func @transform_1(%arg0: i32) -> (i32, i32) {
    %c0_i32 = arith.constant 0 : i32
    %c0_i32_0 = arith.constant 0 : i32
    return %arg0, %c0_i32 : i32, i32
  }
  func.func @transform_2(%arg0: i32) -> (i32, i32) {
    %c0_i32 = arith.constant 0 : i32
    %c0_i32_0 = arith.constant 0 : i32
    return %arg0, %c0_i32 : i32, i32
  }
  func.func @transform_3(%arg0: i32) -> (i32, i32) {
    %c0_i32 = arith.constant 0 : i32
    %c0_i32_0 = arith.constant 0 : i32
    return %arg0, %c0_i32 : i32, i32
  }
  func.func @transform_4(%arg0: i32) -> (i32, i32) {
    %c0_i32 = arith.constant 0 : i32
    %c0_i32_0 = arith.constant 0 : i32
    %c0_i32_1 = arith.constant 0 : i32
    return %c0_i32, %c0_i32_0 : i32, i32
  }
  func.func @transform_5(%arg0: i32) -> (i32, i32) {
    %c0_i32 = arith.constant 0 : i32
    %c0_i32_0 = arith.constant 0 : i32
    %c0_i32_1 = arith.constant 0 : i32
    return %c0_i32, %c0_i32_0 : i32, i32
  }
  func.func @transform_6(%arg0: i32) -> (i32, i32) {
    %c0_i32 = arith.constant 0 : i32
    %c0_i32_0 = arith.constant 0 : i32
    return %arg0, %c0_i32 : i32, i32
  }
}

module attributes {stable_mosaic.version = 14 : i64} {
  func.func @body(%arg0: i32, %arg1: memref<1000x128xf32, #tpu.memory_space<vmem>>, %arg2: memref<1000x128xf32, #tpu.memory_space<vmem>>, %arg3: memref<1000x128xf32, #tpu.memory_space<vmem>>, %arg4: memref<1000x128xf32, #tpu.memory_space<vmem>>, %arg5: memref<1x128xf32, #tpu.memory_space<vmem>>, %arg6: memref<1000x128xf32, #tpu.memory_space<vmem>>) attributes {dimension_semantics = [#tpu.dimension_semantics<arbitrary>], iteration_bounds = array<i64: 10>, scalar_prefetch = 0 : i64, scratch_operands = 0 : i64, tpu.core_type = #tpu.core_type<tc>, window_params = [{transform_indices = @transform_0, window_bounds = array<i64: 1000, 128>}, {transform_indices = @transform_1, window_bounds = array<i64: 1000, 128>}, {transform_indices = @transform_2, window_bounds = array<i64: 1000, 128>}, {transform_indices = @transform_3, window_bounds = array<i64: 1000, 128>}, {pipeline_mode = #tpu.pipeline_mode<synchronous>, transform_indices = @transform_4, window_bounds = array<i64: 1, 128>}, {transform_indices = @transform_5, window_bounds = array<i64: 1000, 128>}]} {
    %get3A = arith.constant 0 : index
    %get3A_0 = arith.constant 0 : index
    %get3A_1 = vector.load %arg1[%get3A, %get3A_0] : memref<1000x128xf32, #tpu.memory_space<vmem>>, vector<1000x128xf32>
    %get3A_2 = arith.constant 0 : index
    %get3A_3 = arith.constant 0 : index
    %get3A_4 = vector.load %arg2[%get3A_2, %get3A_3] : memref<1000x128xf32, #tpu.memory_space<vmem>>, vector<1000x128xf32>
    %add3A = arith.addf %get3A_1, %get3A_4 : vector<1000x128xf32>
    %get3A_5 = arith.constant 0 : index
    %get3A_6 = arith.constant 0 : index
    %get3A_7 = vector.load %arg3[%get3A_5, %get3A_6] : memref<1000x128xf32, #tpu.memory_space<vmem>>, vector<1000x128xf32>
    %mul3A = arith.mulf %add3A, %get3A_7 : vector<1000x128xf32>
    %get3A_8 = arith.constant 0 : index
    %get3A_9 = arith.constant 0 : index
    %get3A_10 = vector.load %arg5[%get3A_8, %get3A_9] : memref<1x128xf32, #tpu.memory_space<vmem>>, vector<1x128xf32>
    %add3A_11 = vector.broadcast %get3A_10 : vector<1x128xf32> to vector<1000x128xf32>
    %add3A_12 = arith.addf %mul3A, %add3A_11 : vector<1000x128xf32>
    %get3A_13 = arith.constant 0 : index
    %get3A_14 = arith.constant 0 : index
    %get3A_15 = vector.load %arg4[%get3A_13, %get3A_14] : memref<1000x128xf32, #tpu.memory_space<vmem>>, vector<1000x128xf32>
    %add3A_16 = arith.addf %add3A_12, %get3A_15 : vector<1000x128xf32>
    %swap3A = arith.constant 0 : index
    %swap3A_17 = arith.constant 0 : index
    %swap3A_18 = vector.load %arg6[%swap3A, %swap3A_17] : memref<1000x128xf32, #tpu.memory_space<vmem>>, vector<1000x128xf32>
    tpu.vector_store %arg6[%swap3A, %swap3A_17], %add3A_16 {strides = array<i32>} : memref<1000x128xf32, #tpu.memory_space<vmem>>, vector<1000x128xf32>,
    return
  }
  func.func @transform_0(%arg0: i32) -> (i32, i32) {
    %c0_i32 = arith.constant 0 : i32
    %c0_i32_0 = arith.constant 0 : i32
    return %arg0, %c0_i32 : i32, i32
  }
  func.func @transform_1(%arg0: i32) -> (i32, i32) {
    %c0_i32 = arith.constant 0 : i32
    %c0_i32_0 = arith.constant 0 : i32
    return %arg0, %c0_i32 : i32, i32
  }
  func.func @transform_2(%arg0: i32) -> (i32, i32) {
    %c0_i32 = arith.constant 0 : i32
    %c0_i32_0 = arith.constant 0 : i32
    return %arg0, %c0_i32 : i32, i32
  }
  func.func @transform_3(%arg0: i32) -> (i32, i32) {
    %c0_i32 = arith.constant 0 : i32
    %c0_i32_0 = arith.constant 0 : i32
    return %arg0, %c0_i32 : i32, i32
  }
  func.func @transform_4(%arg0: i32) -> (i32, i32) {
    %c0_i32 = arith.constant 0 : i32
    %c0_i32_0 = arith.constant 0 : i32
    %c0_i32_1 = arith.constant 0 : i32
    return %c0_i32, %c0_i32_0 : i32, i32
  }
  func.func @transform_5(%arg0: i32) -> (i32, i32) {
    %c0_i32 = arith.constant 0 : i32
    %c0_i32_0 = arith.constant 0 : i32
    return %arg0, %c0_i32 : i32, i32
  }
}

</mosaic_0001>

<sc_bundles>
// kernel: kernel.13.cloned.1.call-start
scs
__scs_entry_jumppad:
0x0: {  	(pc) =	sbr.rel $0x88, $3  }
0x1: {  	(tag) =	ssettag $0x0;
	lr =	simm.s32 $0x1  }
0x2: {  	[smem:$0x3F93] =	sst lr;
	_ =	strace $0xD0000000  }
0x3: {  	_ = 	snop  }
0x4: {  	_ = 	snop  }
0x5: {  	_ = 	snop  }
0x6: {  	_ = 	snop  }
0x7: {  	_ = 	snop  }
__scs_overlays_trampoline_lowered:
0x8: {  	[smem:$0x3FA2] =	sst s0  }
0x9: {  	[smem:$0x3FA3] =	sst s1  }
0xa: {  	[smem:$0x3FA4] =	sst s2  }
0xb: {  	[smem:$0x3FA5] =	sst s3  }
0xc: {  	[smem:$0x3FA6] =	sst s4  }
0xd: {  	[smem:$0x3FA7] =	sst s5  }
0xe: {  	[smem:$0x3FA8] =	sst s6  }
0xf: {  	[smem:$0x3FA9] =	sst s7  }
0x10: {  	[smem:$0x3FAA] =	sst s8  }
0x11: {  	[smem:$0x3FAB] =	sst s9;
	s0 =	simm.s32 @!p0 $0x0  }
0x12: {  	s1 =	sld [smem:$0x3F91];
	s0 =	simm.s32 @p0 $0x1  }
0x13: {  	[smem:$0x3FAC] =	sst s0;
	s0 =	simm.s32 @!p1 $0x0  }
0x14: {  	s2 =	sld [smem:$0x3F90];
	s0 =	simm.s32 @p1 $0x1  }
0x15: {  	[smem:$0x3FAD] =	sst s0;
	s0 =	simm.s32 @!p2 $0x0  }
0x16: {  	s3 =	sld [smem:$0x3FDB];
	s0 =	simm.s32 @p2 $0x1  }
0x17: {  	s4 =	simm.s32 $0x1BF5;
	[smem:$0x3FAF] =	sst s0  }
0x18: {  	s0 =	sld [smem:$0x3F92];
	_ =	swait.ge [sflag:s4], $0x0  }
0x19: {  	s7 =	sld [smem:$0x3F93]  }
0x1a: {  	s8 =	sadd.s32 $0xFFFFE003, lr  }
0x1b: {  	s9 =	sadd.s32 $0xFFFFFEF7, lr;
	s5 =	simm.s32 $0xFFFFFFFF;
	p2 =	slt.u32 s8, $0xFFFFF086  }
0x1c: {  	p1 =	slt.u32 s9, $0xF7A;
	s5 =	simm.s32 @!p2 $0x0  }
0x1d: {  	s5 =	simm.s32 @p1 $0x1;
	p0 =	seq.s32 s7, s2  }
0x1e: {  	s7 =	smul.u32 @!p0 $0xF7A, s2;
	p2 =	seq.s32 @!p0 s5, $0x0  }
0x1f: {  	s9 =	smul.u32 $0xF7A, s1;
	s8 =	simm.s32 @!p0 $0x1BF5;
	p2 =	por !p2, p0  }
0x20: {  	[sflag:s8] =	ssyncset.s32 @!p0 $0xFFFFF086;
	s6 =	sadd.s32 @!p0 s3, s7;
	s7 =	simm.s32 @!p0 $0x108  }
0x21: {  	s3 =	sadd.s32 s3, s9;
	s6 =	sadd.s32 @!p0 $0x88, s6;
	s7 =	simm.s32 @p2 $0x1082  }
0x22: {  	[simem:s7], [sflag:s8] =	dma.local @!p0 [hbm:s6], $0xF7A  }
0x23: {  	s9 =	sor.u32 $0xD0000000, s2;
	s6 =	simm.s32 $0x108;
	_ =	swait.ge @!p0 [sflag:s8], $0x0  }
0x24: {  	s3 =	sadd.s32 $0x88, s3;
	s6 =	simm.s32 @!p1 $0x1082;
	[sflag:s4] =	ssyncset.s32 $0xFFFFF086  }
0x25: {  	[simem:s6], [sflag:s4] =	dma.local [hbm:s3], $0xF7A  }
0x26: {  	[smem:$0x3F93] =	sst s1;
	(tag) =	ssettag s2;
	_ =	strace s9  }
0x27: {  	s1 =	sld [smem:$0x3FA3]  }
0x28: {  	s2 =	sld [smem:$0x3FA4]  }
0x29: {  	s4 =	sld [smem:$0x3FA6]  }
0x2a: {  	p0 =	seq.s32 s5, $0x0;
	s5 =	sld [smem:$0x3FA7]  }
0x2b: {  	s6 =	sld [smem:$0x3FA8]  }
0x2c: {  	s7 =	sld [smem:$0x3FA9]  }
0x2d: {  	s3 =	simm.s32 $0x108;
	s8 =	sld [smem:$0x3FAA]  }
0x2e: {  	s3 =	simm.s32 @!p0 $0x1082;
	s9 =	sld [smem:$0x3FAB]  }
0x2f: {  	lr =	sadd.s32 s0, s3;
	s0 =	sld [smem:$0x3FA2]  }
0x30: {  	s3 =	sld [smem:$0x3FA5]  }
0x31: {  	[smem:$0x3FAE] =	sst s10  }
0x32: {  	s10 =	sld [smem:$0x3FAC];
	_ =	sdelay $0x3  }
0x33: {  	p0 =	seq.s32 s10, $0x1;
	s10 =	sld [smem:$0x3FAE];
	_ =	sdelay $0x3  }
0x34: {  	[smem:$0x3FAE] =	sst s10  }
0x35: {  	s10 =	sld [smem:$0x3FAD];
	_ =	sdelay $0x3  }
0x36: {  	p1 =	seq.s32 s10, $0x1;
	s10 =	sld [smem:$0x3FAE];
	_ =	sdelay $0x3  }
0x37: {  	[smem:$0x3FAE] =	sst s10  }
0x38: {  	s10 =	sld [smem:$0x3FAF]  }
0x39: {  	_ = 	snop;
	(pc) =	sbr.ind lr, $3  }
0x3a: {  	_ = 	snop  }
0x3b: {  	_ = 	snop  }
0x3c: {  	p2 =	seq.s32 s10, $0x1;
	s10 =	sld [smem:$0x3FAE]  }
0x3d: {  	_ =	shalt  }
0x3e: {  	_ =	shalt  }
0x3f: {  	_ =	shalt  }
0x40: {  	_ =	shalt  }
0x41: {  	_ =	shalt  }
0x42: {  	_ =	shalt  }
0x43: {  	_ =	shalt  }
0x44: {  	_ =	shalt  }
0x45: {  	_ =	shalt  }
0x46: {  	_ =	shalt  }
0x47: {  	_ =	shalt  }
0x48: {  	_ =	shalt  }
0x49: {  	_ =	shalt  }
0x4a: {  	_ =	shalt  }
0x4b: {  	_ =	shalt  }
0x4c: {  	_ =	shalt  }
0x4d: {  	_ =	shalt  }
0x4e: {  	_ =	shalt  }
0x4f: {  	_ =	shalt  }
0x50: {  	_ =	shalt  }
0x51: {  	_ =	shalt  }
0x52: {  	_ =	shalt  }
0x53: {  	_ =	shalt  }
0x54: {  	_ =	shalt  }
0x55: {  	_ =	shalt  }
0x56: {  	_ =	shalt  }
0x57: {  	_ =	shalt  }
0x58: {  	_ =	shalt  }
0x59: {  	_ =	shalt  }
0x5a: {  	_ =	shalt  }
0x5b: {  	_ =	shalt  }
0x5c: {  	_ =	shalt  }
0x5d: {  	_ =	shalt  }
0x5e: {  	_ =	shalt  }
0x5f: {  	_ =	shalt  }
0x60: {  	_ =	shalt  }
0x61: {  	_ =	shalt  }
0x62: {  	_ =	shalt  }
0x63: {  	_ =	shalt  }
0x64: {  	_ =	shalt  }
0x65: {  	_ =	shalt  }
0x66: {  	_ =	shalt  }
0x67: {  	_ =	shalt  }
0x68: {  	_ =	shalt  }
0x69: {  	_ =	shalt  }
0x6a: {  	_ =	shalt  }
0x6b: {  	_ =	shalt  }
0x6c: {  	_ =	shalt  }
0x6d: {  	_ =	shalt  }
0x6e: {  	_ =	shalt  }
0x6f: {  	_ =	shalt  }
0x70: {  	_ =	shalt  }
0x71: {  	_ =	shalt  }
0x72: {  	_ =	shalt  }
0x73: {  	_ =	shalt  }
0x74: {  	_ =	shalt  }
0x75: {  	_ =	shalt  }
0x76: {  	_ =	shalt  }
0x77: {  	_ =	shalt  }
0x78: {  	_ =	shalt  }
0x79: {  	_ =	shalt  }
0x7a: {  	_ =	shalt  }
0x7b: {  	_ =	shalt  }
0x7c: {  	_ =	shalt  }
0x7d: {  	_ =	shalt  }
0x7e: {  	_ =	shalt  }
0x7f: {  	_ =	shalt  }
0x80: {  	_ =	shalt  }
0x81: {  	_ =	shalt  }
0x82: {  	_ =	shalt  }
0x83: {  	_ =	shalt  }
0x84: {  	_ =	shalt  }
0x85: {  	_ =	shalt  }
0x86: {  	_ =	shalt  }
0x87: {  	_ =	shalt  }
.Lfunc_end0:
.L_simem_size_0:
called_computation_lowered:
.L_overlay_start_0:
0x88: {  	s2 =	sld [smem:$0x3FD9]  }
0x89: {  	s3 =	sld [smem:$0x3FFE];
	_ =	sdelay $0x1  }
0x8a: {  	s1 =	srdreg.scid  }
0x8b: {  	s0 =	sand.u32 $0x1, s1  }
0x8c: {  	s16 =	sshll.u32 s0, $0xA;
	s2 =	sadd.s32 s3, s2  }
0x8d: {  	s2 =	sadd.s32 s2, s16  }
0x8e: {  	[smem:$0x3FBA] =	sst s2  }
0x8f: {  	_ = 	snop  }
0x90: {  	(tm) =	ssettm $0x1  }
0x91: {  	s17 =	sld [smem:$0x3FFB];
	_ =	sdelay $0x3  }
0x92: {  	_ =	strace s17  }
0x93: {  	s2 =	sld [smem:$0x3FFC];
	_ =	sdelay $0x3  }
0x94: {  	_ =	strace s2  }
0x95: {  	s2 =	sld [smem:$0x3FFD];
	_ =	sdelay $0x3  }
0x96: {  	_ =	strace s2  }
0x97: {  	_ =	strace $0x8FFFFFFF  }
0x98: {  	s18 =	sld [smem:$0x3FDB];
	_ =	sdelay $0x1  }
0x99: {  	s19 =	simm.s32 $_scs_section_size  }
0x9a: {  	s4 =	simm.s32 $_size__tile_overlayer_lowered;
	s5 =	simm.s32 $_tile_overlayer_lowered  }
0x9b: {  	s22 =	simm.s32 $0x1BFF;
	s21 =	sshll.u32 s5, $0x1;
	s2 =	sadd.s32 s19, s18  }
0x9c: {  	s6 =	simm.s32 $0x0;
	s20 =	sshll.u32 s4, $0x1;
	s4 =	sadd.s32 s21, s2  }
0x9d: {  	[timem:s6], [sflag:s22] =	dma.local [hbm:s4], s20  }
0x9e: {  	_ =	swait.ge [sflag:s22], s20  }
0x9f: {  	s3 =	ssub.s32 $0x0, s20;
	[sflag:s22] =	ssyncset.done $0x0  }
0xa0: {  	[sflag:s22] =	ssyncadd.s32 s3;
	_ =	sdelay $0x1  }
0xa1: {  	s23 =	simm.s32 $0x1B8B  }
0xa2: {  	_ =	swait.ge [sflag:s23], $0x1  }
0xa3: {  	[sflag:s23] =	ssyncset.done $0x0  }
0xa4: {  	s25 =	simm.s32 $0x1B8E;
	s24 =	sld [smem:$0x3FFE];
	[sflag:s23] =	ssyncadd.s32 $0xFFFFFFFF  }
0xa5: {  	s26 =	simm.s32 $execute0_lowered;
	[smem:$0x3FD2] =	sst s25  }
0xa6: {  	s4 =	sshll.u32 s26, $0x1;
	_ =	strace $0x80000046;
	[dreg:$0x1] =	wrdreg $0xFFFFFFFF  }
0xa7: {  	s28 =	simm.s32 $_size_execute0_lowered;
	s2 =	sadd.s32 s2, s4;
	[dreg:$0x0] =	wrdreg $0x0  }
0xa8: {  	s4 =	sshll.u32 s28, $0x1;
	[dreg:$0x2] =	wrdreg s2  }
0xa9: {  	[dreg:$0x3] =	wrdreg s4  }
0xaa: {  	[dreg:$0x4] =	wrdreg $0xC0  }
0xab: {  	_ =	task [dreg:s6], $0x5FFFF  }
0xac: {  	[dreg:$0x1] =	wrdreg $0xFFFFFFFF  }
0xad: {  	[dreg:$0x0] =	wrdreg $0x60  }
0xae: {  	[dreg:$0x2] =	wrdreg s24  }
0xaf: {  	[dreg:$0x3] =	wrdreg $0x68000  }
0xb0: {  	[dreg:$0x4] =	wrdreg $0x9  }
0xb1: {  	_ =	task.clear_ibuf [dreg:s6], $0x5FFFF;
	_ =	strace $0x90000046  }
0xb2: {  	s29 =	simm.s32 $0x9;
	_ =	strace $0x80000048  }
0xb3: {  	_ =	swait.ge [sflag:s29], $0x1  }
0xb4: {  	[sflag:s29] =	ssyncadd.s32 $0xFFFFFFFF  }
0xb5: {  	_ =	strace $0x90000048  }
0xb6: {  	_ =	sfence  }
0xb7: {  	s30 =	sld [smem:$0x0];
	_ =	sdelay $0x2  }
0xb8: {  	s31 =	sshll.u32 s1, $0xD;
	s1 =	sshrl.u32 s1, $0x2  }
0xb9: {  	s3 =	sand.u32 $0x4000, s31;
	s1 =	sadd.s32 s1, s30  }
0xba: {  	s0 =	sor.u32 s3, s0;
	s1 =	sshll.u32 s1, $0x11  }
0xbb: {  	s0 =	sor.u32 s1, s0  }
0xbc: {  	s0 =	sadd.s32 $0x8F2B, s0  }
0xbd: {  	[sflag:s0] =	ssyncadd.remote.s32 $0x1  }
0xbe: {  	_ =	sfence.sel $0xFFFF  }
0xbf: {  	[dreg:$0x0] =	wrdreg $0xFFFFFFFF;
	(pc) =	sbr.abs _section_cstart, $3  }
0xc0: {  	[dreg:$0x1] =	wrdreg $0xFFFFFFFF  }
0xc1: {  	_ =	task.clear_ibuf [dreg:s6], $0x2FFFF;
	_ =	strace $0x9FFFFFFF  }
0xc2: {  	(tm) =	ssettm $0x7FFFFFFF  }
0xc3: {  	_ =	shalt  }
tec
execute0_lowered:
.L_overlay_start_1:
0x0: {  	(tag) =	ssettag $0x1  }
0x1: {  	s1 =	srdreg.scid  }
0x2: {  	s0 =	stileid.u32;
	s7 =	rddreg [dreg:$0x0]  }
0x3: {  	s2 =	rddreg [dreg:$0x1];
	s3 =	simm.s32 $0x0;
	s13 =	simm.s32 $0x64  }
0x4: {  	s14 =	simm.s32 $0x0;
	s6 =	sand.u32 $0x1, s1;
	s9 =	smul.u32 $0x14000, s0  }
0x5: {  	s28 =	sshll.u32 s0, $0x1;
	[smem:$0x7FF] =	sst s3;
	s29 =	smul.u32 $0x50000, s0  }
0x6: {  	s4 =	sadd.s32 $0x13600, s7;
	s1 =	sor.u32 s6, s28;
	s8 =	smul.u32 $0x140000, s6  }
0x7: {  	s31 =	sshll.u32 s0, $0x6;
	s6 =	ssub.s32 $0x2, s6;
	s5 =	smul.u32 $0x680, s1  }
0x8: {  	s1 =	rddreg [dreg:$0x2];
	_ =	strace $0x80000047;
	s30 =	sshrl.u32 s6, $0x1  }
0x9: {  	s8 =	sadd.s32 s9, s8;
	s9 =	sshrl.u32 s29, $0x2;
	s11 =	ssub.s32 s6, s30  }
0xa: {  	s6 =	sor.u32 $0x1C01, s31;
	s10 =	sadd.s32 s5, s7;
	s5 =	sadd.s32 $0x10E00, s7  }
0xb: {  	s8 =	sshrl.u32 s8, $0x3;
	s12 =	sadd.s32 s9, s2;
	s9 =	smax.u32 s11, $0x1  }
0xc: {  	s11 =	simm.s32 $0x1;
	s8 =	sadd.s32 s8, s7;
	s7 =	sadd.s32 $0x3E00, s10  }
0xd: {  	s10 =	sshrl.u32 s12, $0x3;
	s12 =	simm.s32 $0x3400;
	s8 =	sadd.s32 $0x13E00, s8  }
.LBB2_1:
0xe: {  	[spmem:s10], [sflag:s6] =	dma.local [hbm:s5], $0x2800  }
0xf: {  	_ =	swait.ge [sflag:s11], $0x2800  }
0x10: {  	[sflag:s11] =	ssyncset.done $0x0  }
0x11: {  	[sflag:s11] =	ssyncadd.s32 $0xFFFFD800  }
0x12: {  	[tilespmem:s3], [sflag:$0x1] =	stream.linear.gather [hbm4b:s7+s3], $0x3200, $0x38;
	[tilespmem:$0x1A800] =	vst v63  }
0x13: {  	_ =	swait.ge [sflag:s11], $0x3200  }
0x14: {  	[sflag:s11] =	ssyncset.done $0x0  }
0x15: {  	[sflag:s11] =	ssyncadd.s32 $0xFFFFCE00  }
0x16: {  	[tilespmem:s12], [sflag:$0x1] =	stream.linear.gather [hbm4b:s4+s3], $0x3200, $0x38;
	[tilespmem:$0x1A800] =	vst v63  }
0x17: {  	_ =	swait.ge [sflag:s11], $0x3200  }
0x18: {  	[sflag:s11] =	ssyncset.done $0x0  }
0x19: {  	[sflag:s11] =	ssyncadd.s32 $0xFFFFCE00  }
0x1a: {  	s15 =	simm.s32 $0x0;
	[bflag:$0x0] =	sbarrier.arrive $0xFFFF  }
0x1b: {  	[spmem:s2] =	stream.indirect.scatter.add.f32 [tilespmem:s12], [sflag:$0x1], $0x80, s15, s13, $0xb8;
	[tilespmem:$0x1A800] =	vst v63  }
0x1c: {  	_ =	swait.ge [sflag:s11], $0x3200  }
0x1d: {  	s15 =	simm.s32 $0x200;
	[sflag:s11] =	ssyncset.done $0x0  }
.LBB2_2:
0x1e: {  	s16 =	sshra.s32 s15, $0x2;
	[sflag:s11] =	ssyncadd.s32 $0xFFFFCE00;
	p0 =	sne.s32 s15, $0xC600  }
0x1f: {  	[spmem:s2] =	stream.indirect.scatter.add.f32 [tilespmem:s12], [sflag:$0x1], $0x80, s16, s13, $0xb8;
	[tilespmem:$0x1A800] =	vst v63  }
.Ltmp0:
0x20: {  	_ = 	snop;
	(pc) =	sbr.rel @p0 .LBB2_2-.Ltmp0, $4  }
0x21: {  	_ = 	snop  }
0x22: {  	s15 =	sadd.s32 $0x200, s15  }
0x23: {  	_ =	swait.ge [sflag:s11], $0x3200  }
0x24: {  	[sflag:s11] =	ssyncset.done $0x0  }
0x25: {  	s14 =	sadd.s32 $0x1, s14  }
0x26: {  	[sflag:s11] =	ssyncadd.s32 $0xFFFFCE00;
	p0 =	sne.s32 s14, s9  }
.Ltmp1:
0x27: {  	[bflag:$0x0] =	sbarrier.arrive $0xFFFF;
	(pc) =	sbr.rel @p0 .LBB2_1-.Ltmp1, $4  }
0x28: {  	[hbm:s8], [sflag:s6] =	dma.local [spmem:s10], $0x2800  }
0x29: {  	_ =	swait.ge [sflag:s11], $0x2800  }
0x2a: {  	[sflag:s11] =	ssyncset.done $0x0  }
0x2b: {  	[sflag:s11] =	ssyncadd.s32 $0xFFFFD800  }
0x2c: {  	_ =	sfence.sel $0x180000  }
0x2d: {  	[bflag:$0x0] =	sbarrier.arrive $0xFFFF  }
0x2e: {  	p0 =	sne.s32 s0, $0x0;
	_ =	strace $0x90000047  }
0x2f: {  	s0 =	sadd.s32 @!p0 $0x100000, s1;
	[bflag:$0x2] =	sbarrier.arrive $0xFFFF  }
0x30: {  	[sflag:s0] =	ssyncadd.tile.s32 @!p0 $0x1;
	_ =	shalt  }
.Lfunc_end2:
_tile_overlayer_lowered:
.L_overlay_start_2:
0x31: {  	(tag) =	ssettag $0x2  }
0x32: {  	s0 =	rddreg [dreg:$0x0];
	s2 =	stileid.u32  }
0x33: {  	s1 =	rddreg [dreg:$0x1];
	p0 =	sne.s32 s2, $0x0  }
0x34: {  	s3 =	rddreg [dreg:$0x2];
	[bflag:$0x3] =	sbarrier.arrive $0xFFFF;
	s2 =	simm.s32 @!p0 $0x1C01  }
0x35: {  	[timem:s3], [sflag:s2] =	dma.local @!p0 [hbm:s0], s1  }
0x36: {  	s0 =	simm.s32 @!p0 $0x1  }
0x37: {  	_ =	swait.ge @!p0 [sflag:s0], s1  }
0x38: {  	s1 =	ssub.s32 @!p0 $0x0, s1;
	[sflag:s0] =	ssyncset.done @!p0 $0x0  }
0x39: {  	[sflag:s0] =	ssyncadd.s32 @!p0 s1  }
0x3a: {  	[bflag:$0x3] =	sbarrier.arrive $0xFFFF  }
0x3b: {  	_ =	shalt  }

// kernel: kernel.16.cloned.1.call-start
scs
__scs_entry_jumppad:
0x0: {  	(pc) =	sbr.rel $0x88, $3  }
0x1: {  	(tag) =	ssettag $0x0;
	lr =	simm.s32 $0x1  }
0x2: {  	[smem:$0x3F93] =	sst lr;
	_ =	strace $0xD0000000  }
0x3: {  	_ = 	snop  }
0x4: {  	_ = 	snop  }
0x5: {  	_ = 	snop  }
0x6: {  	_ = 	snop  }
0x7: {  	_ = 	snop  }
__scs_overlays_trampoline_lowered:
0x8: {  	[smem:$0x3FA2] =	sst s0  }
0x9: {  	[smem:$0x3FA3] =	sst s1  }
0xa: {  	[smem:$0x3FA4] =	sst s2  }
0xb: {  	[smem:$0x3FA5] =	sst s3  }
0xc: {  	[smem:$0x3FA6] =	sst s4  }
0xd: {  	[smem:$0x3FA7] =	sst s5  }
0xe: {  	[smem:$0x3FA8] =	sst s6  }
0xf: {  	[smem:$0x3FA9] =	sst s7  }
0x10: {  	[smem:$0x3FAA] =	sst s8  }
0x11: {  	[smem:$0x3FAB] =	sst s9;
	s0 =	simm.s32 @!p0 $0x0  }
0x12: {  	s1 =	sld [smem:$0x3F91];
	s0 =	simm.s32 @p0 $0x1  }
0x13: {  	[smem:$0x3FAC] =	sst s0;
	s0 =	simm.s32 @!p1 $0x0  }
0x14: {  	s2 =	sld [smem:$0x3F90];
	s0 =	simm.s32 @p1 $0x1  }
0x15: {  	[smem:$0x3FAD] =	sst s0;
	s0 =	simm.s32 @!p2 $0x0  }
0x16: {  	s3 =	sld [smem:$0x3FDB];
	s0 =	simm.s32 @p2 $0x1  }
0x17: {  	s4 =	simm.s32 $0x1BF5;
	[smem:$0x3FAF] =	sst s0  }
0x18: {  	s0 =	sld [smem:$0x3F92];
	_ =	swait.ge [sflag:s4], $0x0  }
0x19: {  	s7 =	sld [smem:$0x3F93]  }
0x1a: {  	s8 =	sadd.s32 $0xFFFFE003, lr  }
0x1b: {  	s9 =	sadd.s32 $0xFFFFFEF7, lr;
	s5 =	simm.s32 $0xFFFFFFFF;
	p2 =	slt.u32 s8, $0xFFFFF086  }
0x1c: {  	p1 =	slt.u32 s9, $0xF7A;
	s5 =	simm.s32 @!p2 $0x0  }
0x1d: {  	s5 =	simm.s32 @p1 $0x1;
	p0 =	seq.s32 s7, s2  }
0x1e: {  	s7 =	smul.u32 @!p0 $0xF7A, s2;
	p2 =	seq.s32 @!p0 s5, $0x0  }
0x1f: {  	s9 =	smul.u32 $0xF7A, s1;
	s8 =	simm.s32 @!p0 $0x1BF5;
	p2 =	por !p2, p0  }
0x20: {  	[sflag:s8] =	ssyncset.s32 @!p0 $0xFFFFF086;
	s6 =	sadd.s32 @!p0 s3, s7;
	s7 =	simm.s32 @!p0 $0x108  }
0x21: {  	s3 =	sadd.s32 s3, s9;
	s6 =	sadd.s32 @!p0 $0x88, s6;
	s7 =	simm.s32 @p2 $0x1082  }
0x22: {  	[simem:s7], [sflag:s8] =	dma.local @!p0 [hbm:s6], $0xF7A  }
0x23: {  	s9 =	sor.u32 $0xD0000000, s2;
	s6 =	simm.s32 $0x108;
	_ =	swait.ge @!p0 [sflag:s8], $0x0  }
0x24: {  	s3 =	sadd.s32 $0x88, s3;
	s6 =	simm.s32 @!p1 $0x1082;
	[sflag:s4] =	ssyncset.s32 $0xFFFFF086  }
0x25: {  	[simem:s6], [sflag:s4] =	dma.local [hbm:s3], $0xF7A  }
0x26: {  	[smem:$0x3F93] =	sst s1;
	(tag) =	ssettag s2;
	_ =	strace s9  }
0x27: {  	s1 =	sld [smem:$0x3FA3]  }
0x28: {  	s2 =	sld [smem:$0x3FA4]  }
0x29: {  	s4 =	sld [smem:$0x3FA6]  }
0x2a: {  	p0 =	seq.s32 s5, $0x0;
	s5 =	sld [smem:$0x3FA7]  }
0x2b: {  	s6 =	sld [smem:$0x3FA8]  }
0x2c: {  	s7 =	sld [smem:$0x3FA9]  }
0x2d: {  	s3 =	simm.s32 $0x108;
	s8 =	sld [smem:$0x3FAA]  }
0x2e: {  	s3 =	simm.s32 @!p0 $0x1082;
	s9 =	sld [smem:$0x3FAB]  }
0x2f: {  	lr =	sadd.s32 s0, s3;
	s0 =	sld [smem:$0x3FA2]  }
0x30: {  	s3 =	sld [smem:$0x3FA5]  }
0x31: {  	[smem:$0x3FAE] =	sst s10  }
0x32: {  	s10 =	sld [smem:$0x3FAC];
	_ =	sdelay $0x3  }
0x33: {  	p0 =	seq.s32 s10, $0x1;
	s10 =	sld [smem:$0x3FAE];
	_ =	sdelay $0x3  }
0x34: {  	[smem:$0x3FAE] =	sst s10  }
0x35: {  	s10 =	sld [smem:$0x3FAD];
	_ =	sdelay $0x3  }
0x36: {  	p1 =	seq.s32 s10, $0x1;
	s10 =	sld [smem:$0x3FAE];
	_ =	sdelay $0x3  }
0x37: {  	[smem:$0x3FAE] =	sst s10  }
0x38: {  	s10 =	sld [smem:$0x3FAF]  }
0x39: {  	_ = 	snop;
	(pc) =	sbr.ind lr, $3  }
0x3a: {  	_ = 	snop  }
0x3b: {  	_ = 	snop  }
0x3c: {  	p2 =	seq.s32 s10, $0x1;
	s10 =	sld [smem:$0x3FAE]  }
0x3d: {  	_ =	shalt  }
0x3e: {  	_ =	shalt  }
0x3f: {  	_ =	shalt  }
0x40: {  	_ =	shalt  }
0x41: {  	_ =	shalt  }
0x42: {  	_ =	shalt  }
0x43: {  	_ =	shalt  }
0x44: {  	_ =	shalt  }
0x45: {  	_ =	shalt  }
0x46: {  	_ =	shalt  }
0x47: {  	_ =	shalt  }
0x48: {  	_ =	shalt  }
0x49: {  	_ =	shalt  }
0x4a: {  	_ =	shalt  }
0x4b: {  	_ =	shalt  }
0x4c: {  	_ =	shalt  }
0x4d: {  	_ =	shalt  }
0x4e: {  	_ =	shalt  }
0x4f: {  	_ =	shalt  }
0x50: {  	_ =	shalt  }
0x51: {  	_ =	shalt  }
0x52: {  	_ =	shalt  }
0x53: {  	_ =	shalt  }
0x54: {  	_ =	shalt  }
0x55: {  	_ =	shalt  }
0x56: {  	_ =	shalt  }
0x57: {  	_ =	shalt  }
0x58: {  	_ =	shalt  }
0x59: {  	_ =	shalt  }
0x5a: {  	_ =	shalt  }
0x5b: {  	_ =	shalt  }
0x5c: {  	_ =	shalt  }
0x5d: {  	_ =	shalt  }
0x5e: {  	_ =	shalt  }
0x5f: {  	_ =	shalt  }
0x60: {  	_ =	shalt  }
0x61: {  	_ =	shalt  }
0x62: {  	_ =	shalt  }
0x63: {  	_ =	shalt  }
0x64: {  	_ =	shalt  }
0x65: {  	_ =	shalt  }
0x66: {  	_ =	shalt  }
0x67: {  	_ =	shalt  }
0x68: {  	_ =	shalt  }
0x69: {  	_ =	shalt  }
0x6a: {  	_ =	shalt  }
0x6b: {  	_ =	shalt  }
0x6c: {  	_ =	shalt  }
0x6d: {  	_ =	shalt  }
0x6e: {  	_ =	shalt  }
0x6f: {  	_ =	shalt  }
0x70: {  	_ =	shalt  }
0x71: {  	_ =	shalt  }
0x72: {  	_ =	shalt  }
0x73: {  	_ =	shalt  }
0x74: {  	_ =	shalt  }
0x75: {  	_ =	shalt  }
0x76: {  	_ =	shalt  }
0x77: {  	_ =	shalt  }
0x78: {  	_ =	shalt  }
0x79: {  	_ =	shalt  }
0x7a: {  	_ =	shalt  }
0x7b: {  	_ =	shalt  }
0x7c: {  	_ =	shalt  }
0x7d: {  	_ =	shalt  }
0x7e: {  	_ =	shalt  }
0x7f: {  	_ =	shalt  }
0x80: {  	_ =	shalt  }
0x81: {  	_ =	shalt  }
0x82: {  	_ =	shalt  }
0x83: {  	_ =	shalt  }
0x84: {  	_ =	shalt  }
0x85: {  	_ =	shalt  }
0x86: {  	_ =	shalt  }
0x87: {  	_ =	shalt  }
.Lfunc_end0:
.L_simem_size_0:
called_computation.1_lowered:
.L_overlay_start_0:
0x88: {  	s2 =	sld [smem:$0x3FD9]  }
0x89: {  	s3 =	sld [smem:$0x3FFE];
	_ =	sdelay $0x1  }
0x8a: {  	s1 =	srdreg.scid  }
0x8b: {  	s0 =	sand.u32 $0x1, s1  }
0x8c: {  	s17 =	sshll.u32 s0, $0xA;
	s2 =	sadd.s32 s3, s2  }
0x8d: {  	s2 =	sadd.s32 s2, s17  }
0x8e: {  	[smem:$0x3FBA] =	sst s2  }
0x8f: {  	_ = 	snop  }
0x90: {  	s18 =	sld [smem:$0x3FD0];
	(tm) =	ssettm $0x1  }
0x91: {  	s19 =	sld [smem:$0x3FFB];
	_ =	sdelay $0x3  }
0x92: {  	_ =	strace s19  }
0x93: {  	s2 =	sld [smem:$0x3FFC];
	_ =	sdelay $0x3  }
0x94: {  	_ =	strace s2  }
0x95: {  	s2 =	sld [smem:$0x3FFD];
	_ =	sdelay $0x3  }
0x96: {  	_ =	strace s2  }
0x97: {  	_ =	strace $0x8FFFFFFF  }
0x98: {  	s20 =	sld [smem:$0x3FDB];
	_ =	sdelay $0x1  }
0x99: {  	s4 =	simm.s32 $_scs_section_size  }
0x9a: {  	s5 =	simm.s32 $_size__tile_overlayer_lowered;
	s6 =	simm.s32 $_tile_overlayer_lowered  }
0x9b: {  	s7 =	simm.s32 $0x1BFF;
	s21 =	sshll.u32 s6, $0x1;
	s4 =	sadd.s32 s4, s20  }
0x9c: {  	s22 =	simm.s32 $0x0;
	s5 =	sshll.u32 s5, $0x1;
	s6 =	sadd.s32 s21, s4  }
0x9d: {  	[timem:s22], [sflag:s7] =	dma.local [hbm:s6], s5  }
0x9e: {  	_ =	swait.ge [sflag:s7], s5  }
0x9f: {  	s5 =	ssub.s32 $0x0, s5;
	[sflag:s7] =	ssyncset.done $0x0  }
0xa0: {  	[sflag:s7] =	ssyncadd.s32 s5;
	_ =	sdelay $0x1  }
0xa1: {  	s23 =	simm.s32 $0x1B8B  }
0xa2: {  	_ =	swait.ge [sflag:s23], $0x1  }
0xa3: {  	[sflag:s23] =	ssyncset.done $0x0  }
0xa4: {  	[sflag:s23] =	ssyncadd.s32 $0xFFFFFFFF  }
0xa5: {  	s5 =	sld [smem:$0x0]  }
0xa6: {  	s6 =	sand.u32 $0xFFFFFFFE, s1  }
0xa7: {  	p0 =	sne.s32 s1, s6  }
0xa8: {  	s6 =	sshll.u32 @p0 s6, $0xE  }
0xa9: {  	s6 =	sadd.s32 @p0 $0x11B8D, s6;
	s7 =	sshll.u32 @p0 s5, $0x11  }
0xaa: {  	s6 =	sor.u32 @p0 s7, s6  }
0xab: {  	[sflag:s6] =	ssyncadd.remote.s32 @p0 $0x1;
	_ =	sdelay $0x1  }
0xac: {  	s6 =	simm.s32 @p0 $0x1B8D  }
0xad: {  	_ =	swait.eq @p0 [sflag:s6], $0x1  }
0xae: {  	[sflag:s6] =	ssyncadd.s32 @p0 $0xFFFFFFFF  }
0xaf: {  	s7 =	sshll.u32 @!p0 s1, $0xE  }
0xb0: {  	s7 =	sor.u32 @!p0 $0x4000, s7;
	s6 =	simm.s32 @!p0 $0x1B8D  }
0xb1: {  	s5 =	sshll.u32 @!p0 s5, $0x11;
	s7 =	sadd.s32 @!p0 $0x11B8D, s7;
	_ =	swait.eq @!p0 [sflag:s6], $0x1  }
0xb2: {  	s5 =	sor.u32 @!p0 s5, s7;
	[sflag:s6] =	ssyncadd.s32 @!p0 $0xFFFFFFFF  }
0xb3: {  	s25 =	simm.s32 $0x1B8E;
	s24 =	sld [smem:$0x3FFE];
	[sflag:s5] =	ssyncadd.remote.s32 @!p0 $0x1  }
0xb4: {  	s26 =	simm.s32 $execute0_lowered;
	[smem:$0x3FD2] =	sst s25  }
0xb5: {  	s6 =	sshll.u32 s26, $0x1;
	_ =	strace $0x80000049;
	[dreg:$0x1] =	wrdreg $0xFFFFFFFF  }
0xb6: {  	s28 =	simm.s32 $_size_execute0_lowered;
	s4 =	sadd.s32 s4, s6;
	[dreg:$0x0] =	wrdreg $0x0  }
0xb7: {  	s6 =	sshll.u32 s28, $0x1;
	[dreg:$0x2] =	wrdreg s4  }
0xb8: {  	[dreg:$0x3] =	wrdreg s6  }
0xb9: {  	[dreg:$0x4] =	wrdreg $0xC0  }
0xba: {  	_ =	task [dreg:s22], $0x5FFFF  }
0xbb: {  	[dreg:$0x1] =	wrdreg $0xFFFFFFFF  }
0xbc: {  	[dreg:$0x0] =	wrdreg $0x60  }
0xbd: {  	[dreg:$0x2] =	wrdreg s18  }
0xbe: {  	[dreg:$0x3] =	wrdreg s24  }
0xbf: {  	[dreg:$0x4] =	wrdreg $0x9D000  }
0xc0: {  	[dreg:$0x5] =	wrdreg $0xA  }
0xc1: {  	_ =	task.clear_ibuf [dreg:s22], $0x6FFFF;
	_ =	strace $0x90000049  }
0xc2: {  	s29 =	simm.s32 $0xA;
	_ =	strace $0x8000004B  }
0xc3: {  	_ =	swait.ge [sflag:s29], $0x1  }
0xc4: {  	[sflag:s29] =	ssyncadd.s32 $0xFFFFFFFF  }
0xc5: {  	_ =	strace $0x9000004B  }
0xc6: {  	_ =	sfence  }
0xc7: {  	s30 =	sld [smem:$0x0];
	_ =	sdelay $0x2  }
0xc8: {  	s31 =	sshll.u32 s1, $0xD;
	s1 =	sshrl.u32 s1, $0x2  }
0xc9: {  	s4 =	sand.u32 $0x4000, s31;
	s1 =	sadd.s32 s1, s30  }
0xca: {  	s0 =	sor.u32 s4, s0;
	s1 =	sshll.u32 s1, $0x11  }
0xcb: {  	s0 =	sor.u32 s1, s0  }
0xcc: {  	s0 =	sadd.s32 $0x8F2B, s0  }
0xcd: {  	[sflag:s0] =	ssyncadd.remote.s32 $0x1  }
0xce: {  	_ =	sfence.sel $0xFFFF  }
0xcf: {  	[dreg:$0x0] =	wrdreg $0xFFFFFFFF;
	(pc) =	sbr.abs _section_cstart, $3  }
0xd0: {  	[dreg:$0x1] =	wrdreg $0xFFFFFFFF  }
0xd1: {  	_ =	task.clear_ibuf [dreg:s22], $0x2FFFF;
	_ =	strace $0x9FFFFFFF  }
0xd2: {  	(tm) =	ssettm $0x7FFFFFFF  }
0xd3: {  	_ =	shalt  }
tec
execute0_lowered:
.L_overlay_start_1:
0x0: {  	(tag) =	ssettag $0x1  }
0x1: {  	s2 =	rddreg [dreg:$0x0]  }
0x2: {  	s1 =	srdreg.scid;
	s8 =	rddreg [dreg:$0x1]  }
0x3: {  	s0 =	stileid.u32;
	s4 =	rddreg [dreg:$0x2]  }
0x4: {  	s5 =	simm.s32 $0x0;
	s15 =	simm.s32 $0x5;
	s16 =	simm.s32 $0x3400  }
0x5: {  	s17 =	simm.s32 $0x64;
	s18 =	simm.s32 $0x3500;
	s19 =	simm.s32 $0x3480  }
0x6: {  	s20 =	simm.s32 $0x6900;
	s21 =	simm.s32 $0x1;
	s22 =	simm.s32 $0x3  }
0x7: {  	s23 =	simm.s32 $0x2;
	s24 =	simm.s32 $0x4;
	s25 =	simm.s32 $0x3180  }
0x8: {  	s26 =	simm.s32 $0x0;
	s1 =	sand.u32 $0x1, s1;
	s7 =	smul.u32 $0x14000, s0  }
0x9: {  	s3 =	sshll.u32 s0, $0x1;
	[smem:$0x7FF] =	sst s5;
	s12 =	smul.u32 $0x50000, s0  }
0xa: {  	s13 =	sshll.u32 s0, $0x6;
	s3 =	sor.u32 s1, s3;
	s6 =	smul.u32 $0x140000, s1  }
0xb: {  	_ =	strace $0x8000004A;
	s1 =	ssub.s32 $0x2, s1;
	s3 =	smul.u32 $0x3400, s3  }
0xc: {  	s31 =	sshrl.u32 s1, $0x1;
	s12 =	sshrl.u32 s12, $0x2;
	s7 =	sadd.s32 s7, s6  }
0xd: {  	s6 =	sadd.s32 $0x3E00, s8;
	s1 =	ssub.s32 s1, s31;
	s14 =	sadd.s32 s12, s4  }
0xe: {  	s10 =	sshrl.u32 s3, $0x3;
	s11 =	sshrl.u32 s7, $0x3;
	s7 =	sadd.s32 $0x10E00, s8  }
0xf: {  	s12 =	smax.u32 s1, $0x1;
	s14 =	sshrl.u32 s14, $0x3;
	s9 =	sadd.s32 s10, s8  }
0x10: {  	s11 =	sadd.s32 s11, s8;
	s8 =	sor.u32 $0x1C05, s13;
	s10 =	sadd.s32 s6, s10  }
0x11: {  	s9 =	sadd.s32 $0x63E00, s9;
	s11 =	sadd.s32 $0x70E00, s11;
	s13 =	sadd.s32 $0x630, s10  }
.LBB2_1:
0x12: {  	[spmem:s14], [sflag:s8] =	dma.local [hbm:s7], $0x2800  }
0x13: {  	_ =	swait.ge [sflag:s15], $0x2800  }
0x14: {  	[sflag:s15] =	ssyncset.done $0x0  }
0x15: {  	[sflag:s15] =	ssyncadd.s32 $0xFFFFD800  }
0x16: {  	[tilespmem:s5], [sflag:$0x5] =	stream.linear.gather [hbm4b:s9+s5], $0x3200, $0x38;
	[tilespmem:$0x1DD00] =	vst v63  }
0x17: {  	s1 =	simm.s32 $0x0;
	_ =	swait.ge [sflag:s15], $0x3200  }
0x18: {  	s28 =	simm.s32 $0x80;
	s1 =	sand.u32 $0x3C00, s1;
	[sflag:s15] =	ssyncset.done $0x0  }
0x19: {  	s28 =	sand.u32 $0x380, s28;
	s1 =	sadd.s32 s3, s1;
	[sflag:s15] =	ssyncadd.s32 $0xFFFFCE00  }
0x1a: {  	s1 =	sor.u32 s1, s28;
	[bflag:$0x0] =	sbarrier.arrive $0xFFFF  }
0x1b: {  	[tilespmem:s16], [sflag:$0x3] =	stream.linear.gather [hbm4b:s10+s5], $0x80, $0x38;
	[tilespmem:$0x1DD00] =	vst v63  }
0x1c: {  	s1 =	sshrl.u32 s1, $0x3  }
0x1d: {  	[tilespmem:s18], [sflag:$0x1] =	stream.indirect.gather [hbm4b:s2+s17], $0x80, s5, s17, $0xb8;
	[tilespmem:$0x1DD00] =	vst v63  }
0x1e: {  	s1 =	sadd.s32 s6, s1  }
0x1f: {  	[tilespmem:s19], [sflag:$0x4] =	stream.linear.gather [hbm4b:s1+s5], $0x80, $0x38;
	[tilespmem:$0x1DD00] =	vst v63  }
0x20: {  	s28 =	simm.s32 $0x80  }
0x21: {  	[tilespmem:s20], [sflag:$0x2] =	stream.indirect.gather [hbm4b:s2+s17], $0x80, s28, s17, $0xb8;
	[tilespmem:$0x1DD00] =	vst v63  }
0x22: {  	_ =	swait.ge [sflag:s21], $0x3200  }
0x23: {  	[sflag:s21] =	ssyncset.done $0x0  }
0x24: {  	[sflag:s21] =	ssyncadd.s32 $0xFFFFCE00  }
0x25: {  	s0 =	simm.s32 $0x100;
	_ =	swait.ge [sflag:s22], $0x80  }
0x26: {  	s29 =	sand.u32 $0x7C00, s0;
	[sflag:s22] =	ssyncset.done $0x0  }
0x27: {  	s29 =	sadd.s32 s3, s29;
	s1 =	sand.u32 $0x300, s0;
	[sflag:s22] =	ssyncadd.s32 $0xFFFFFF80  }
0x28: {  	[spmem:s4] =	stream.indirect.scatter.add.f32 [tilespmem:s18], [sflag:$0x5], $0x80, s16, s17, $0xb8;
	[tilespmem:$0x1DD00] =	vst v63  }
0x29: {  	s1 =	sor.u32 s1, s29;
	_ =	swait.ge [sflag:s15], $0x3200  }
0x2a: {  	s1 =	sshrl.u32 s1, $0x3;
	[sflag:s15] =	ssyncset.done $0x0  }
0x2b: {  	s1 =	sadd.s32 s6, s1;
	[sflag:s15] =	ssyncadd.s32 $0xFFFFCE00  }
0x2c: {  	[tilespmem:s16], [sflag:$0x3] =	stream.linear.gather [hbm4b:s1+s5], $0x80, $0x38;
	[tilespmem:$0x1DD00] =	vst v63  }
0x2d: {  	s0 =	simm.s32 $0x100  }
0x2e: {  	[tilespmem:s18], [sflag:$0x1] =	stream.indirect.gather [hbm4b:s2+s17], $0x80, s0, s17, $0xb8;
	[tilespmem:$0x1DD00] =	vst v63  }
0x2f: {  	s0 =	simm.s32 $0x100;
	_ =	swait.ge [sflag:s23], $0x3200  }
0x30: {  	s29 =	simm.s32 $0x180;
	s1 =	sand.u32 $0x3C00, s0;
	[sflag:s23] =	ssyncset.done $0x0  }
0x31: {  	s30 =	sand.u32 $0x380, s29;
	s1 =	sadd.s32 s3, s1;
	[sflag:s23] =	ssyncadd.s32 $0xFFFFCE00  }
0x32: {  	s29 =	simm.s32 $0x200;
	s1 =	sor.u32 s1, s30;
	_ =	swait.ge [sflag:s24], $0x80  }
0x33: {  	s30 =	simm.s32 $0x300;
	s31 =	sshrl.u32 s1, $0x3;
	[sflag:s24] =	ssyncset.done $0x0  }
.LBB2_2:
0x34: {  	[sflag:s24] =	ssyncadd.s32 $0xFFFFFF80  }
0x35: {  	s28 =	sadd.s32 $0x100, s28;
	s0 =	smov.u32 s30;
	s1 =	sadd.s32 $0x100, s30  }
0x36: {  	[spmem:s4] =	stream.indirect.scatter.add.f32 [tilespmem:s20], [sflag:$0x5], $0x80, s19, s17, $0xb8;
	[tilespmem:$0x1DD00] =	vst v63  }
0x37: {  	p0 =	sne.s32 s30, $0x3100;
	_ =	swait.ge [sflag:s15], $0x3200  }
0x38: {  	s30 =	sadd.s32 s6, s31;
	[sflag:s15] =	ssyncset.done $0x0  }
0x39: {  	[sflag:s15] =	ssyncadd.s32 $0xFFFFCE00  }
0x3a: {  	[tilespmem:s19], [sflag:$0x4] =	stream.linear.gather [hbm4b:s30+s5], $0x80, $0x38;
	[tilespmem:$0x1DD00] =	vst v63  }
0x3b: {  	_ = 	snop  }
0x3c: {  	[tilespmem:s20], [sflag:$0x2] =	stream.indirect.gather [hbm4b:s2+s17], $0x80, s28, s17, $0xb8;
	[tilespmem:$0x1DD00] =	vst v63  }
0x3d: {  	_ =	swait.ge [sflag:s21], $0x3200  }
0x3e: {  	[sflag:s21] =	ssyncset.done $0x0  }
0x3f: {  	[sflag:s21] =	ssyncadd.s32 $0xFFFFCE00  }
0x40: {  	_ =	swait.ge [sflag:s22], $0x80  }
0x41: {  	s30 =	sand.u32 $0x7C00, s29;
	[sflag:s22] =	ssyncset.done $0x0  }
0x42: {  	s29 =	sand.u32 $0x300, s29;
	s30 =	sadd.s32 s3, s30;
	[sflag:s22] =	ssyncadd.s32 $0xFFFFFF80  }
0x43: {  	[spmem:s4] =	stream.indirect.scatter.add.f32 [tilespmem:s18], [sflag:$0x5], $0x80, s16, s17, $0xb8;
	[tilespmem:$0x1DD00] =	vst v63  }
0x44: {  	s30 =	sor.u32 s29, s30;
	s29 =	smov.u32 s0;
	_ =	swait.ge [sflag:s15], $0x3200  }
0x45: {  	s0 =	sshrl.u32 s30, $0x3;
	[sflag:s15] =	ssyncset.done $0x0  }
0x46: {  	s30 =	sadd.s32 $0x80, s28;
	s0 =	sadd.s32 s6, s0;
	[sflag:s15] =	ssyncadd.s32 $0xFFFFCE00  }
0x47: {  	[tilespmem:s16], [sflag:$0x3] =	stream.linear.gather [hbm4b:s0+s5], $0x80, $0x38;
	[tilespmem:$0x1DD00] =	vst v63  }
0x48: {  	_ = 	snop  }
0x49: {  	[tilespmem:s18], [sflag:$0x1] =	stream.indirect.gather [hbm4b:s2+s17], $0x80, s30, s17, $0xb8;
	[tilespmem:$0x1DD00] =	vst v63  }
.Ltmp0:
0x4a: {  	s0 =	sadd.s32 $0xFFFFFF00, s29;
	_ =	swait.ge [sflag:s23], $0x3200;
	(pc) =	sbr.rel @p0 .LBB2_2-.Ltmp0, $4  }
0x4b: {  	s0 =	sand.u32 $0x3C00, s0;
	s30 =	sadd.s32 $0xFFFFFF80, s29;
	[sflag:s23] =	ssyncset.done $0x0  }
0x4c: {  	s0 =	sadd.s32 s3, s0;
	s30 =	sand.u32 $0x380, s30;
	[sflag:s23] =	ssyncadd.s32 $0xFFFFCE00  }
0x4d: {  	s0 =	sor.u32 s0, s30;
	_ =	swait.ge [sflag:s24], $0x80  }
0x4e: {  	s30 =	smov.u32 s1;
	s31 =	sshrl.u32 s0, $0x3;
	[sflag:s24] =	ssyncset.done $0x0  }
0x4f: {  	[sflag:s24] =	ssyncadd.s32 $0xFFFFFF80  }
0x50: {  	[spmem:s4] =	stream.indirect.scatter.add.f32 [tilespmem:s20], [sflag:$0x5], $0x80, s19, s17, $0xb8;
	[tilespmem:$0x1DD00] =	vst v63  }
0x51: {  	_ =	swait.ge [sflag:s15], $0x3200  }
0x52: {  	[sflag:s15] =	ssyncset.done $0x0  }
0x53: {  	s0 =	sadd.s32 s6, s31;
	[sflag:s15] =	ssyncadd.s32 $0xFFFFCE00  }
0x54: {  	[tilespmem:s19], [sflag:$0x4] =	stream.linear.gather [hbm4b:s0+s5], $0x80, $0x38;
	[tilespmem:$0x1DD00] =	vst v63  }
0x55: {  	s30 =	sadd.s32 $0x100, s28  }
0x56: {  	[tilespmem:s20], [sflag:$0x2] =	stream.indirect.gather [hbm4b:s2+s17], $0x80, s30, s17, $0xb8;
	[tilespmem:$0x1DD00] =	vst v63  }
0x57: {  	_ =	swait.ge [sflag:s21], $0x3200  }
0x58: {  	[sflag:s21] =	ssyncset.done $0x0  }
0x59: {  	[sflag:s21] =	ssyncadd.s32 $0xFFFFCE00  }
0x5a: {  	_ =	swait.ge [sflag:s22], $0x80  }
0x5b: {  	s1 =	sand.u32 $0x7C00, s29;
	[sflag:s22] =	ssyncset.done $0x0  }
0x5c: {  	s31 =	sand.u32 $0x300, s29;
	s1 =	sadd.s32 s3, s1;
	[sflag:s22] =	ssyncadd.s32 $0xFFFFFF80  }
0x5d: {  	[spmem:s4] =	stream.indirect.scatter.add.f32 [tilespmem:s18], [sflag:$0x5], $0x80, s16, s17, $0xb8;
	[tilespmem:$0x1DD00] =	vst v63  }
0x5e: {  	s1 =	sor.u32 s31, s1;
	_ =	swait.ge [sflag:s15], $0x3200  }
0x5f: {  	s1 =	sshrl.u32 s1, $0x3;
	[sflag:s15] =	ssyncset.done $0x0  }
0x60: {  	s1 =	sadd.s32 s6, s1;
	[sflag:s15] =	ssyncadd.s32 $0xFFFFCE00  }
0x61: {  	[tilespmem:s16], [sflag:$0x3] =	stream.linear.gather [hbm4b:s1+s5], $0x80, $0x38;
	[tilespmem:$0x1DD00] =	vst v63  }
0x62: {  	s0 =	sadd.s32 $0x80, s30  }
0x63: {  	[tilespmem:s18], [sflag:$0x1] =	stream.indirect.gather [hbm4b:s2+s17], $0x80, s0, s17, $0xb8;
	[tilespmem:$0x1DD00] =	vst v63  }
0x64: {  	_ =	swait.ge [sflag:s23], $0x3200  }
0x65: {  	[sflag:s23] =	ssyncset.done $0x0  }
0x66: {  	[sflag:s23] =	ssyncadd.s32 $0xFFFFCE00  }
0x67: {  	_ =	swait.ge [sflag:s24], $0x80  }
0x68: {  	[sflag:s24] =	ssyncset.done $0x0  }
0x69: {  	[sflag:s24] =	ssyncadd.s32 $0xFFFFFF80  }
0x6a: {  	[spmem:s4] =	stream.indirect.scatter.add.f32 [tilespmem:s20], [sflag:$0x5], $0x80, s19, s17, $0xb8;
	[tilespmem:$0x1DD00] =	vst v63  }
0x6b: {  	_ =	swait.ge [sflag:s15], $0x3200  }
0x6c: {  	[sflag:s15] =	ssyncset.done $0x0  }
0x6d: {  	[sflag:s15] =	ssyncadd.s32 $0xFFFFCE00  }
0x6e: {  	[tilespmem:s19], [sflag:$0x4] =	stream.linear.gather [hbm4b:s13+s5], $0x80, $0x38;
	[tilespmem:$0x1DD00] =	vst v63  }
0x6f: {  	_ = 	snop  }
0x70: {  	[tilespmem:s20], [sflag:$0x2] =	stream.indirect.gather [hbm4b:s2+s17], $0x80, s25, s17, $0xb8;
	[tilespmem:$0x1DD00] =	vst v63  }
0x71: {  	_ =	swait.ge [sflag:s21], $0x3200  }
0x72: {  	[sflag:s21] =	ssyncset.done $0x0  }
0x73: {  	[sflag:s21] =	ssyncadd.s32 $0xFFFFCE00  }
0x74: {  	_ =	swait.ge [sflag:s22], $0x80  }
0x75: {  	[sflag:s22] =	ssyncset.done $0x0  }
0x76: {  	[sflag:s22] =	ssyncadd.s32 $0xFFFFFF80  }
0x77: {  	[spmem:s4] =	stream.indirect.scatter.add.f32 [tilespmem:s18], [sflag:$0x5], $0x80, s16, s17, $0xb8;
	[tilespmem:$0x1DD00] =	vst v63  }
0x78: {  	_ =	swait.ge [sflag:s15], $0x3200  }
0x79: {  	[sflag:s15] =	ssyncset.done $0x0  }
0x7a: {  	[sflag:s15] =	ssyncadd.s32 $0xFFFFCE00  }
0x7b: {  	_ =	swait.ge [sflag:s23], $0x3200  }
0x7c: {  	[sflag:s23] =	ssyncset.done $0x0  }
0x7d: {  	[sflag:s23] =	ssyncadd.s32 $0xFFFFCE00  }
0x7e: {  	_ =	swait.ge [sflag:s24], $0x80  }
0x7f: {  	[sflag:s24] =	ssyncset.done $0x0  }
0x80: {  	[sflag:s24] =	ssyncadd.s32 $0xFFFFFF80  }
0x81: {  	[spmem:s4] =	stream.indirect.scatter.add.f32 [tilespmem:s20], [sflag:$0x5], $0x80, s19, s17, $0xb8;
	[tilespmem:$0x1DD00] =	vst v63  }
0x82: {  	_ =	swait.ge [sflag:s15], $0x3200  }
0x83: {  	s26 =	sadd.s32 $0x1, s26;
	[sflag:s15] =	ssyncset.done $0x0  }
0x84: {  	p0 =	sne.s32 s26, s12;
	[sflag:s15] =	ssyncadd.s32 $0xFFFFCE00  }
.Ltmp1:
0x85: {  	[bflag:$0x0] =	sbarrier.arrive $0xFFFF;
	(pc) =	sbr.rel @p0 .LBB2_1-.Ltmp1, $4  }
0x86: {  	[hbm:s11], [sflag:s8] =	dma.local [spmem:s14], $0x2800  }
0x87: {  	_ =	swait.ge [sflag:s15], $0x2800  }
0x88: {  	[sflag:s15] =	ssyncset.done $0x0  }
0x89: {  	[sflag:s15] =	ssyncadd.s32 $0xFFFFD800  }
0x8a: {  	_ =	sfence.sel $0x180000  }
0x8b: {  	[bflag:$0x0] =	sbarrier.arrive $0xFFFF  }
0x8c: {  	_ =	strace $0x9000004A  }
0x8d: {  	s0 =	stileid.u32;
	[bflag:$0x2] =	sbarrier.arrive $0xFFFF  }
0x8e: {  	p0 =	sne.s32 s0, $0x0;
	s0 =	rddreg [dreg:$0x3]  }
0x8f: {  	s0 =	sadd.s32 @!p0 $0x100000, s0  }
0x90: {  	[sflag:s0] =	ssyncadd.tile.s32 @!p0 $0x1;
	_ =	shalt  }
.Lfunc_end2:
_tile_overlayer_lowered:
.L_overlay_start_2:
0x91: {  	(tag) =	ssettag $0x2  }
0x92: {  	s0 =	rddreg [dreg:$0x0];
	s2 =	stileid.u32  }
0x93: {  	s1 =	rddreg [dreg:$0x1];
	p0 =	sne.s32 s2, $0x0  }
0x94: {  	s3 =	rddreg [dreg:$0x2];
	[bflag:$0x3] =	sbarrier.arrive $0xFFFF;
	s2 =	simm.s32 @!p0 $0x1C05  }
0x95: {  	[timem:s3], [sflag:s2] =	dma.local @!p0 [hbm:s0], s1  }
0x96: {  	s0 =	simm.s32 @!p0 $0x5  }
0x97: {  	_ =	swait.ge @!p0 [sflag:s0], s1  }
0x98: {  	s1 =	ssub.s32 @!p0 $0x0, s1;
	[sflag:s0] =	ssyncset.done @!p0 $0x0  }
0x99: {  	[sflag:s0] =	ssyncadd.s32 @!p0 s1  }
0x9a: {  	[bflag:$0x3] =	sbarrier.arrive $0xFFFF  }
0x9b: {  	_ =	shalt  }

// kernel: kernel.19.cloned.1.call-start
scs
__scs_entry_jumppad:
0x0: {  	(pc) =	sbr.rel $0x88, $3  }
0x1: {  	(tag) =	ssettag $0x0;
	lr =	simm.s32 $0x1  }
0x2: {  	[smem:$0x3F93] =	sst lr;
	_ =	strace $0xD0000000  }
0x3: {  	_ = 	snop  }
0x4: {  	_ = 	snop  }
0x5: {  	_ = 	snop  }
0x6: {  	_ = 	snop  }
0x7: {  	_ = 	snop  }
__scs_overlays_trampoline_lowered:
0x8: {  	[smem:$0x3FA2] =	sst s0  }
0x9: {  	[smem:$0x3FA3] =	sst s1  }
0xa: {  	[smem:$0x3FA4] =	sst s2  }
0xb: {  	[smem:$0x3FA5] =	sst s3  }
0xc: {  	[smem:$0x3FA6] =	sst s4  }
0xd: {  	[smem:$0x3FA7] =	sst s5  }
0xe: {  	[smem:$0x3FA8] =	sst s6  }
0xf: {  	[smem:$0x3FA9] =	sst s7  }
0x10: {  	[smem:$0x3FAA] =	sst s8  }
0x11: {  	[smem:$0x3FAB] =	sst s9;
	s0 =	simm.s32 @!p0 $0x0  }
0x12: {  	s1 =	sld [smem:$0x3F91];
	s0 =	simm.s32 @p0 $0x1  }
0x13: {  	[smem:$0x3FAC] =	sst s0;
	s0 =	simm.s32 @!p1 $0x0  }
0x14: {  	s2 =	sld [smem:$0x3F90];
	s0 =	simm.s32 @p1 $0x1  }
0x15: {  	[smem:$0x3FAD] =	sst s0;
	s0 =	simm.s32 @!p2 $0x0  }
0x16: {  	s3 =	sld [smem:$0x3FDB];
	s0 =	simm.s32 @p2 $0x1  }
0x17: {  	s4 =	simm.s32 $0x1BF5;
	[smem:$0x3FAF] =	sst s0  }
0x18: {  	s0 =	sld [smem:$0x3F92];
	_ =	swait.ge [sflag:s4], $0x0  }
0x19: {  	s7 =	sld [smem:$0x3F93]  }
0x1a: {  	s8 =	sadd.s32 $0xFFFFE003, lr  }
0x1b: {  	s9 =	sadd.s32 $0xFFFFFEF7, lr;
	s5 =	simm.s32 $0xFFFFFFFF;
	p2 =	slt.u32 s8, $0xFFFFF086  }
0x1c: {  	p1 =	slt.u32 s9, $0xF7A;
	s5 =	simm.s32 @!p2 $0x0  }
0x1d: {  	s5 =	simm.s32 @p1 $0x1;
	p0 =	seq.s32 s7, s2  }
0x1e: {  	s7 =	smul.u32 @!p0 $0xF7A, s2;
	p2 =	seq.s32 @!p0 s5, $0x0  }
0x1f: {  	s9 =	smul.u32 $0xF7A, s1;
	s8 =	simm.s32 @!p0 $0x1BF5;
	p2 =	por !p2, p0  }
0x20: {  	[sflag:s8] =	ssyncset.s32 @!p0 $0xFFFFF086;
	s6 =	sadd.s32 @!p0 s3, s7;
	s7 =	simm.s32 @!p0 $0x108  }
0x21: {  	s3 =	sadd.s32 s3, s9;
	s6 =	sadd.s32 @!p0 $0x88, s6;
	s7 =	simm.s32 @p2 $0x1082  }
0x22: {  	[simem:s7], [sflag:s8] =	dma.local @!p0 [hbm:s6], $0xF7A  }
0x23: {  	s9 =	sor.u32 $0xD0000000, s2;
	s6 =	simm.s32 $0x108;
	_ =	swait.ge @!p0 [sflag:s8], $0x0  }
0x24: {  	s3 =	sadd.s32 $0x88, s3;
	s6 =	simm.s32 @!p1 $0x1082;
	[sflag:s4] =	ssyncset.s32 $0xFFFFF086  }
0x25: {  	[simem:s6], [sflag:s4] =	dma.local [hbm:s3], $0xF7A  }
0x26: {  	[smem:$0x3F93] =	sst s1;
	(tag) =	ssettag s2;
	_ =	strace s9  }
0x27: {  	s1 =	sld [smem:$0x3FA3]  }
0x28: {  	s2 =	sld [smem:$0x3FA4]  }
0x29: {  	s4 =	sld [smem:$0x3FA6]  }
0x2a: {  	p0 =	seq.s32 s5, $0x0;
	s5 =	sld [smem:$0x3FA7]  }
0x2b: {  	s6 =	sld [smem:$0x3FA8]  }
0x2c: {  	s7 =	sld [smem:$0x3FA9]  }
0x2d: {  	s3 =	simm.s32 $0x108;
	s8 =	sld [smem:$0x3FAA]  }
0x2e: {  	s3 =	simm.s32 @!p0 $0x1082;
	s9 =	sld [smem:$0x3FAB]  }
0x2f: {  	lr =	sadd.s32 s0, s3;
	s0 =	sld [smem:$0x3FA2]  }
0x30: {  	s3 =	sld [smem:$0x3FA5]  }
0x31: {  	[smem:$0x3FAE] =	sst s10  }
0x32: {  	s10 =	sld [smem:$0x3FAC];
	_ =	sdelay $0x3  }
0x33: {  	p0 =	seq.s32 s10, $0x1;
	s10 =	sld [smem:$0x3FAE];
	_ =	sdelay $0x3  }
0x34: {  	[smem:$0x3FAE] =	sst s10  }
0x35: {  	s10 =	sld [smem:$0x3FAD];
	_ =	sdelay $0x3  }
0x36: {  	p1 =	seq.s32 s10, $0x1;
	s10 =	sld [smem:$0x3FAE];
	_ =	sdelay $0x3  }
0x37: {  	[smem:$0x3FAE] =	sst s10  }
0x38: {  	s10 =	sld [smem:$0x3FAF]  }
0x39: {  	_ = 	snop;
	(pc) =	sbr.ind lr, $3  }
0x3a: {  	_ = 	snop  }
0x3b: {  	_ = 	snop  }
0x3c: {  	p2 =	seq.s32 s10, $0x1;
	s10 =	sld [smem:$0x3FAE]  }
0x3d: {  	_ =	shalt  }
0x3e: {  	_ =	shalt  }
0x3f: {  	_ =	shalt  }
0x40: {  	_ =	shalt  }
0x41: {  	_ =	shalt  }
0x42: {  	_ =	shalt  }
0x43: {  	_ =	shalt  }
0x44: {  	_ =	shalt  }
0x45: {  	_ =	shalt  }
0x46: {  	_ =	shalt  }
0x47: {  	_ =	shalt  }
0x48: {  	_ =	shalt  }
0x49: {  	_ =	shalt  }
0x4a: {  	_ =	shalt  }
0x4b: {  	_ =	shalt  }
0x4c: {  	_ =	shalt  }
0x4d: {  	_ =	shalt  }
0x4e: {  	_ =	shalt  }
0x4f: {  	_ =	shalt  }
0x50: {  	_ =	shalt  }
0x51: {  	_ =	shalt  }
0x52: {  	_ =	shalt  }
0x53: {  	_ =	shalt  }
0x54: {  	_ =	shalt  }
0x55: {  	_ =	shalt  }
0x56: {  	_ =	shalt  }
0x57: {  	_ =	shalt  }
0x58: {  	_ =	shalt  }
0x59: {  	_ =	shalt  }
0x5a: {  	_ =	shalt  }
0x5b: {  	_ =	shalt  }
0x5c: {  	_ =	shalt  }
0x5d: {  	_ =	shalt  }
0x5e: {  	_ =	shalt  }
0x5f: {  	_ =	shalt  }
0x60: {  	_ =	shalt  }
0x61: {  	_ =	shalt  }
0x62: {  	_ =	shalt  }
0x63: {  	_ =	shalt  }
0x64: {  	_ =	shalt  }
0x65: {  	_ =	shalt  }
0x66: {  	_ =	shalt  }
0x67: {  	_ =	shalt  }
0x68: {  	_ =	shalt  }
0x69: {  	_ =	shalt  }
0x6a: {  	_ =	shalt  }
0x6b: {  	_ =	shalt  }
0x6c: {  	_ =	shalt  }
0x6d: {  	_ =	shalt  }
0x6e: {  	_ =	shalt  }
0x6f: {  	_ =	shalt  }
0x70: {  	_ =	shalt  }
0x71: {  	_ =	shalt  }
0x72: {  	_ =	shalt  }
0x73: {  	_ =	shalt  }
0x74: {  	_ =	shalt  }
0x75: {  	_ =	shalt  }
0x76: {  	_ =	shalt  }
0x77: {  	_ =	shalt  }
0x78: {  	_ =	shalt  }
0x79: {  	_ =	shalt  }
0x7a: {  	_ =	shalt  }
0x7b: {  	_ =	shalt  }
0x7c: {  	_ =	shalt  }
0x7d: {  	_ =	shalt  }
0x7e: {  	_ =	shalt  }
0x7f: {  	_ =	shalt  }
0x80: {  	_ =	shalt  }
0x81: {  	_ =	shalt  }
0x82: {  	_ =	shalt  }
0x83: {  	_ =	shalt  }
0x84: {  	_ =	shalt  }
0x85: {  	_ =	shalt  }
0x86: {  	_ =	shalt  }
0x87: {  	_ =	shalt  }
.Lfunc_end0:
.L_simem_size_0:
called_computation.2_lowered:
.L_overlay_start_0:
0x88: {  	s2 =	sld [smem:$0x3FD9]  }
0x89: {  	s3 =	sld [smem:$0x3FFE];
	_ =	sdelay $0x1  }
0x8a: {  	s1 =	srdreg.scid  }
0x8b: {  	s0 =	sand.u32 $0x1, s1  }
0x8c: {  	s17 =	sshll.u32 s0, $0xA;
	s2 =	sadd.s32 s3, s2  }
0x8d: {  	s2 =	sadd.s32 s2, s17  }
0x8e: {  	[smem:$0x3FBA] =	sst s2  }
0x8f: {  	_ = 	snop  }
0x90: {  	s2 =	sld [smem:$0x3FD0];
	(tm) =	ssettm $0x1  }
0x91: {  	s18 =	sld [smem:$0x3FFB];
	_ =	sdelay $0x3  }
0x92: {  	_ =	strace s18  }
0x93: {  	s3 =	sld [smem:$0x3FFC];
	_ =	sdelay $0x3  }
0x94: {  	_ =	strace s3  }
0x95: {  	s3 =	sld [smem:$0x3FFD];
	_ =	sdelay $0x3  }
0x96: {  	_ =	strace s3  }
0x97: {  	_ =	strace $0x8FFFFFFF  }
0x98: {  	s19 =	sld [smem:$0x3FDB];
	_ =	sdelay $0x1  }
0x99: {  	s4 =	simm.s32 $_scs_section_size  }
0x9a: {  	s5 =	simm.s32 $_size__tile_overlayer_lowered;
	s6 =	simm.s32 $_tile_overlayer_lowered  }
0x9b: {  	s22 =	simm.s32 $0x1BFF;
	s21 =	sshll.u32 s6, $0x1;
	s3 =	sadd.s32 s4, s19  }
0x9c: {  	s7 =	simm.s32 $0x0;
	s20 =	sshll.u32 s5, $0x1;
	s5 =	sadd.s32 s21, s3  }
0x9d: {  	[timem:s7], [sflag:s22] =	dma.local [hbm:s5], s20  }
0x9e: {  	_ =	swait.ge [sflag:s22], s20  }
0x9f: {  	s4 =	ssub.s32 $0x0, s20;
	[sflag:s22] =	ssyncset.done $0x0  }
0xa0: {  	[sflag:s22] =	ssyncadd.s32 s4;
	_ =	sdelay $0x1  }
0xa1: {  	s23 =	simm.s32 $0x1B8B  }
0xa2: {  	_ =	swait.ge [sflag:s23], $0x1  }
0xa3: {  	[sflag:s23] =	ssyncset.done $0x0  }
0xa4: {  	s25 =	simm.s32 $0x1B8E;
	s24 =	sld [smem:$0x3FFE];
	[sflag:s23] =	ssyncadd.s32 $0xFFFFFFFF  }
0xa5: {  	s26 =	simm.s32 $execute0_lowered;
	[smem:$0x3FD2] =	sst s25  }
0xa6: {  	s5 =	sshll.u32 s26, $0x1;
	_ =	strace $0x8000004C;
	[dreg:$0x1] =	wrdreg $0xFFFFFFFF  }
0xa7: {  	s28 =	simm.s32 $_size_execute0_lowered;
	s3 =	sadd.s32 s3, s5;
	[dreg:$0x0] =	wrdreg $0x0  }
0xa8: {  	s5 =	sshll.u32 s28, $0x1;
	[dreg:$0x2] =	wrdreg s3  }
0xa9: {  	[dreg:$0x3] =	wrdreg s5  }
0xaa: {  	[dreg:$0x4] =	wrdreg $0xC0  }
0xab: {  	_ =	task [dreg:s7], $0x5FFFF  }
0xac: {  	[dreg:$0x1] =	wrdreg $0xFFFFFFFF  }
0xad: {  	[dreg:$0x0] =	wrdreg $0x60  }
0xae: {  	[dreg:$0x2] =	wrdreg s2  }
0xaf: {  	[dreg:$0x3] =	wrdreg s24  }
0xb0: {  	[dreg:$0x4] =	wrdreg $0x9D000  }
0xb1: {  	[dreg:$0x5] =	wrdreg $0x9  }
0xb2: {  	_ =	task.clear_ibuf [dreg:s7], $0x6FFFF;
	_ =	strace $0x9000004C  }
0xb3: {  	s29 =	simm.s32 $0x9;
	_ =	strace $0x8000004E  }
0xb4: {  	_ =	swait.ge [sflag:s29], $0x1  }
0xb5: {  	[sflag:s29] =	ssyncadd.s32 $0xFFFFFFFF  }
0xb6: {  	_ =	strace $0x9000004E  }
0xb7: {  	_ =	sfence  }
0xb8: {  	s30 =	sld [smem:$0x0];
	_ =	sdelay $0x2  }
0xb9: {  	s31 =	sshll.u32 s1, $0xD;
	s1 =	sshrl.u32 s1, $0x2  }
0xba: {  	s3 =	sand.u32 $0x4000, s31;
	s1 =	sadd.s32 s1, s30  }
0xbb: {  	s0 =	sor.u32 s3, s0;
	s1 =	sshll.u32 s1, $0x11  }
0xbc: {  	s0 =	sor.u32 s1, s0  }
0xbd: {  	s0 =	sadd.s32 $0x8F2B, s0  }
0xbe: {  	[sflag:s0] =	ssyncadd.remote.s32 $0x1  }
0xbf: {  	_ =	sfence.sel $0xFFFF  }
0xc0: {  	[dreg:$0x0] =	wrdreg $0xFFFFFFFF;
	(pc) =	sbr.abs _section_cstart, $3  }
0xc1: {  	[dreg:$0x1] =	wrdreg $0xFFFFFFFF  }
0xc2: {  	_ =	task.clear_ibuf [dreg:s7], $0x2FFFF;
	_ =	strace $0x9FFFFFFF  }
0xc3: {  	(tm) =	ssettm $0x7FFFFFFF  }
tec
execute0_lowered:
.L_overlay_start_1:
0x0: {  	(tag) =	ssettag $0x1  }
0x1: {  	s2 =	rddreg [dreg:$0x0]  }
0x2: {  	s1 =	srdreg.scid;
	s8 =	rddreg [dreg:$0x1]  }
0x3: {  	s0 =	stileid.u32;
	s4 =	rddreg [dreg:$0x2]  }
0x4: {  	s5 =	simm.s32 $0x0;
	s15 =	simm.s32 $0x5;
	s16 =	simm.s32 $0x3400  }
0x5: {  	s17 =	simm.s32 $0x64;
	s18 =	simm.s32 $0x3500;
	s19 =	simm.s32 $0x3480  }
0x6: {  	s20 =	simm.s32 $0x6900;
	s21 =	simm.s32 $0x1;
	s22 =	simm.s32 $0x3  }
0x7: {  	s23 =	simm.s32 $0x2;
	s24 =	simm.s32 $0x4;
	s25 =	simm.s32 $0x3180  }
0x8: {  	s26 =	simm.s32 $0x0;
	s1 =	sand.u32 $0x1, s1;
	s7 =	smul.u32 $0x14000, s0  }
0x9: {  	s3 =	sshll.u32 s0, $0x1;
	[smem:$0x7FF] =	sst s5;
	s12 =	smul.u32 $0x50000, s0  }
0xa: {  	s13 =	sshll.u32 s0, $0x6;
	s3 =	sor.u32 s1, s3;
	s6 =	smul.u32 $0x140000, s1  }
0xb: {  	_ =	strace $0x8000004D;
	s1 =	ssub.s32 $0x2, s1;
	s3 =	smul.u32 $0x3400, s3  }
0xc: {  	s31 =	sshrl.u32 s1, $0x1;
	s12 =	sshrl.u32 s12, $0x2;
	s7 =	sadd.s32 s7, s6  }
0xd: {  	s6 =	sadd.s32 $0x3E00, s8;
	s1 =	ssub.s32 s1, s31;
	s14 =	sadd.s32 s12, s4  }
0xe: {  	s10 =	sshrl.u32 s3, $0x3;
	s11 =	sshrl.u32 s7, $0x3;
	s7 =	sadd.s32 $0x10E00, s8  }
0xf: {  	s12 =	smax.u32 s1, $0x1;
	s14 =	sshrl.u32 s14, $0x3;
	s9 =	sadd.s32 s10, s8  }
0x10: {  	s11 =	sadd.s32 s11, s8;
	s8 =	sor.u32 $0x1C05, s13;
	s10 =	sadd.s32 s6, s10  }
0x11: {  	s9 =	sadd.s32 $0x63E00, s9;
	s11 =	sadd.s32 $0x13600, s11;
	s13 =	sadd.s32 $0x630, s10  }
.LBB2_1:
0x12: {  	[spmem:s14], [sflag:s8] =	dma.local [hbm:s7], $0x2800  }
0x13: {  	_ =	swait.ge [sflag:s15], $0x2800  }
0x14: {  	[sflag:s15] =	ssyncset.done $0x0  }
0x15: {  	[sflag:s15] =	ssyncadd.s32 $0xFFFFD800  }
0x16: {  	[tilespmem:s5], [sflag:$0x5] =	stream.linear.gather [hbm4b:s9+s5], $0x3200, $0x38;
	[tilespmem:$0x1DD00] =	vst v63  }
0x17: {  	s1 =	simm.s32 $0x0;
	_ =	swait.ge [sflag:s15], $0x3200  }
0x18: {  	s28 =	simm.s32 $0x80;
	s1 =	sand.u32 $0x3C00, s1;
	[sflag:s15] =	ssyncset.done $0x0  }
0x19: {  	s28 =	sand.u32 $0x380, s28;
	s1 =	sadd.s32 s3, s1;
	[sflag:s15] =	ssyncadd.s32 $0xFFFFCE00  }
0x1a: {  	s1 =	sor.u32 s1, s28;
	[bflag:$0x0] =	sbarrier.arrive $0xFFFF  }
0x1b: {  	[tilespmem:s16], [sflag:$0x3] =	stream.linear.gather [hbm4b:s10+s5], $0x80, $0x38;
	[tilespmem:$0x1DD00] =	vst v63  }
0x1c: {  	s1 =	sshrl.u32 s1, $0x3  }
0x1d: {  	[tilespmem:s18], [sflag:$0x1] =	stream.indirect.gather [hbm4b:s2+s17], $0x80, s5, s17, $0xb8;
	[tilespmem:$0x1DD00] =	vst v63  }
0x1e: {  	s1 =	sadd.s32 s6, s1  }
0x1f: {  	[tilespmem:s19], [sflag:$0x4] =	stream.linear.gather [hbm4b:s1+s5], $0x80, $0x38;
	[tilespmem:$0x1DD00] =	vst v63  }
0x20: {  	s28 =	simm.s32 $0x80  }
0x21: {  	[tilespmem:s20], [sflag:$0x2] =	stream.indirect.gather [hbm4b:s2+s17], $0x80, s28, s17, $0xb8;
	[tilespmem:$0x1DD00] =	vst v63  }
0x22: {  	_ =	swait.ge [sflag:s21], $0x3200  }
0x23: {  	[sflag:s21] =	ssyncset.done $0x0  }
0x24: {  	[sflag:s21] =	ssyncadd.s32 $0xFFFFCE00  }
0x25: {  	s0 =	simm.s32 $0x100;
	_ =	swait.ge [sflag:s22], $0x80  }
0x26: {  	s29 =	sand.u32 $0x7C00, s0;
	[sflag:s22] =	ssyncset.done $0x0  }
0x27: {  	s29 =	sadd.s32 s3, s29;
	s1 =	sand.u32 $0x300, s0;
	[sflag:s22] =	ssyncadd.s32 $0xFFFFFF80  }
0x28: {  	[spmem:s4] =	stream.indirect.scatter.add.f32 [tilespmem:s18], [sflag:$0x5], $0x80, s16, s17, $0xb8;
	[tilespmem:$0x1DD00] =	vst v63  }
0x29: {  	s1 =	sor.u32 s1, s29;
	_ =	swait.ge [sflag:s15], $0x3200  }
0x2a: {  	s1 =	sshrl.u32 s1, $0x3;
	[sflag:s15] =	ssyncset.done $0x0  }
0x2b: {  	s1 =	sadd.s32 s6, s1;
	[sflag:s15] =	ssyncadd.s32 $0xFFFFCE00  }
0x2c: {  	[tilespmem:s16], [sflag:$0x3] =	stream.linear.gather [hbm4b:s1+s5], $0x80, $0x38;
	[tilespmem:$0x1DD00] =	vst v63  }
0x2d: {  	s0 =	simm.s32 $0x100  }
0x2e: {  	[tilespmem:s18], [sflag:$0x1] =	stream.indirect.gather [hbm4b:s2+s17], $0x80, s0, s17, $0xb8;
	[tilespmem:$0x1DD00] =	vst v63  }
0x2f: {  	s0 =	simm.s32 $0x100;
	_ =	swait.ge [sflag:s23], $0x3200  }
0x30: {  	s29 =	simm.s32 $0x180;
	s1 =	sand.u32 $0x3C00, s0;
	[sflag:s23] =	ssyncset.done $0x0  }
0x31: {  	s30 =	sand.u32 $0x380, s29;
	s1 =	sadd.s32 s3, s1;
	[sflag:s23] =	ssyncadd.s32 $0xFFFFCE00  }
0x32: {  	s29 =	simm.s32 $0x200;
	s1 =	sor.u32 s1, s30;
	_ =	swait.ge [sflag:s24], $0x80  }
0x33: {  	s30 =	simm.s32 $0x300;
	s31 =	sshrl.u32 s1, $0x3;
	[sflag:s24] =	ssyncset.done $0x0  }
.LBB2_2:
0x34: {  	[sflag:s24] =	ssyncadd.s32 $0xFFFFFF80  }
0x35: {  	s28 =	sadd.s32 $0x100, s28;
	s0 =	smov.u32 s30;
	s1 =	sadd.s32 $0x100, s30  }
0x36: {  	[spmem:s4] =	stream.indirect.scatter.add.f32 [tilespmem:s20], [sflag:$0x5], $0x80, s19, s17, $0xb8;
	[tilespmem:$0x1DD00] =	vst v63  }
0x37: {  	p0 =	sne.s32 s30, $0x3100;
	_ =	swait.ge [sflag:s15], $0x3200  }
0x38: {  	s30 =	sadd.s32 s6, s31;
	[sflag:s15] =	ssyncset.done $0x0  }
0x39: {  	[sflag:s15] =	ssyncadd.s32 $0xFFFFCE00  }
0x3a: {  	[tilespmem:s19], [sflag:$0x4] =	stream.linear.gather [hbm4b:s30+s5], $0x80, $0x38;
	[tilespmem:$0x1DD00] =	vst v63  }
0x3b: {  	_ = 	snop  }
0x3c: {  	[tilespmem:s20], [sflag:$0x2] =	stream.indirect.gather [hbm4b:s2+s17], $0x80, s28, s17, $0xb8;
	[tilespmem:$0x1DD00] =	vst v63  }
0x3d: {  	_ =	swait.ge [sflag:s21], $0x3200  }
0x3e: {  	[sflag:s21] =	ssyncset.done $0x0  }
0x3f: {  	[sflag:s21] =	ssyncadd.s32 $0xFFFFCE00  }
0x40: {  	_ =	swait.ge [sflag:s22], $0x80  }
0x41: {  	s30 =	sand.u32 $0x7C00, s29;
	[sflag:s22] =	ssyncset.done $0x0  }
0x42: {  	s29 =	sand.u32 $0x300, s29;
	s30 =	sadd.s32 s3, s30;
	[sflag:s22] =	ssyncadd.s32 $0xFFFFFF80  }
0x43: {  	[spmem:s4] =	stream.indirect.scatter.add.f32 [tilespmem:s18], [sflag:$0x5], $0x80, s16, s17, $0xb8;
	[tilespmem:$0x1DD00] =	vst v63  }
0x44: {  	s30 =	sor.u32 s29, s30;
	s29 =	smov.u32 s0;
	_ =	swait.ge [sflag:s15], $0x3200  }
0x45: {  	s0 =	sshrl.u32 s30, $0x3;
	[sflag:s15] =	ssyncset.done $0x0  }
0x46: {  	s30 =	sadd.s32 $0x80, s28;
	s0 =	sadd.s32 s6, s0;
	[sflag:s15] =	ssyncadd.s32 $0xFFFFCE00  }
0x47: {  	[tilespmem:s16], [sflag:$0x3] =	stream.linear.gather [hbm4b:s0+s5], $0x80, $0x38;
	[tilespmem:$0x1DD00] =	vst v63  }
0x48: {  	_ = 	snop  }
0x49: {  	[tilespmem:s18], [sflag:$0x1] =	stream.indirect.gather [hbm4b:s2+s17], $0x80, s30, s17, $0xb8;
	[tilespmem:$0x1DD00] =	vst v63  }
.Ltmp0:
0x4a: {  	s0 =	sadd.s32 $0xFFFFFF00, s29;
	_ =	swait.ge [sflag:s23], $0x3200;
	(pc) =	sbr.rel @p0 .LBB2_2-.Ltmp0, $4  }
0x4b: {  	s0 =	sand.u32 $0x3C00, s0;
	s30 =	sadd.s32 $0xFFFFFF80, s29;
	[sflag:s23] =	ssyncset.done $0x0  }
0x4c: {  	s0 =	sadd.s32 s3, s0;
	s30 =	sand.u32 $0x380, s30;
	[sflag:s23] =	ssyncadd.s32 $0xFFFFCE00  }
0x4d: {  	s0 =	sor.u32 s0, s30;
	_ =	swait.ge [sflag:s24], $0x80  }
0x4e: {  	s30 =	smov.u32 s1;
	s31 =	sshrl.u32 s0, $0x3;
	[sflag:s24] =	ssyncset.done $0x0  }
0x4f: {  	[sflag:s24] =	ssyncadd.s32 $0xFFFFFF80  }
0x50: {  	[spmem:s4] =	stream.indirect.scatter.add.f32 [tilespmem:s20], [sflag:$0x5], $0x80, s19, s17, $0xb8;
	[tilespmem:$0x1DD00] =	vst v63  }
0x51: {  	_ =	swait.ge [sflag:s15], $0x3200  }
0x52: {  	[sflag:s15] =	ssyncset.done $0x0  }
0x53: {  	s0 =	sadd.s32 s6, s31;
	[sflag:s15] =	ssyncadd.s32 $0xFFFFCE00  }
0x54: {  	[tilespmem:s19], [sflag:$0x4] =	stream.linear.gather [hbm4b:s0+s5], $0x80, $0x38;
	[tilespmem:$0x1DD00] =	vst v63  }
0x55: {  	s30 =	sadd.s32 $0x100, s28  }
0x56: {  	[tilespmem:s20], [sflag:$0x2] =	stream.indirect.gather [hbm4b:s2+s17], $0x80, s30, s17, $0xb8;
	[tilespmem:$0x1DD00] =	vst v63  }
0x57: {  	_ =	swait.ge [sflag:s21], $0x3200  }
0x58: {  	[sflag:s21] =	ssyncset.done $0x0  }
0x59: {  	[sflag:s21] =	ssyncadd.s32 $0xFFFFCE00  }
0x5a: {  	_ =	swait.ge [sflag:s22], $0x80  }
0x5b: {  	s1 =	sand.u32 $0x7C00, s29;
	[sflag:s22] =	ssyncset.done $0x0  }
0x5c: {  	s31 =	sand.u32 $0x300, s29;
	s1 =	sadd.s32 s3, s1;
	[sflag:s22] =	ssyncadd.s32 $0xFFFFFF80  }
0x5d: {  	[spmem:s4] =	stream.indirect.scatter.add.f32 [tilespmem:s18], [sflag:$0x5], $0x80, s16, s17, $0xb8;
	[tilespmem:$0x1DD00] =	vst v63  }
0x5e: {  	s1 =	sor.u32 s31, s1;
	_ =	swait.ge [sflag:s15], $0x3200  }
0x5f: {  	s1 =	sshrl.u32 s1, $0x3;
	[sflag:s15] =	ssyncset.done $0x0  }
0x60: {  	s1 =	sadd.s32 s6, s1;
	[sflag:s15] =	ssyncadd.s32 $0xFFFFCE00  }
0x61: {  	[tilespmem:s16], [sflag:$0x3] =	stream.linear.gather [hbm4b:s1+s5], $0x80, $0x38;
	[tilespmem:$0x1DD00] =	vst v63  }
0x62: {  	s0 =	sadd.s32 $0x80, s30  }
0x63: {  	[tilespmem:s18], [sflag:$0x1] =	stream.indirect.gather [hbm4b:s2+s17], $0x80, s0, s17, $0xb8;
	[tilespmem:$0x1DD00] =	vst v63  }
0x64: {  	_ =	swait.ge [sflag:s23], $0x3200  }
0x65: {  	[sflag:s23] =	ssyncset.done $0x0  }
0x66: {  	[sflag:s23] =	ssyncadd.s32 $0xFFFFCE00  }
0x67: {  	_ =	swait.ge [sflag:s24], $0x80  }
0x68: {  	[sflag:s24] =	ssyncset.done $0x0  }
0x69: {  	[sflag:s24] =	ssyncadd.s32 $0xFFFFFF80  }
0x6a: {  	[spmem:s4] =	stream.indirect.scatter.add.f32 [tilespmem:s20], [sflag:$0x5], $0x80, s19, s17, $0xb8;
	[tilespmem:$0x1DD00] =	vst v63  }
0x6b: {  	_ =	swait.ge [sflag:s15], $0x3200  }
0x6c: {  	[sflag:s15] =	ssyncset.done $0x0  }
0x6d: {  	[sflag:s15] =	ssyncadd.s32 $0xFFFFCE00  }
0x6e: {  	[tilespmem:s19], [sflag:$0x4] =	stream.linear.gather [hbm4b:s13+s5], $0x80, $0x38;
	[tilespmem:$0x1DD00] =	vst v63  }
0x6f: {  	_ = 	snop  }
0x70: {  	[tilespmem:s20], [sflag:$0x2] =	stream.indirect.gather [hbm4b:s2+s17], $0x80, s25, s17, $0xb8;
	[tilespmem:$0x1DD00] =	vst v63  }
0x71: {  	_ =	swait.ge [sflag:s21], $0x3200  }
0x72: {  	[sflag:s21] =	ssyncset.done $0x0  }
0x73: {  	[sflag:s21] =	ssyncadd.s32 $0xFFFFCE00  }
0x74: {  	_ =	swait.ge [sflag:s22], $0x80  }
0x75: {  	[sflag:s22] =	ssyncset.done $0x0  }
0x76: {  	[sflag:s22] =	ssyncadd.s32 $0xFFFFFF80  }
0x77: {  	[spmem:s4] =	stream.indirect.scatter.add.f32 [tilespmem:s18], [sflag:$0x5], $0x80, s16, s17, $0xb8;
	[tilespmem:$0x1DD00] =	vst v63  }
0x78: {  	_ =	swait.ge [sflag:s15], $0x3200  }
0x79: {  	[sflag:s15] =	ssyncset.done $0x0  }
0x7a: {  	[sflag:s15] =	ssyncadd.s32 $0xFFFFCE00  }
0x7b: {  	_ =	swait.ge [sflag:s23], $0x3200  }
0x7c: {  	[sflag:s23] =	ssyncset.done $0x0  }
0x7d: {  	[sflag:s23] =	ssyncadd.s32 $0xFFFFCE00  }
0x7e: {  	_ =	swait.ge [sflag:s24], $0x80  }
0x7f: {  	[sflag:s24] =	ssyncset.done $0x0  }
0x80: {  	[sflag:s24] =	ssyncadd.s32 $0xFFFFFF80  }
0x81: {  	[spmem:s4] =	stream.indirect.scatter.add.f32 [tilespmem:s20], [sflag:$0x5], $0x80, s19, s17, $0xb8;
	[tilespmem:$0x1DD00] =	vst v63  }
0x82: {  	_ =	swait.ge [sflag:s15], $0x3200  }
0x83: {  	s26 =	sadd.s32 $0x1, s26;
	[sflag:s15] =	ssyncset.done $0x0  }
0x84: {  	p0 =	sne.s32 s26, s12;
	[sflag:s15] =	ssyncadd.s32 $0xFFFFCE00  }
.Ltmp1:
0x85: {  	[bflag:$0x0] =	sbarrier.arrive $0xFFFF;
	(pc) =	sbr.rel @p0 .LBB2_1-.Ltmp1, $4  }
0x86: {  	[hbm:s11], [sflag:s8] =	dma.local [spmem:s14], $0x2800  }
0x87: {  	_ =	swait.ge [sflag:s15], $0x2800  }
0x88: {  	[sflag:s15] =	ssyncset.done $0x0  }
0x89: {  	[sflag:s15] =	ssyncadd.s32 $0xFFFFD800  }
0x8a: {  	_ =	sfence.sel $0x180000  }
0x8b: {  	[bflag:$0x0] =	sbarrier.arrive $0xFFFF  }
0x8c: {  	_ =	strace $0x9000004D  }
0x8d: {  	s0 =	stileid.u32;
	[bflag:$0x2] =	sbarrier.arrive $0xFFFF  }
0x8e: {  	p0 =	sne.s32 s0, $0x0;
	s0 =	rddreg [dreg:$0x3]  }
0x8f: {  	s0 =	sadd.s32 @!p0 $0x100000, s0  }
0x90: {  	[sflag:s0] =	ssyncadd.tile.s32 @!p0 $0x1;
	_ =	shalt  }
.Lfunc_end2:
_tile_overlayer_lowered:
.L_overlay_start_2:
0x91: {  	(tag) =	ssettag $0x2  }
0x92: {  	s0 =	rddreg [dreg:$0x0];
	s2 =	stileid.u32  }
0x93: {  	s1 =	rddreg [dreg:$0x1];
	p0 =	sne.s32 s2, $0x0  }
0x94: {  	s3 =	rddreg [dreg:$0x2];
	[bflag:$0x3] =	sbarrier.arrive $0xFFFF;
	s2 =	simm.s32 @!p0 $0x1C05  }
0x95: {  	[timem:s3], [sflag:s2] =	dma.local @!p0 [hbm:s0], s1  }
0x96: {  	s0 =	simm.s32 @!p0 $0x5  }
0x97: {  	_ =	swait.ge @!p0 [sflag:s0], s1  }
0x98: {  	s1 =	ssub.s32 @!p0 $0x0, s1;
	[sflag:s0] =	ssyncset.done @!p0 $0x0  }
0x99: {  	[sflag:s0] =	ssyncadd.s32 @!p0 s1  }
0x9a: {  	[bflag:$0x3] =	sbarrier.arrive $0xFFFF  }
0x9b: {  	_ =	shalt  }

// kernel: kernel.22.cloned.1.call-start
scs
__scs_entry_jumppad:
0x0: {  	(pc) =	sbr.rel $0x88, $3  }
0x1: {  	(tag) =	ssettag $0x0;
	lr =	simm.s32 $0x1  }
0x2: {  	[smem:$0x3F93] =	sst lr;
	_ =	strace $0xD0000000  }
0x3: {  	_ = 	snop  }
0x4: {  	_ = 	snop  }
0x5: {  	_ = 	snop  }
0x6: {  	_ = 	snop  }
0x7: {  	_ = 	snop  }
__scs_overlays_trampoline_lowered:
0x8: {  	[smem:$0x3FA2] =	sst s0  }
0x9: {  	[smem:$0x3FA3] =	sst s1  }
0xa: {  	[smem:$0x3FA4] =	sst s2  }
0xb: {  	[smem:$0x3FA5] =	sst s3  }
0xc: {  	[smem:$0x3FA6] =	sst s4  }
0xd: {  	[smem:$0x3FA7] =	sst s5  }
0xe: {  	[smem:$0x3FA8] =	sst s6  }
0xf: {  	[smem:$0x3FA9] =	sst s7  }
0x10: {  	[smem:$0x3FAA] =	sst s8  }
0x11: {  	[smem:$0x3FAB] =	sst s9;
	s0 =	simm.s32 @!p0 $0x0  }
0x12: {  	s1 =	sld [smem:$0x3F91];
	s0 =	simm.s32 @p0 $0x1  }
0x13: {  	[smem:$0x3FAC] =	sst s0;
	s0 =	simm.s32 @!p1 $0x0  }
0x14: {  	s2 =	sld [smem:$0x3F90];
	s0 =	simm.s32 @p1 $0x1  }
0x15: {  	[smem:$0x3FAD] =	sst s0;
	s0 =	simm.s32 @!p2 $0x0  }
0x16: {  	s3 =	sld [smem:$0x3FDB];
	s0 =	simm.s32 @p2 $0x1  }
0x17: {  	s4 =	simm.s32 $0x1BF5;
	[smem:$0x3FAF] =	sst s0  }
0x18: {  	s0 =	sld [smem:$0x3F92];
	_ =	swait.ge [sflag:s4], $0x0  }
0x19: {  	s7 =	sld [smem:$0x3F93]  }
0x1a: {  	s8 =	sadd.s32 $0xFFFFE003, lr  }
0x1b: {  	s9 =	sadd.s32 $0xFFFFFEF7, lr;
	s5 =	simm.s32 $0xFFFFFFFF;
	p2 =	slt.u32 s8, $0xFFFFF086  }
0x1c: {  	p1 =	slt.u32 s9, $0xF7A;
	s5 =	simm.s32 @!p2 $0x0  }
0x1d: {  	s5 =	simm.s32 @p1 $0x1;
	p0 =	seq.s32 s7, s2  }
0x1e: {  	s7 =	smul.u32 @!p0 $0xF7A, s2;
	p2 =	seq.s32 @!p0 s5, $0x0  }
0x1f: {  	s9 =	smul.u32 $0xF7A, s1;
	s8 =	simm.s32 @!p0 $0x1BF5;
	p2 =	por !p2, p0  }
0x20: {  	[sflag:s8] =	ssyncset.s32 @!p0 $0xFFFFF086;
	s6 =	sadd.s32 @!p0 s3, s7;
	s7 =	simm.s32 @!p0 $0x108  }
0x21: {  	s3 =	sadd.s32 s3, s9;
	s6 =	sadd.s32 @!p0 $0x88, s6;
	s7 =	simm.s32 @p2 $0x1082  }
0x22: {  	[simem:s7], [sflag:s8] =	dma.local @!p0 [hbm:s6], $0xF7A  }
0x23: {  	s9 =	sor.u32 $0xD0000000, s2;
	s6 =	simm.s32 $0x108;
	_ =	swait.ge @!p0 [sflag:s8], $0x0  }
0x24: {  	s3 =	sadd.s32 $0x88, s3;
	s6 =	simm.s32 @!p1 $0x1082;
	[sflag:s4] =	ssyncset.s32 $0xFFFFF086  }
0x25: {  	[simem:s6], [sflag:s4] =	dma.local [hbm:s3], $0xF7A  }
0x26: {  	[smem:$0x3F93] =	sst s1;
	(tag) =	ssettag s2;
	_ =	strace s9  }
0x27: {  	s1 =	sld [smem:$0x3FA3]  }
0x28: {  	s2 =	sld [smem:$0x3FA4]  }
0x29: {  	s4 =	sld [smem:$0x3FA6]  }
0x2a: {  	p0 =	seq.s32 s5, $0x0;
	s5 =	sld [smem:$0x3FA7]  }
0x2b: {  	s6 =	sld [smem:$0x3FA8]  }
0x2c: {  	s7 =	sld [smem:$0x3FA9]  }
0x2d: {  	s3 =	simm.s32 $0x108;
	s8 =	sld [smem:$0x3FAA]  }
0x2e: {  	s3 =	simm.s32 @!p0 $0x1082;
	s9 =	sld [smem:$0x3FAB]  }
0x2f: {  	lr =	sadd.s32 s0, s3;
	s0 =	sld [smem:$0x3FA2]  }
0x30: {  	s3 =	sld [smem:$0x3FA5]  }
0x31: {  	[smem:$0x3FAE] =	sst s10  }
0x32: {  	s10 =	sld [smem:$0x3FAC];
	_ =	sdelay $0x3  }
0x33: {  	p0 =	seq.s32 s10, $0x1;
	s10 =	sld [smem:$0x3FAE];
	_ =	sdelay $0x3  }
0x34: {  	[smem:$0x3FAE] =	sst s10  }
0x35: {  	s10 =	sld [smem:$0x3FAD];
	_ =	sdelay $0x3  }
0x36: {  	p1 =	seq.s32 s10, $0x1;
	s10 =	sld [smem:$0x3FAE];
	_ =	sdelay $0x3  }
0x37: {  	[smem:$0x3FAE] =	sst s10  }
0x38: {  	s10 =	sld [smem:$0x3FAF]  }
0x39: {  	_ = 	snop;
	(pc) =	sbr.ind lr, $3  }
0x3a: {  	_ = 	snop  }
0x3b: {  	_ = 	snop  }
0x3c: {  	p2 =	seq.s32 s10, $0x1;
	s10 =	sld [smem:$0x3FAE]  }
0x3d: {  	_ =	shalt  }
0x3e: {  	_ =	shalt  }
0x3f: {  	_ =	shalt  }
0x40: {  	_ =	shalt  }
0x41: {  	_ =	shalt  }
0x42: {  	_ =	shalt  }
0x43: {  	_ =	shalt  }
0x44: {  	_ =	shalt  }
0x45: {  	_ =	shalt  }
0x46: {  	_ =	shalt  }
0x47: {  	_ =	shalt  }
0x48: {  	_ =	shalt  }
0x49: {  	_ =	shalt  }
0x4a: {  	_ =	shalt  }
0x4b: {  	_ =	shalt  }
0x4c: {  	_ =	shalt  }
0x4d: {  	_ =	shalt  }
0x4e: {  	_ =	shalt  }
0x4f: {  	_ =	shalt  }
0x50: {  	_ =	shalt  }
0x51: {  	_ =	shalt  }
0x52: {  	_ =	shalt  }
0x53: {  	_ =	shalt  }
0x54: {  	_ =	shalt  }
0x55: {  	_ =	shalt  }
0x56: {  	_ =	shalt  }
0x57: {  	_ =	shalt  }
0x58: {  	_ =	shalt  }
0x59: {  	_ =	shalt  }
0x5a: {  	_ =	shalt  }
0x5b: {  	_ =	shalt  }
0x5c: {  	_ =	shalt  }
0x5d: {  	_ =	shalt  }
0x5e: {  	_ =	shalt  }
0x5f: {  	_ =	shalt  }
0x60: {  	_ =	shalt  }
0x61: {  	_ =	shalt  }
0x62: {  	_ =	shalt  }
0x63: {  	_ =	shalt  }
0x64: {  	_ =	shalt  }
0x65: {  	_ =	shalt  }
0x66: {  	_ =	shalt  }
0x67: {  	_ =	shalt  }
0x68: {  	_ =	shalt  }
0x69: {  	_ =	shalt  }
0x6a: {  	_ =	shalt  }
0x6b: {  	_ =	shalt  }
0x6c: {  	_ =	shalt  }
0x6d: {  	_ =	shalt  }
0x6e: {  	_ =	shalt  }
0x6f: {  	_ =	shalt  }
0x70: {  	_ =	shalt  }
0x71: {  	_ =	shalt  }
0x72: {  	_ =	shalt  }
0x73: {  	_ =	shalt  }
0x74: {  	_ =	shalt  }
0x75: {  	_ =	shalt  }
0x76: {  	_ =	shalt  }
0x77: {  	_ =	shalt  }
0x78: {  	_ =	shalt  }
0x79: {  	_ =	shalt  }
0x7a: {  	_ =	shalt  }
0x7b: {  	_ =	shalt  }
0x7c: {  	_ =	shalt  }
0x7d: {  	_ =	shalt  }
0x7e: {  	_ =	shalt  }
0x7f: {  	_ =	shalt  }
0x80: {  	_ =	shalt  }
0x81: {  	_ =	shalt  }
0x82: {  	_ =	shalt  }
0x83: {  	_ =	shalt  }
0x84: {  	_ =	shalt  }
0x85: {  	_ =	shalt  }
0x86: {  	_ =	shalt  }
0x87: {  	_ =	shalt  }
.Lfunc_end0:
.L_simem_size_0:
called_computation.3_lowered:
.L_overlay_start_0:
0x88: {  	s2 =	sld [smem:$0x3FD9]  }
0x89: {  	s3 =	sld [smem:$0x3FFE];
	_ =	sdelay $0x1  }
0x8a: {  	s1 =	srdreg.scid  }
0x8b: {  	s0 =	sand.u32 $0x1, s1  }
0x8c: {  	s17 =	sshll.u32 s0, $0xA;
	s2 =	sadd.s32 s3, s2  }
0x8d: {  	s2 =	sadd.s32 s2, s17  }
0x8e: {  	[smem:$0x3FBA] =	sst s2  }
0x8f: {  	_ = 	snop  }
0x90: {  	s2 =	sld [smem:$0x3FD0];
	(tm) =	ssettm $0x1  }
0x91: {  	s18 =	sld [smem:$0x3FFB];
	_ =	sdelay $0x3  }
0x92: {  	_ =	strace s18  }
0x93: {  	s3 =	sld [smem:$0x3FFC];
	_ =	sdelay $0x3  }
0x94: {  	_ =	strace s3  }
0x95: {  	s3 =	sld [smem:$0x3FFD];
	_ =	sdelay $0x3  }
0x96: {  	_ =	strace s3  }
0x97: {  	_ =	strace $0x8FFFFFFF  }
0x98: {  	s19 =	sld [smem:$0x3FDB];
	_ =	sdelay $0x1  }
0x99: {  	s4 =	simm.s32 $_scs_section_size  }
0x9a: {  	s5 =	simm.s32 $_size__tile_overlayer_lowered;
	s6 =	simm.s32 $_tile_overlayer_lowered  }
0x9b: {  	s22 =	simm.s32 $0x1BFF;
	s21 =	sshll.u32 s6, $0x1;
	s3 =	sadd.s32 s4, s19  }
0x9c: {  	s7 =	simm.s32 $0x0;
	s20 =	sshll.u32 s5, $0x1;
	s5 =	sadd.s32 s21, s3  }
0x9d: {  	[timem:s7], [sflag:s22] =	dma.local [hbm:s5], s20  }
0x9e: {  	_ =	swait.ge [sflag:s22], s20  }
0x9f: {  	s4 =	ssub.s32 $0x0, s20;
	[sflag:s22] =	ssyncset.done $0x0  }
0xa0: {  	[sflag:s22] =	ssyncadd.s32 s4;
	_ =	sdelay $0x1  }
0xa1: {  	s23 =	simm.s32 $0x1B8B  }
0xa2: {  	_ =	swait.ge [sflag:s23], $0x1  }
0xa3: {  	[sflag:s23] =	ssyncset.done $0x0  }
0xa4: {  	s25 =	simm.s32 $0x1B8E;
	s24 =	sld [smem:$0x3FFE];
	[sflag:s23] =	ssyncadd.s32 $0xFFFFFFFF  }
0xa5: {  	s26 =	simm.s32 $execute0_lowered;
	[smem:$0x3FD2] =	sst s25  }
0xa6: {  	s5 =	sshll.u32 s26, $0x1;
	_ =	strace $0x8000004F;
	[dreg:$0x1] =	wrdreg $0xFFFFFFFF  }
0xa7: {  	s28 =	simm.s32 $_size_execute0_lowered;
	s3 =	sadd.s32 s3, s5;
	[dreg:$0x0] =	wrdreg $0x0  }
0xa8: {  	s5 =	sshll.u32 s28, $0x1;
	[dreg:$0x2] =	wrdreg s3  }
0xa9: {  	[dreg:$0x3] =	wrdreg s5  }
0xaa: {  	[dreg:$0x4] =	wrdreg $0xC0  }
0xab: {  	_ =	task [dreg:s7], $0x5FFFF  }
0xac: {  	[dreg:$0x1] =	wrdreg $0xFFFFFFFF  }
0xad: {  	[dreg:$0x0] =	wrdreg $0x60  }
0xae: {  	[dreg:$0x2] =	wrdreg s2  }
0xaf: {  	[dreg:$0x3] =	wrdreg s24  }
0xb0: {  	[dreg:$0x4] =	wrdreg $0x9D000  }
0xb1: {  	[dreg:$0x5] =	wrdreg $0x9  }
0xb2: {  	_ =	task.clear_ibuf [dreg:s7], $0x6FFFF;
	_ =	strace $0x9000004F  }
0xb3: {  	s29 =	simm.s32 $0x9;
	_ =	strace $0x80000051  }
0xb4: {  	_ =	swait.ge [sflag:s29], $0x1  }
0xb5: {  	[sflag:s29] =	ssyncadd.s32 $0xFFFFFFFF  }
0xb6: {  	_ =	strace $0x90000051  }
0xb7: {  	_ =	sfence  }
0xb8: {  	s30 =	sld [smem:$0x0];
	_ =	sdelay $0x2  }
0xb9: {  	s31 =	sshll.u32 s1, $0xD;
	s1 =	sshrl.u32 s1, $0x2  }
0xba: {  	s3 =	sand.u32 $0x4000, s31;
	s1 =	sadd.s32 s1, s30  }
0xbb: {  	s0 =	sor.u32 s3, s0;
	s1 =	sshll.u32 s1, $0x11  }
0xbc: {  	s0 =	sor.u32 s1, s0  }
0xbd: {  	s0 =	sadd.s32 $0x8F2B, s0  }
0xbe: {  	[sflag:s0] =	ssyncadd.remote.s32 $0x1  }
0xbf: {  	_ =	sfence.sel $0xFFFF  }
0xc0: {  	[dreg:$0x0] =	wrdreg $0xFFFFFFFF;
	(pc) =	sbr.abs _section_cstart, $3  }
0xc1: {  	[dreg:$0x1] =	wrdreg $0xFFFFFFFF  }
0xc2: {  	_ =	task.clear_ibuf [dreg:s7], $0x2FFFF;
	_ =	strace $0x9FFFFFFF  }
0xc3: {  	(tm) =	ssettm $0x7FFFFFFF  }
tec
execute0_lowered:
.L_overlay_start_1:
0x0: {  	(tag) =	ssettag $0x1  }
0x1: {  	s2 =	rddreg [dreg:$0x0]  }
0x2: {  	s1 =	srdreg.scid;
	s8 =	rddreg [dreg:$0x1]  }
0x3: {  	s0 =	stileid.u32;
	s4 =	rddreg [dreg:$0x2]  }
0x4: {  	s5 =	simm.s32 $0x0;
	s15 =	simm.s32 $0x5;
	s16 =	simm.s32 $0x3400  }
0x5: {  	s17 =	simm.s32 $0x64;
	s18 =	simm.s32 $0x3500;
	s19 =	simm.s32 $0x3480  }
0x6: {  	s20 =	simm.s32 $0x6900;
	s21 =	simm.s32 $0x1;
	s22 =	simm.s32 $0x3  }
0x7: {  	s23 =	simm.s32 $0x2;
	s24 =	simm.s32 $0x4;
	s25 =	simm.s32 $0x3180  }
0x8: {  	s26 =	simm.s32 $0x0;
	s1 =	sand.u32 $0x1, s1;
	s7 =	smul.u32 $0x14000, s0  }
0x9: {  	s3 =	sshll.u32 s0, $0x1;
	[smem:$0x7FF] =	sst s5;
	s12 =	smul.u32 $0x50000, s0  }
0xa: {  	s13 =	sshll.u32 s0, $0x6;
	s3 =	sor.u32 s1, s3;
	s6 =	smul.u32 $0x140000, s1  }
0xb: {  	_ =	strace $0x80000050;
	s1 =	ssub.s32 $0x2, s1;
	s3 =	smul.u32 $0x3400, s3  }
0xc: {  	s31 =	sshrl.u32 s1, $0x1;
	s12 =	sshrl.u32 s12, $0x2;
	s7 =	sadd.s32 s7, s6  }
0xd: {  	s6 =	sadd.s32 $0x3E00, s8;
	s1 =	ssub.s32 s1, s31;
	s14 =	sadd.s32 s12, s4  }
0xe: {  	s10 =	sshrl.u32 s3, $0x3;
	s11 =	sshrl.u32 s7, $0x3;
	s7 =	sadd.s32 $0x10E00, s8  }
0xf: {  	s12 =	smax.u32 s1, $0x1;
	s14 =	sshrl.u32 s14, $0x3;
	s9 =	sadd.s32 s10, s8  }
0x10: {  	s11 =	sadd.s32 s11, s8;
	s8 =	sor.u32 $0x1C05, s13;
	s10 =	sadd.s32 s6, s10  }
0x11: {  	s9 =	sadd.s32 $0x63E00, s9;
	s11 =	sadd.s32 $0x13600, s11;
	s13 =	sadd.s32 $0x630, s10  }
.LBB2_1:
0x12: {  	[spmem:s14], [sflag:s8] =	dma.local [hbm:s7], $0x2800  }
0x13: {  	_ =	swait.ge [sflag:s15], $0x2800  }
0x14: {  	[sflag:s15] =	ssyncset.done $0x0  }
0x15: {  	[sflag:s15] =	ssyncadd.s32 $0xFFFFD800  }
0x16: {  	[tilespmem:s5], [sflag:$0x5] =	stream.linear.gather [hbm4b:s9+s5], $0x3200, $0x38;
	[tilespmem:$0x1DD00] =	vst v63  }
0x17: {  	s1 =	simm.s32 $0x0;
	_ =	swait.ge [sflag:s15], $0x3200  }
0x18: {  	s28 =	simm.s32 $0x80;
	s1 =	sand.u32 $0x3C00, s1;
	[sflag:s15] =	ssyncset.done $0x0  }
0x19: {  	s28 =	sand.u32 $0x380, s28;
	s1 =	sadd.s32 s3, s1;
	[sflag:s15] =	ssyncadd.s32 $0xFFFFCE00  }
0x1a: {  	s1 =	sor.u32 s1, s28;
	[bflag:$0x0] =	sbarrier.arrive $0xFFFF  }
0x1b: {  	[tilespmem:s16], [sflag:$0x3] =	stream.linear.gather [hbm4b:s10+s5], $0x80, $0x38;
	[tilespmem:$0x1DD00] =	vst v63  }
0x1c: {  	s1 =	sshrl.u32 s1, $0x3  }
0x1d: {  	[tilespmem:s18], [sflag:$0x1] =	stream.indirect.gather [hbm4b:s2+s17], $0x80, s5, s17, $0xb8;
	[tilespmem:$0x1DD00] =	vst v63  }
0x1e: {  	s1 =	sadd.s32 s6, s1  }
0x1f: {  	[tilespmem:s19], [sflag:$0x4] =	stream.linear.gather [hbm4b:s1+s5], $0x80, $0x38;
	[tilespmem:$0x1DD00] =	vst v63  }
0x20: {  	s28 =	simm.s32 $0x80  }
0x21: {  	[tilespmem:s20], [sflag:$0x2] =	stream.indirect.gather [hbm4b:s2+s17], $0x80, s28, s17, $0xb8;
	[tilespmem:$0x1DD00] =	vst v63  }
0x22: {  	_ =	swait.ge [sflag:s21], $0x3200  }
0x23: {  	[sflag:s21] =	ssyncset.done $0x0  }
0x24: {  	[sflag:s21] =	ssyncadd.s32 $0xFFFFCE00  }
0x25: {  	s0 =	simm.s32 $0x100;
	_ =	swait.ge [sflag:s22], $0x80  }
0x26: {  	s29 =	sand.u32 $0x7C00, s0;
	[sflag:s22] =	ssyncset.done $0x0  }
0x27: {  	s29 =	sadd.s32 s3, s29;
	s1 =	sand.u32 $0x300, s0;
	[sflag:s22] =	ssyncadd.s32 $0xFFFFFF80  }
0x28: {  	[spmem:s4] =	stream.indirect.scatter.add.f32 [tilespmem:s18], [sflag:$0x5], $0x80, s16, s17, $0xb8;
	[tilespmem:$0x1DD00] =	vst v63  }
0x29: {  	s1 =	sor.u32 s1, s29;
	_ =	swait.ge [sflag:s15], $0x3200  }
0x2a: {  	s1 =	sshrl.u32 s1, $0x3;
	[sflag:s15] =	ssyncset.done $0x0  }
0x2b: {  	s1 =	sadd.s32 s6, s1;
	[sflag:s15] =	ssyncadd.s32 $0xFFFFCE00  }
0x2c: {  	[tilespmem:s16], [sflag:$0x3] =	stream.linear.gather [hbm4b:s1+s5], $0x80, $0x38;
	[tilespmem:$0x1DD00] =	vst v63  }
0x2d: {  	s0 =	simm.s32 $0x100  }
0x2e: {  	[tilespmem:s18], [sflag:$0x1] =	stream.indirect.gather [hbm4b:s2+s17], $0x80, s0, s17, $0xb8;
	[tilespmem:$0x1DD00] =	vst v63  }
0x2f: {  	s0 =	simm.s32 $0x100;
	_ =	swait.ge [sflag:s23], $0x3200  }
0x30: {  	s29 =	simm.s32 $0x180;
	s1 =	sand.u32 $0x3C00, s0;
	[sflag:s23] =	ssyncset.done $0x0  }
0x31: {  	s30 =	sand.u32 $0x380, s29;
	s1 =	sadd.s32 s3, s1;
	[sflag:s23] =	ssyncadd.s32 $0xFFFFCE00  }
0x32: {  	s29 =	simm.s32 $0x200;
	s1 =	sor.u32 s1, s30;
	_ =	swait.ge [sflag:s24], $0x80  }
0x33: {  	s30 =	simm.s32 $0x300;
	s31 =	sshrl.u32 s1, $0x3;
	[sflag:s24] =	ssyncset.done $0x0  }
.LBB2_2:
0x34: {  	[sflag:s24] =	ssyncadd.s32 $0xFFFFFF80  }
0x35: {  	s28 =	sadd.s32 $0x100, s28;
	s0 =	smov.u32 s30;
	s1 =	sadd.s32 $0x100, s30  }
0x36: {  	[spmem:s4] =	stream.indirect.scatter.add.f32 [tilespmem:s20], [sflag:$0x5], $0x80, s19, s17, $0xb8;
	[tilespmem:$0x1DD00] =	vst v63  }
0x37: {  	p0 =	sne.s32 s30, $0x3100;
	_ =	swait.ge [sflag:s15], $0x3200  }
0x38: {  	s30 =	sadd.s32 s6, s31;
	[sflag:s15] =	ssyncset.done $0x0  }
0x39: {  	[sflag:s15] =	ssyncadd.s32 $0xFFFFCE00  }
0x3a: {  	[tilespmem:s19], [sflag:$0x4] =	stream.linear.gather [hbm4b:s30+s5], $0x80, $0x38;
	[tilespmem:$0x1DD00] =	vst v63  }
0x3b: {  	_ = 	snop  }
0x3c: {  	[tilespmem:s20], [sflag:$0x2] =	stream.indirect.gather [hbm4b:s2+s17], $0x80, s28, s17, $0xb8;
	[tilespmem:$0x1DD00] =	vst v63  }
0x3d: {  	_ =	swait.ge [sflag:s21], $0x3200  }
0x3e: {  	[sflag:s21] =	ssyncset.done $0x0  }
0x3f: {  	[sflag:s21] =	ssyncadd.s32 $0xFFFFCE00  }
0x40: {  	_ =	swait.ge [sflag:s22], $0x80  }
0x41: {  	s30 =	sand.u32 $0x7C00, s29;
	[sflag:s22] =	ssyncset.done $0x0  }
0x42: {  	s29 =	sand.u32 $0x300, s29;
	s30 =	sadd.s32 s3, s30;
	[sflag:s22] =	ssyncadd.s32 $0xFFFFFF80  }
0x43: {  	[spmem:s4] =	stream.indirect.scatter.add.f32 [tilespmem:s18], [sflag:$0x5], $0x80, s16, s17, $0xb8;
	[tilespmem:$0x1DD00] =	vst v63  }
0x44: {  	s30 =	sor.u32 s29, s30;
	s29 =	smov.u32 s0;
	_ =	swait.ge [sflag:s15], $0x3200  }
0x45: {  	s0 =	sshrl.u32 s30, $0x3;
	[sflag:s15] =	ssyncset.done $0x0  }
0x46: {  	s30 =	sadd.s32 $0x80, s28;
	s0 =	sadd.s32 s6, s0;
	[sflag:s15] =	ssyncadd.s32 $0xFFFFCE00  }
0x47: {  	[tilespmem:s16], [sflag:$0x3] =	stream.linear.gather [hbm4b:s0+s5], $0x80, $0x38;
	[tilespmem:$0x1DD00] =	vst v63  }
0x48: {  	_ = 	snop  }
0x49: {  	[tilespmem:s18], [sflag:$0x1] =	stream.indirect.gather [hbm4b:s2+s17], $0x80, s30, s17, $0xb8;
	[tilespmem:$0x1DD00] =	vst v63  }
.Ltmp0:
0x4a: {  	s0 =	sadd.s32 $0xFFFFFF00, s29;
	_ =	swait.ge [sflag:s23], $0x3200;
	(pc) =	sbr.rel @p0 .LBB2_2-.Ltmp0, $4  }
0x4b: {  	s0 =	sand.u32 $0x3C00, s0;
	s30 =	sadd.s32 $0xFFFFFF80, s29;
	[sflag:s23] =	ssyncset.done $0x0  }
0x4c: {  	s0 =	sadd.s32 s3, s0;
	s30 =	sand.u32 $0x380, s30;
	[sflag:s23] =	ssyncadd.s32 $0xFFFFCE00  }
0x4d: {  	s0 =	sor.u32 s0, s30;
	_ =	swait.ge [sflag:s24], $0x80  }
0x4e: {  	s30 =	smov.u32 s1;
	s31 =	sshrl.u32 s0, $0x3;
	[sflag:s24] =	ssyncset.done $0x0  }
0x4f: {  	[sflag:s24] =	ssyncadd.s32 $0xFFFFFF80  }
0x50: {  	[spmem:s4] =	stream.indirect.scatter.add.f32 [tilespmem:s20], [sflag:$0x5], $0x80, s19, s17, $0xb8;
	[tilespmem:$0x1DD00] =	vst v63  }
0x51: {  	_ =	swait.ge [sflag:s15], $0x3200  }
0x52: {  	[sflag:s15] =	ssyncset.done $0x0  }
0x53: {  	s0 =	sadd.s32 s6, s31;
	[sflag:s15] =	ssyncadd.s32 $0xFFFFCE00  }
0x54: {  	[tilespmem:s19], [sflag:$0x4] =	stream.linear.gather [hbm4b:s0+s5], $0x80, $0x38;
	[tilespmem:$0x1DD00] =	vst v63  }
0x55: {  	s30 =	sadd.s32 $0x100, s28  }
0x56: {  	[tilespmem:s20], [sflag:$0x2] =	stream.indirect.gather [hbm4b:s2+s17], $0x80, s30, s17, $0xb8;
	[tilespmem:$0x1DD00] =	vst v63  }
0x57: {  	_ =	swait.ge [sflag:s21], $0x3200  }
0x58: {  	[sflag:s21] =	ssyncset.done $0x0  }
0x59: {  	[sflag:s21] =	ssyncadd.s32 $0xFFFFCE00  }
0x5a: {  	_ =	swait.ge [sflag:s22], $0x80  }
0x5b: {  	s1 =	sand.u32 $0x7C00, s29;
	[sflag:s22] =	ssyncset.done $0x0  }
0x5c: {  	s31 =	sand.u32 $0x300, s29;
	s1 =	sadd.s32 s3, s1;
	[sflag:s22] =	ssyncadd.s32 $0xFFFFFF80  }
0x5d: {  	[spmem:s4] =	stream.indirect.scatter.add.f32 [tilespmem:s18], [sflag:$0x5], $0x80, s16, s17, $0xb8;
	[tilespmem:$0x1DD00] =	vst v63  }
0x5e: {  	s1 =	sor.u32 s31, s1;
	_ =	swait.ge [sflag:s15], $0x3200  }
0x5f: {  	s1 =	sshrl.u32 s1, $0x3;
	[sflag:s15] =	ssyncset.done $0x0  }
0x60: {  	s1 =	sadd.s32 s6, s1;
	[sflag:s15] =	ssyncadd.s32 $0xFFFFCE00  }
0x61: {  	[tilespmem:s16], [sflag:$0x3] =	stream.linear.gather [hbm4b:s1+s5], $0x80, $0x38;
	[tilespmem:$0x1DD00] =	vst v63  }
0x62: {  	s0 =	sadd.s32 $0x80, s30  }
0x63: {  	[tilespmem:s18], [sflag:$0x1] =	stream.indirect.gather [hbm4b:s2+s17], $0x80, s0, s17, $0xb8;
	[tilespmem:$0x1DD00] =	vst v63  }
0x64: {  	_ =	swait.ge [sflag:s23], $0x3200  }
0x65: {  	[sflag:s23] =	ssyncset.done $0x0  }
0x66: {  	[sflag:s23] =	ssyncadd.s32 $0xFFFFCE00  }
0x67: {  	_ =	swait.ge [sflag:s24], $0x80  }
0x68: {  	[sflag:s24] =	ssyncset.done $0x0  }
0x69: {  	[sflag:s24] =	ssyncadd.s32 $0xFFFFFF80  }
0x6a: {  	[spmem:s4] =	stream.indirect.scatter.add.f32 [tilespmem:s20], [sflag:$0x5], $0x80, s19, s17, $0xb8;
	[tilespmem:$0x1DD00] =	vst v63  }
0x6b: {  	_ =	swait.ge [sflag:s15], $0x3200  }
0x6c: {  	[sflag:s15] =	ssyncset.done $0x0  }
0x6d: {  	[sflag:s15] =	ssyncadd.s32 $0xFFFFCE00  }
0x6e: {  	[tilespmem:s19], [sflag:$0x4] =	stream.linear.gather [hbm4b:s13+s5], $0x80, $0x38;
	[tilespmem:$0x1DD00] =	vst v63  }
0x6f: {  	_ = 	snop  }
0x70: {  	[tilespmem:s20], [sflag:$0x2] =	stream.indirect.gather [hbm4b:s2+s17], $0x80, s25, s17, $0xb8;
	[tilespmem:$0x1DD00] =	vst v63  }
0x71: {  	_ =	swait.ge [sflag:s21], $0x3200  }
0x72: {  	[sflag:s21] =	ssyncset.done $0x0  }
0x73: {  	[sflag:s21] =	ssyncadd.s32 $0xFFFFCE00  }
0x74: {  	_ =	swait.ge [sflag:s22], $0x80  }
0x75: {  	[sflag:s22] =	ssyncset.done $0x0  }
0x76: {  	[sflag:s22] =	ssyncadd.s32 $0xFFFFFF80  }
0x77: {  	[spmem:s4] =	stream.indirect.scatter.add.f32 [tilespmem:s18], [sflag:$0x5], $0x80, s16, s17, $0xb8;
	[tilespmem:$0x1DD00] =	vst v63  }
0x78: {  	_ =	swait.ge [sflag:s15], $0x3200  }
0x79: {  	[sflag:s15] =	ssyncset.done $0x0  }
0x7a: {  	[sflag:s15] =	ssyncadd.s32 $0xFFFFCE00  }
0x7b: {  	_ =	swait.ge [sflag:s23], $0x3200  }
0x7c: {  	[sflag:s23] =	ssyncset.done $0x0  }
0x7d: {  	[sflag:s23] =	ssyncadd.s32 $0xFFFFCE00  }
0x7e: {  	_ =	swait.ge [sflag:s24], $0x80  }
0x7f: {  	[sflag:s24] =	ssyncset.done $0x0  }
0x80: {  	[sflag:s24] =	ssyncadd.s32 $0xFFFFFF80  }
0x81: {  	[spmem:s4] =	stream.indirect.scatter.add.f32 [tilespmem:s20], [sflag:$0x5], $0x80, s19, s17, $0xb8;
	[tilespmem:$0x1DD00] =	vst v63  }
0x82: {  	_ =	swait.ge [sflag:s15], $0x3200  }
0x83: {  	s26 =	sadd.s32 $0x1, s26;
	[sflag:s15] =	ssyncset.done $0x0  }
0x84: {  	p0 =	sne.s32 s26, s12;
	[sflag:s15] =	ssyncadd.s32 $0xFFFFCE00  }
.Ltmp1:
0x85: {  	[bflag:$0x0] =	sbarrier.arrive $0xFFFF;
	(pc) =	sbr.rel @p0 .LBB2_1-.Ltmp1, $4  }
0x86: {  	[hbm:s11], [sflag:s8] =	dma.local [spmem:s14], $0x2800  }
0x87: {  	_ =	swait.ge [sflag:s15], $0x2800  }
0x88: {  	[sflag:s15] =	ssyncset.done $0x0  }
0x89: {  	[sflag:s15] =	ssyncadd.s32 $0xFFFFD800  }
0x8a: {  	_ =	sfence.sel $0x180000  }
0x8b: {  	[bflag:$0x0] =	sbarrier.arrive $0xFFFF  }
0x8c: {  	_ =	strace $0x90000050  }
0x8d: {  	s0 =	stileid.u32;
	[bflag:$0x2] =	sbarrier.arrive $0xFFFF  }
0x8e: {  	p0 =	sne.s32 s0, $0x0;
	s0 =	rddreg [dreg:$0x3]  }
0x8f: {  	s0 =	sadd.s32 @!p0 $0x100000, s0  }
0x90: {  	[sflag:s0] =	ssyncadd.tile.s32 @!p0 $0x1;
	_ =	shalt  }
.Lfunc_end2:
_tile_overlayer_lowered:
.L_overlay_start_2:
0x91: {  	(tag) =	ssettag $0x2  }
0x92: {  	s0 =	rddreg [dreg:$0x0];
	s2 =	stileid.u32  }
0x93: {  	s1 =	rddreg [dreg:$0x1];
	p0 =	sne.s32 s2, $0x0  }
0x94: {  	s3 =	rddreg [dreg:$0x2];
	[bflag:$0x3] =	sbarrier.arrive $0xFFFF;
	s2 =	simm.s32 @!p0 $0x1C05  }
0x95: {  	[timem:s3], [sflag:s2] =	dma.local @!p0 [hbm:s0], s1  }
0x96: {  	s0 =	simm.s32 @!p0 $0x5  }
0x97: {  	_ =	swait.ge @!p0 [sflag:s0], s1  }
0x98: {  	s1 =	ssub.s32 @!p0 $0x0, s1;
	[sflag:s0] =	ssyncset.done @!p0 $0x0  }
0x99: {  	[sflag:s0] =	ssyncadd.s32 @!p0 s1  }
0x9a: {  	[bflag:$0x3] =	sbarrier.arrive $0xFFFF  }
0x9b: {  	_ =	shalt  }

// kernel: kernel.25.cloned.1.call-start
scs
__scs_entry_jumppad:
0x0: {  	(pc) =	sbr.rel $0x88, $3  }
0x1: {  	(tag) =	ssettag $0x0;
	lr =	simm.s32 $0x1  }
0x2: {  	[smem:$0x3F93] =	sst lr;
	_ =	strace $0xD0000000  }
0x3: {  	_ = 	snop  }
0x4: {  	_ = 	snop  }
0x5: {  	_ = 	snop  }
0x6: {  	_ = 	snop  }
0x7: {  	_ = 	snop  }
__scs_overlays_trampoline_lowered:
0x8: {  	[smem:$0x3FA2] =	sst s0  }
0x9: {  	[smem:$0x3FA3] =	sst s1  }
0xa: {  	[smem:$0x3FA4] =	sst s2  }
0xb: {  	[smem:$0x3FA5] =	sst s3  }
0xc: {  	[smem:$0x3FA6] =	sst s4  }
0xd: {  	[smem:$0x3FA7] =	sst s5  }
0xe: {  	[smem:$0x3FA8] =	sst s6  }
0xf: {  	[smem:$0x3FA9] =	sst s7  }
0x10: {  	[smem:$0x3FAA] =	sst s8  }
0x11: {  	[smem:$0x3FAB] =	sst s9;
	s0 =	simm.s32 @!p0 $0x0  }
0x12: {  	s1 =	sld [smem:$0x3F91];
	s0 =	simm.s32 @p0 $0x1  }
0x13: {  	[smem:$0x3FAC] =	sst s0;
	s0 =	simm.s32 @!p1 $0x0  }
0x14: {  	s2 =	sld [smem:$0x3F90];
	s0 =	simm.s32 @p1 $0x1  }
0x15: {  	[smem:$0x3FAD] =	sst s0;
	s0 =	simm.s32 @!p2 $0x0  }
0x16: {  	s3 =	sld [smem:$0x3FDB];
	s0 =	simm.s32 @p2 $0x1  }
0x17: {  	s4 =	simm.s32 $0x1BF5;
	[smem:$0x3FAF] =	sst s0  }
0x18: {  	s0 =	sld [smem:$0x3F92];
	_ =	swait.ge [sflag:s4], $0x0  }
0x19: {  	s7 =	sld [smem:$0x3F93]  }
0x1a: {  	s8 =	sadd.s32 $0xFFFFE003, lr  }
0x1b: {  	s9 =	sadd.s32 $0xFFFFFEF7, lr;
	s5 =	simm.s32 $0xFFFFFFFF;
	p2 =	slt.u32 s8, $0xFFFFF086  }
0x1c: {  	p1 =	slt.u32 s9, $0xF7A;
	s5 =	simm.s32 @!p2 $0x0  }
0x1d: {  	s5 =	simm.s32 @p1 $0x1;
	p0 =	seq.s32 s7, s2  }
0x1e: {  	s7 =	smul.u32 @!p0 $0xF7A, s2;
	p2 =	seq.s32 @!p0 s5, $0x0  }
0x1f: {  	s9 =	smul.u32 $0xF7A, s1;
	s8 =	simm.s32 @!p0 $0x1BF5;
	p2 =	por !p2, p0  }
0x20: {  	[sflag:s8] =	ssyncset.s32 @!p0 $0xFFFFF086;
	s6 =	sadd.s32 @!p0 s3, s7;
	s7 =	simm.s32 @!p0 $0x108  }
0x21: {  	s3 =	sadd.s32 s3, s9;
	s6 =	sadd.s32 @!p0 $0x88, s6;
	s7 =	simm.s32 @p2 $0x1082  }
0x22: {  	[simem:s7], [sflag:s8] =	dma.local @!p0 [hbm:s6], $0xF7A  }
0x23: {  	s9 =	sor.u32 $0xD0000000, s2;
	s6 =	simm.s32 $0x108;
	_ =	swait.ge @!p0 [sflag:s8], $0x0  }
0x24: {  	s3 =	sadd.s32 $0x88, s3;
	s6 =	simm.s32 @!p1 $0x1082;
	[sflag:s4] =	ssyncset.s32 $0xFFFFF086  }
0x25: {  	[simem:s6], [sflag:s4] =	dma.local [hbm:s3], $0xF7A  }
0x26: {  	[smem:$0x3F93] =	sst s1;
	(tag) =	ssettag s2;
	_ =	strace s9  }
0x27: {  	s1 =	sld [smem:$0x3FA3]  }
0x28: {  	s2 =	sld [smem:$0x3FA4]  }
0x29: {  	s4 =	sld [smem:$0x3FA6]  }
0x2a: {  	p0 =	seq.s32 s5, $0x0;
	s5 =	sld [smem:$0x3FA7]  }
0x2b: {  	s6 =	sld [smem:$0x3FA8]  }
0x2c: {  	s7 =	sld [smem:$0x3FA9]  }
0x2d: {  	s3 =	simm.s32 $0x108;
	s8 =	sld [smem:$0x3FAA]  }
0x2e: {  	s3 =	simm.s32 @!p0 $0x1082;
	s9 =	sld [smem:$0x3FAB]  }
0x2f: {  	lr =	sadd.s32 s0, s3;
	s0 =	sld [smem:$0x3FA2]  }
0x30: {  	s3 =	sld [smem:$0x3FA5]  }
0x31: {  	[smem:$0x3FAE] =	sst s10  }
0x32: {  	s10 =	sld [smem:$0x3FAC];
	_ =	sdelay $0x3  }
0x33: {  	p0 =	seq.s32 s10, $0x1;
	s10 =	sld [smem:$0x3FAE];
	_ =	sdelay $0x3  }
0x34: {  	[smem:$0x3FAE] =	sst s10  }
0x35: {  	s10 =	sld [smem:$0x3FAD];
	_ =	sdelay $0x3  }
0x36: {  	p1 =	seq.s32 s10, $0x1;
	s10 =	sld [smem:$0x3FAE];
	_ =	sdelay $0x3  }
0x37: {  	[smem:$0x3FAE] =	sst s10  }
0x38: {  	s10 =	sld [smem:$0x3FAF]  }
0x39: {  	_ = 	snop;
	(pc) =	sbr.ind lr, $3  }
0x3a: {  	_ = 	snop  }
0x3b: {  	_ = 	snop  }
0x3c: {  	p2 =	seq.s32 s10, $0x1;
	s10 =	sld [smem:$0x3FAE]  }
0x3d: {  	_ =	shalt  }
0x3e: {  	_ =	shalt  }
0x3f: {  	_ =	shalt  }
0x40: {  	_ =	shalt  }
0x41: {  	_ =	shalt  }
0x42: {  	_ =	shalt  }
0x43: {  	_ =	shalt  }
0x44: {  	_ =	shalt  }
0x45: {  	_ =	shalt  }
0x46: {  	_ =	shalt  }
0x47: {  	_ =	shalt  }
0x48: {  	_ =	shalt  }
0x49: {  	_ =	shalt  }
0x4a: {  	_ =	shalt  }
0x4b: {  	_ =	shalt  }
0x4c: {  	_ =	shalt  }
0x4d: {  	_ =	shalt  }
0x4e: {  	_ =	shalt  }
0x4f: {  	_ =	shalt  }
0x50: {  	_ =	shalt  }
0x51: {  	_ =	shalt  }
0x52: {  	_ =	shalt  }
0x53: {  	_ =	shalt  }
0x54: {  	_ =	shalt  }
0x55: {  	_ =	shalt  }
0x56: {  	_ =	shalt  }
0x57: {  	_ =	shalt  }
0x58: {  	_ =	shalt  }
0x59: {  	_ =	shalt  }
0x5a: {  	_ =	shalt  }
0x5b: {  	_ =	shalt  }
0x5c: {  	_ =	shalt  }
0x5d: {  	_ =	shalt  }
0x5e: {  	_ =	shalt  }
0x5f: {  	_ =	shalt  }
0x60: {  	_ =	shalt  }
0x61: {  	_ =	shalt  }
0x62: {  	_ =	shalt  }
0x63: {  	_ =	shalt  }
0x64: {  	_ =	shalt  }
0x65: {  	_ =	shalt  }
0x66: {  	_ =	shalt  }
0x67: {  	_ =	shalt  }
0x68: {  	_ =	shalt  }
0x69: {  	_ =	shalt  }
0x6a: {  	_ =	shalt  }
0x6b: {  	_ =	shalt  }
0x6c: {  	_ =	shalt  }
0x6d: {  	_ =	shalt  }
0x6e: {  	_ =	shalt  }
0x6f: {  	_ =	shalt  }
0x70: {  	_ =	shalt  }
0x71: {  	_ =	shalt  }
0x72: {  	_ =	shalt  }
0x73: {  	_ =	shalt  }
0x74: {  	_ =	shalt  }
0x75: {  	_ =	shalt  }
0x76: {  	_ =	shalt  }
0x77: {  	_ =	shalt  }
0x78: {  	_ =	shalt  }
0x79: {  	_ =	shalt  }
0x7a: {  	_ =	shalt  }
0x7b: {  	_ =	shalt  }
0x7c: {  	_ =	shalt  }
0x7d: {  	_ =	shalt  }
0x7e: {  	_ =	shalt  }
0x7f: {  	_ =	shalt  }
0x80: {  	_ =	shalt  }
0x81: {  	_ =	shalt  }
0x82: {  	_ =	shalt  }
0x83: {  	_ =	shalt  }
0x84: {  	_ =	shalt  }
0x85: {  	_ =	shalt  }
0x86: {  	_ =	shalt  }
0x87: {  	_ =	shalt  }
.Lfunc_end0:
.L_simem_size_0:
called_computation.4_lowered:
.L_overlay_start_0:
0x88: {  	s2 =	sld [smem:$0x3FD9]  }
0x89: {  	s3 =	sld [smem:$0x3FFE];
	_ =	sdelay $0x1  }
0x8a: {  	s1 =	srdreg.scid  }
0x8b: {  	s0 =	sand.u32 $0x1, s1  }
0x8c: {  	s17 =	sshll.u32 s0, $0xA;
	s2 =	sadd.s32 s3, s2  }
0x8d: {  	s2 =	sadd.s32 s2, s17  }
0x8e: {  	[smem:$0x3FBA] =	sst s2  }
0x8f: {  	_ = 	snop  }
0x90: {  	s2 =	sld [smem:$0x3FD0];
	(tm) =	ssettm $0x1  }
0x91: {  	s18 =	sld [smem:$0x3FFB];
	_ =	sdelay $0x3  }
0x92: {  	_ =	strace s18  }
0x93: {  	s3 =	sld [smem:$0x3FFC];
	_ =	sdelay $0x3  }
0x94: {  	_ =	strace s3  }
0x95: {  	s3 =	sld [smem:$0x3FFD];
	_ =	sdelay $0x3  }
0x96: {  	_ =	strace s3  }
0x97: {  	_ =	strace $0x8FFFFFFF  }
0x98: {  	s19 =	sld [smem:$0x3FDB];
	_ =	sdelay $0x1  }
0x99: {  	s4 =	simm.s32 $_scs_section_size  }
0x9a: {  	s5 =	simm.s32 $_size__tile_overlayer_lowered;
	s6 =	simm.s32 $_tile_overlayer_lowered  }
0x9b: {  	s22 =	simm.s32 $0x1BFF;
	s21 =	sshll.u32 s6, $0x1;
	s3 =	sadd.s32 s4, s19  }
0x9c: {  	s7 =	simm.s32 $0x0;
	s20 =	sshll.u32 s5, $0x1;
	s5 =	sadd.s32 s21, s3  }
0x9d: {  	[timem:s7], [sflag:s22] =	dma.local [hbm:s5], s20  }
0x9e: {  	_ =	swait.ge [sflag:s22], s20  }
0x9f: {  	s4 =	ssub.s32 $0x0, s20;
	[sflag:s22] =	ssyncset.done $0x0  }
0xa0: {  	[sflag:s22] =	ssyncadd.s32 s4;
	_ =	sdelay $0x1  }
0xa1: {  	s23 =	simm.s32 $0x1B8B  }
0xa2: {  	_ =	swait.ge [sflag:s23], $0x1  }
0xa3: {  	[sflag:s23] =	ssyncset.done $0x0  }
0xa4: {  	s25 =	simm.s32 $0x1B8E;
	s24 =	sld [smem:$0x3FFE];
	[sflag:s23] =	ssyncadd.s32 $0xFFFFFFFF  }
0xa5: {  	s26 =	simm.s32 $execute0_lowered;
	[smem:$0x3FD2] =	sst s25  }
0xa6: {  	s5 =	sshll.u32 s26, $0x1;
	_ =	strace $0x80000052;
	[dreg:$0x1] =	wrdreg $0xFFFFFFFF  }
0xa7: {  	s28 =	simm.s32 $_size_execute0_lowered;
	s3 =	sadd.s32 s3, s5;
	[dreg:$0x0] =	wrdreg $0x0  }
0xa8: {  	s5 =	sshll.u32 s28, $0x1;
	[dreg:$0x2] =	wrdreg s3  }
0xa9: {  	[dreg:$0x3] =	wrdreg s5  }
0xaa: {  	[dreg:$0x4] =	wrdreg $0xC0  }
0xab: {  	_ =	task [dreg:s7], $0x5FFFF  }
0xac: {  	[dreg:$0x1] =	wrdreg $0xFFFFFFFF  }
0xad: {  	[dreg:$0x0] =	wrdreg $0x60  }
0xae: {  	[dreg:$0x2] =	wrdreg s2  }
0xaf: {  	[dreg:$0x3] =	wrdreg s24  }
0xb0: {  	[dreg:$0x4] =	wrdreg $0x9D000  }
0xb1: {  	[dreg:$0x5] =	wrdreg $0x9  }
0xb2: {  	_ =	task.clear_ibuf [dreg:s7], $0x6FFFF;
	_ =	strace $0x90000052  }
0xb3: {  	s29 =	simm.s32 $0x9;
	_ =	strace $0x80000054  }
0xb4: {  	_ =	swait.ge [sflag:s29], $0x1  }
0xb5: {  	[sflag:s29] =	ssyncadd.s32 $0xFFFFFFFF  }
0xb6: {  	_ =	strace $0x90000054  }
0xb7: {  	_ =	sfence  }
0xb8: {  	s30 =	sld [smem:$0x0];
	_ =	sdelay $0x2  }
0xb9: {  	s31 =	sshll.u32 s1, $0xD;
	s1 =	sshrl.u32 s1, $0x2  }
0xba: {  	s3 =	sand.u32 $0x4000, s31;
	s1 =	sadd.s32 s1, s30  }
0xbb: {  	s0 =	sor.u32 s3, s0;
	s1 =	sshll.u32 s1, $0x11  }
0xbc: {  	s0 =	sor.u32 s1, s0  }
0xbd: {  	s0 =	sadd.s32 $0x8F2B, s0  }
0xbe: {  	[sflag:s0] =	ssyncadd.remote.s32 $0x1  }
0xbf: {  	_ =	sfence.sel $0xFFFF  }
0xc0: {  	[dreg:$0x0] =	wrdreg $0xFFFFFFFF;
	(pc) =	sbr.abs _section_cstart, $3  }
0xc1: {  	[dreg:$0x1] =	wrdreg $0xFFFFFFFF  }
0xc2: {  	_ =	task.clear_ibuf [dreg:s7], $0x2FFFF;
	_ =	strace $0x9FFFFFFF  }
0xc3: {  	(tm) =	ssettm $0x7FFFFFFF  }
tec
execute0_lowered:
.L_overlay_start_1:
0x0: {  	(tag) =	ssettag $0x1  }
0x1: {  	s2 =	rddreg [dreg:$0x0]  }
0x2: {  	s1 =	srdreg.scid;
	s8 =	rddreg [dreg:$0x1]  }
0x3: {  	s0 =	stileid.u32;
	s4 =	rddreg [dreg:$0x2]  }
0x4: {  	s5 =	simm.s32 $0x0;
	s15 =	simm.s32 $0x5;
	s16 =	simm.s32 $0x3400  }
0x5: {  	s17 =	simm.s32 $0x64;
	s18 =	simm.s32 $0x3500;
	s19 =	simm.s32 $0x3480  }
0x6: {  	s20 =	simm.s32 $0x6900;
	s21 =	simm.s32 $0x1;
	s22 =	simm.s32 $0x3  }
0x7: {  	s23 =	simm.s32 $0x2;
	s24 =	simm.s32 $0x4;
	s25 =	simm.s32 $0x3180  }
0x8: {  	s26 =	simm.s32 $0x0;
	s1 =	sand.u32 $0x1, s1;
	s7 =	smul.u32 $0x14000, s0  }
0x9: {  	s3 =	sshll.u32 s0, $0x1;
	[smem:$0x7FF] =	sst s5;
	s12 =	smul.u32 $0x50000, s0  }
0xa: {  	s13 =	sshll.u32 s0, $0x6;
	s3 =	sor.u32 s1, s3;
	s6 =	smul.u32 $0x140000, s1  }
0xb: {  	_ =	strace $0x80000053;
	s1 =	ssub.s32 $0x2, s1;
	s3 =	smul.u32 $0x3400, s3  }
0xc: {  	s31 =	sshrl.u32 s1, $0x1;
	s12 =	sshrl.u32 s12, $0x2;
	s7 =	sadd.s32 s7, s6  }
0xd: {  	s6 =	sadd.s32 $0x3E00, s8;
	s1 =	ssub.s32 s1, s31;
	s14 =	sadd.s32 s12, s4  }
0xe: {  	s10 =	sshrl.u32 s3, $0x3;
	s11 =	sshrl.u32 s7, $0x3;
	s7 =	sadd.s32 $0x10E00, s8  }
0xf: {  	s12 =	smax.u32 s1, $0x1;
	s14 =	sshrl.u32 s14, $0x3;
	s9 =	sadd.s32 s10, s8  }
0x10: {  	s11 =	sadd.s32 s11, s8;
	s8 =	sor.u32 $0x1C05, s13;
	s10 =	sadd.s32 s6, s10  }
0x11: {  	s9 =	sadd.s32 $0x63E00, s9;
	s11 =	sadd.s32 $0x13600, s11;
	s13 =	sadd.s32 $0x630, s10  }
.LBB2_1:
0x12: {  	[spmem:s14], [sflag:s8] =	dma.local [hbm:s7], $0x2800  }
0x13: {  	_ =	swait.ge [sflag:s15], $0x2800  }
0x14: {  	[sflag:s15] =	ssyncset.done $0x0  }
0x15: {  	[sflag:s15] =	ssyncadd.s32 $0xFFFFD800  }
0x16: {  	[tilespmem:s5], [sflag:$0x5] =	stream.linear.gather [hbm4b:s9+s5], $0x3200, $0x38;
	[tilespmem:$0x1DD00] =	vst v63  }
0x17: {  	s1 =	simm.s32 $0x0;
	_ =	swait.ge [sflag:s15], $0x3200  }
0x18: {  	s28 =	simm.s32 $0x80;
	s1 =	sand.u32 $0x3C00, s1;
	[sflag:s15] =	ssyncset.done $0x0  }
0x19: {  	s28 =	sand.u32 $0x380, s28;
	s1 =	sadd.s32 s3, s1;
	[sflag:s15] =	ssyncadd.s32 $0xFFFFCE00  }
0x1a: {  	s1 =	sor.u32 s1, s28;
	[bflag:$0x0] =	sbarrier.arrive $0xFFFF  }
0x1b: {  	[tilespmem:s16], [sflag:$0x3] =	stream.linear.gather [hbm4b:s10+s5], $0x80, $0x38;
	[tilespmem:$0x1DD00] =	vst v63  }
0x1c: {  	s1 =	sshrl.u32 s1, $0x3  }
0x1d: {  	[tilespmem:s18], [sflag:$0x1] =	stream.indirect.gather [hbm4b:s2+s17], $0x80, s5, s17, $0xb8;
	[tilespmem:$0x1DD00] =	vst v63  }
0x1e: {  	s1 =	sadd.s32 s6, s1  }
0x1f: {  	[tilespmem:s19], [sflag:$0x4] =	stream.linear.gather [hbm4b:s1+s5], $0x80, $0x38;
	[tilespmem:$0x1DD00] =	vst v63  }
0x20: {  	s28 =	simm.s32 $0x80  }
0x21: {  	[tilespmem:s20], [sflag:$0x2] =	stream.indirect.gather [hbm4b:s2+s17], $0x80, s28, s17, $0xb8;
	[tilespmem:$0x1DD00] =	vst v63  }
0x22: {  	_ =	swait.ge [sflag:s21], $0x3200  }
0x23: {  	[sflag:s21] =	ssyncset.done $0x0  }
0x24: {  	[sflag:s21] =	ssyncadd.s32 $0xFFFFCE00  }
0x25: {  	s0 =	simm.s32 $0x100;
	_ =	swait.ge [sflag:s22], $0x80  }
0x26: {  	s29 =	sand.u32 $0x7C00, s0;
	[sflag:s22] =	ssyncset.done $0x0  }
0x27: {  	s29 =	sadd.s32 s3, s29;
	s1 =	sand.u32 $0x300, s0;
	[sflag:s22] =	ssyncadd.s32 $0xFFFFFF80  }
0x28: {  	[spmem:s4] =	stream.indirect.scatter.add.f32 [tilespmem:s18], [sflag:$0x5], $0x80, s16, s17, $0xb8;
	[tilespmem:$0x1DD00] =	vst v63  }
0x29: {  	s1 =	sor.u32 s1, s29;
	_ =	swait.ge [sflag:s15], $0x3200  }
0x2a: {  	s1 =	sshrl.u32 s1, $0x3;
	[sflag:s15] =	ssyncset.done $0x0  }
0x2b: {  	s1 =	sadd.s32 s6, s1;
	[sflag:s15] =	ssyncadd.s32 $0xFFFFCE00  }
0x2c: {  	[tilespmem:s16], [sflag:$0x3] =	stream.linear.gather [hbm4b:s1+s5], $0x80, $0x38;
	[tilespmem:$0x1DD00] =	vst v63  }
0x2d: {  	s0 =	simm.s32 $0x100  }
0x2e: {  	[tilespmem:s18], [sflag:$0x1] =	stream.indirect.gather [hbm4b:s2+s17], $0x80, s0, s17, $0xb8;
	[tilespmem:$0x1DD00] =	vst v63  }
0x2f: {  	s0 =	simm.s32 $0x100;
	_ =	swait.ge [sflag:s23], $0x3200  }
0x30: {  	s29 =	simm.s32 $0x180;
	s1 =	sand.u32 $0x3C00, s0;
	[sflag:s23] =	ssyncset.done $0x0  }
0x31: {  	s30 =	sand.u32 $0x380, s29;
	s1 =	sadd.s32 s3, s1;
	[sflag:s23] =	ssyncadd.s32 $0xFFFFCE00  }
0x32: {  	s29 =	simm.s32 $0x200;
	s1 =	sor.u32 s1, s30;
	_ =	swait.ge [sflag:s24], $0x80  }
0x33: {  	s30 =	simm.s32 $0x300;
	s31 =	sshrl.u32 s1, $0x3;
	[sflag:s24] =	ssyncset.done $0x0  }
.LBB2_2:
0x34: {  	[sflag:s24] =	ssyncadd.s32 $0xFFFFFF80  }
0x35: {  	s28 =	sadd.s32 $0x100, s28;
	s0 =	smov.u32 s30;
	s1 =	sadd.s32 $0x100, s30  }
0x36: {  	[spmem:s4] =	stream.indirect.scatter.add.f32 [tilespmem:s20], [sflag:$0x5], $0x80, s19, s17, $0xb8;
	[tilespmem:$0x1DD00] =	vst v63  }
0x37: {  	p0 =	sne.s32 s30, $0x3100;
	_ =	swait.ge [sflag:s15], $0x3200  }
0x38: {  	s30 =	sadd.s32 s6, s31;
	[sflag:s15] =	ssyncset.done $0x0  }
0x39: {  	[sflag:s15] =	ssyncadd.s32 $0xFFFFCE00  }
0x3a: {  	[tilespmem:s19], [sflag:$0x4] =	stream.linear.gather [hbm4b:s30+s5], $0x80, $0x38;
	[tilespmem:$0x1DD00] =	vst v63  }
0x3b: {  	_ = 	snop  }
0x3c: {  	[tilespmem:s20], [sflag:$0x2] =	stream.indirect.gather [hbm4b:s2+s17], $0x80, s28, s17, $0xb8;
	[tilespmem:$0x1DD00] =	vst v63  }
0x3d: {  	_ =	swait.ge [sflag:s21], $0x3200  }
0x3e: {  	[sflag:s21] =	ssyncset.done $0x0  }
0x3f: {  	[sflag:s21] =	ssyncadd.s32 $0xFFFFCE00  }
0x40: {  	_ =	swait.ge [sflag:s22], $0x80  }
0x41: {  	s30 =	sand.u32 $0x7C00, s29;
	[sflag:s22] =	ssyncset.done $0x0  }
0x42: {  	s29 =	sand.u32 $0x300, s29;
	s30 =	sadd.s32 s3, s30;
	[sflag:s22] =	ssyncadd.s32 $0xFFFFFF80  }
0x43: {  	[spmem:s4] =	stream.indirect.scatter.add.f32 [tilespmem:s18], [sflag:$0x5], $0x80, s16, s17, $0xb8;
	[tilespmem:$0x1DD00] =	vst v63  }
0x44: {  	s30 =	sor.u32 s29, s30;
	s29 =	smov.u32 s0;
	_ =	swait.ge [sflag:s15], $0x3200  }
0x45: {  	s0 =	sshrl.u32 s30, $0x3;
	[sflag:s15] =	ssyncset.done $0x0  }
0x46: {  	s30 =	sadd.s32 $0x80, s28;
	s0 =	sadd.s32 s6, s0;
	[sflag:s15] =	ssyncadd.s32 $0xFFFFCE00  }
0x47: {  	[tilespmem:s16], [sflag:$0x3] =	stream.linear.gather [hbm4b:s0+s5], $0x80, $0x38;
	[tilespmem:$0x1DD00] =	vst v63  }
0x48: {  	_ = 	snop  }
0x49: {  	[tilespmem:s18], [sflag:$0x1] =	stream.indirect.gather [hbm4b:s2+s17], $0x80, s30, s17, $0xb8;
	[tilespmem:$0x1DD00] =	vst v63  }
.Ltmp0:
0x4a: {  	s0 =	sadd.s32 $0xFFFFFF00, s29;
	_ =	swait.ge [sflag:s23], $0x3200;
	(pc) =	sbr.rel @p0 .LBB2_2-.Ltmp0, $4  }
0x4b: {  	s0 =	sand.u32 $0x3C00, s0;
	s30 =	sadd.s32 $0xFFFFFF80, s29;
	[sflag:s23] =	ssyncset.done $0x0  }
0x4c: {  	s0 =	sadd.s32 s3, s0;
	s30 =	sand.u32 $0x380, s30;
	[sflag:s23] =	ssyncadd.s32 $0xFFFFCE00  }
0x4d: {  	s0 =	sor.u32 s0, s30;
	_ =	swait.ge [sflag:s24], $0x80  }
0x4e: {  	s30 =	smov.u32 s1;
	s31 =	sshrl.u32 s0, $0x3;
	[sflag:s24] =	ssyncset.done $0x0  }
0x4f: {  	[sflag:s24] =	ssyncadd.s32 $0xFFFFFF80  }
0x50: {  	[spmem:s4] =	stream.indirect.scatter.add.f32 [tilespmem:s20], [sflag:$0x5], $0x80, s19, s17, $0xb8;
	[tilespmem:$0x1DD00] =	vst v63  }
0x51: {  	_ =	swait.ge [sflag:s15], $0x3200  }
0x52: {  	[sflag:s15] =	ssyncset.done $0x0  }
0x53: {  	s0 =	sadd.s32 s6, s31;
	[sflag:s15] =	ssyncadd.s32 $0xFFFFCE00  }
0x54: {  	[tilespmem:s19], [sflag:$0x4] =	stream.linear.gather [hbm4b:s0+s5], $0x80, $0x38;
	[tilespmem:$0x1DD00] =	vst v63  }
0x55: {  	s30 =	sadd.s32 $0x100, s28  }
0x56: {  	[tilespmem:s20], [sflag:$0x2] =	stream.indirect.gather [hbm4b:s2+s17], $0x80, s30, s17, $0xb8;
	[tilespmem:$0x1DD00] =	vst v63  }
0x57: {  	_ =	swait.ge [sflag:s21], $0x3200  }
0x58: {  	[sflag:s21] =	ssyncset.done $0x0  }
0x59: {  	[sflag:s21] =	ssyncadd.s32 $0xFFFFCE00  }
0x5a: {  	_ =	swait.ge [sflag:s22], $0x80  }
0x5b: {  	s1 =	sand.u32 $0x7C00, s29;
	[sflag:s22] =	ssyncset.done $0x0  }
0x5c: {  	s31 =	sand.u32 $0x300, s29;
	s1 =	sadd.s32 s3, s1;
	[sflag:s22] =	ssyncadd.s32 $0xFFFFFF80  }
0x5d: {  	[spmem:s4] =	stream.indirect.scatter.add.f32 [tilespmem:s18], [sflag:$0x5], $0x80, s16, s17, $0xb8;
	[tilespmem:$0x1DD00] =	vst v63  }
0x5e: {  	s1 =	sor.u32 s31, s1;
	_ =	swait.ge [sflag:s15], $0x3200  }
0x5f: {  	s1 =	sshrl.u32 s1, $0x3;
	[sflag:s15] =	ssyncset.done $0x0  }
0x60: {  	s1 =	sadd.s32 s6, s1;
	[sflag:s15] =	ssyncadd.s32 $0xFFFFCE00  }
0x61: {  	[tilespmem:s16], [sflag:$0x3] =	stream.linear.gather [hbm4b:s1+s5], $0x80, $0x38;
	[tilespmem:$0x1DD00] =	vst v63  }
0x62: {  	s0 =	sadd.s32 $0x80, s30  }
0x63: {  	[tilespmem:s18], [sflag:$0x1] =	stream.indirect.gather [hbm4b:s2+s17], $0x80, s0, s17, $0xb8;
	[tilespmem:$0x1DD00] =	vst v63  }
0x64: {  	_ =	swait.ge [sflag:s23], $0x3200  }
0x65: {  	[sflag:s23] =	ssyncset.done $0x0  }
0x66: {  	[sflag:s23] =	ssyncadd.s32 $0xFFFFCE00  }
0x67: {  	_ =	swait.ge [sflag:s24], $0x80  }
0x68: {  	[sflag:s24] =	ssyncset.done $0x0  }
0x69: {  	[sflag:s24] =	ssyncadd.s32 $0xFFFFFF80  }
0x6a: {  	[spmem:s4] =	stream.indirect.scatter.add.f32 [tilespmem:s20], [sflag:$0x5], $0x80, s19, s17, $0xb8;
	[tilespmem:$0x1DD00] =	vst v63  }
0x6b: {  	_ =	swait.ge [sflag:s15], $0x3200  }
0x6c: {  	[sflag:s15] =	ssyncset.done $0x0  }
0x6d: {  	[sflag:s15] =	ssyncadd.s32 $0xFFFFCE00  }
0x6e: {  	[tilespmem:s19], [sflag:$0x4] =	stream.linear.gather [hbm4b:s13+s5], $0x80, $0x38;
	[tilespmem:$0x1DD00] =	vst v63  }
0x6f: {  	_ = 	snop  }
0x70: {  	[tilespmem:s20], [sflag:$0x2] =	stream.indirect.gather [hbm4b:s2+s17], $0x80, s25, s17, $0xb8;
	[tilespmem:$0x1DD00] =	vst v63  }
0x71: {  	_ =	swait.ge [sflag:s21], $0x3200  }
0x72: {  	[sflag:s21] =	ssyncset.done $0x0  }
0x73: {  	[sflag:s21] =	ssyncadd.s32 $0xFFFFCE00  }
0x74: {  	_ =	swait.ge [sflag:s22], $0x80  }
0x75: {  	[sflag:s22] =	ssyncset.done $0x0  }
0x76: {  	[sflag:s22] =	ssyncadd.s32 $0xFFFFFF80  }
0x77: {  	[spmem:s4] =	stream.indirect.scatter.add.f32 [tilespmem:s18], [sflag:$0x5], $0x80, s16, s17, $0xb8;
	[tilespmem:$0x1DD00] =	vst v63  }
0x78: {  	_ =	swait.ge [sflag:s15], $0x3200  }
0x79: {  	[sflag:s15] =	ssyncset.done $0x0  }
0x7a: {  	[sflag:s15] =	ssyncadd.s32 $0xFFFFCE00  }
0x7b: {  	_ =	swait.ge [sflag:s23], $0x3200  }
0x7c: {  	[sflag:s23] =	ssyncset.done $0x0  }
0x7d: {  	[sflag:s23] =	ssyncadd.s32 $0xFFFFCE00  }
0x7e: {  	_ =	swait.ge [sflag:s24], $0x80  }
0x7f: {  	[sflag:s24] =	ssyncset.done $0x0  }
0x80: {  	[sflag:s24] =	ssyncadd.s32 $0xFFFFFF80  }
0x81: {  	[spmem:s4] =	stream.indirect.scatter.add.f32 [tilespmem:s20], [sflag:$0x5], $0x80, s19, s17, $0xb8;
	[tilespmem:$0x1DD00] =	vst v63  }
0x82: {  	_ =	swait.ge [sflag:s15], $0x3200  }
0x83: {  	s26 =	sadd.s32 $0x1, s26;
	[sflag:s15] =	ssyncset.done $0x0  }
0x84: {  	p0 =	sne.s32 s26, s12;
	[sflag:s15] =	ssyncadd.s32 $0xFFFFCE00  }
.Ltmp1:
0x85: {  	[bflag:$0x0] =	sbarrier.arrive $0xFFFF;
	(pc) =	sbr.rel @p0 .LBB2_1-.Ltmp1, $4  }
0x86: {  	[hbm:s11], [sflag:s8] =	dma.local [spmem:s14], $0x2800  }
0x87: {  	_ =	swait.ge [sflag:s15], $0x2800  }
0x88: {  	[sflag:s15] =	ssyncset.done $0x0  }
0x89: {  	[sflag:s15] =	ssyncadd.s32 $0xFFFFD800  }
0x8a: {  	_ =	sfence.sel $0x180000  }
0x8b: {  	[bflag:$0x0] =	sbarrier.arrive $0xFFFF  }
0x8c: {  	_ =	strace $0x90000053  }
0x8d: {  	s0 =	stileid.u32;
	[bflag:$0x2] =	sbarrier.arrive $0xFFFF  }
0x8e: {  	p0 =	sne.s32 s0, $0x0;
	s0 =	rddreg [dreg:$0x3]  }
0x8f: {  	s0 =	sadd.s32 @!p0 $0x100000, s0  }
0x90: {  	[sflag:s0] =	ssyncadd.tile.s32 @!p0 $0x1;
	_ =	shalt  }
.Lfunc_end2:
_tile_overlayer_lowered:
.L_overlay_start_2:
0x91: {  	(tag) =	ssettag $0x2  }
0x92: {  	s0 =	rddreg [dreg:$0x0];
	s2 =	stileid.u32  }
0x93: {  	s1 =	rddreg [dreg:$0x1];
	p0 =	sne.s32 s2, $0x0  }
0x94: {  	s3 =	rddreg [dreg:$0x2];
	[bflag:$0x3] =	sbarrier.arrive $0xFFFF;
	s2 =	simm.s32 @!p0 $0x1C05  }
0x95: {  	[timem:s3], [sflag:s2] =	dma.local @!p0 [hbm:s0], s1  }
0x96: {  	s0 =	simm.s32 @!p0 $0x5  }
0x97: {  	_ =	swait.ge @!p0 [sflag:s0], s1  }
0x98: {  	s1 =	ssub.s32 @!p0 $0x0, s1;
	[sflag:s0] =	ssyncset.done @!p0 $0x0  }
0x99: {  	[sflag:s0] =	ssyncadd.s32 @!p0 s1  }
0x9a: {  	[bflag:$0x3] =	sbarrier.arrive $0xFFFF  }
0x9b: {  	_ =	shalt  }

</sc_bundles>
